<compile_context>
chip_gen: v7x
topology: tpu7x:2x2x1
jax: 0.10.2.dev20260603
libtpu: 0.0.44.dev20260713+nightly
codegen_flags: <defaults>
</compile_context>

<pallas_src>
import jax
import jax.numpy as jnp
from jax import lax
from jax.experimental import pallas as pl
from jax.experimental.pallas import tpu as pltpu
from jax.experimental.pallas import tpu_sc as plsc

N = 10000
E = 320000
D = 128
NC = 2
NS = 16
L = 16
NPAD = 10240
CHUNK = 80
EPT = E // (NC * NS)
CPT = EPT // CHUNK
G = 5
NG = CPT // G
NSLOT = 2
NBUF = 4
AHEAD = 3
SLAG = NBUF - AHEAD
RPT = NPAD // NS
ZC = 80


def _sc_aggregate(with_deg: bool):
    out_type = [jax.ShapeDtypeStruct((NC, NPAD, D), jnp.float32)]
    if with_deg:
        out_type.append(jax.ShapeDtypeStruct((NC, 1, NPAD), jnp.float32))

    scratch = {
        "sidx": pltpu.VMEM((NSLOT * G * CHUNK,), jnp.int32),
        "didx": pltpu.VMEM((NSLOT * G * CHUNK,), jnp.int32),
        "rows": pltpu.VMEM((NBUF, CHUNK, D), jnp.float32),
        "fbuf": pltpu.VMEM((112,), jnp.float32),
        "acc": pltpu.VMEM_SHARED((NPAD, D), jnp.float32),
        "dacc": pltpu.VMEM_SHARED((NPAD,), jnp.float32),
        "gsem": pltpu.SemaphoreType.DMA((NBUF,)),
        "ssem": pltpu.SemaphoreType.DMA((NBUF,)),
        "dsem": pltpu.SemaphoreType.DMA((2,)),
        "isem": pltpu.SemaphoreType.DMA((NSLOT,)),
    }

    mesh = plsc.VectorSubcoreMesh(core_axis_name="c", subcore_axis_name="s")

    def body(x_hbm, edge_hbm, *outs, sidx, didx, rows, fbuf, acc,
             dacc, gsem, ssem, dsem, isem):
        if with_deg:
            nout, dout = outs
        else:
            (nout,) = outs

        c = lax.axis_index("c")
        s = lax.axis_index("s")
        wid = c * NS + s

        def stage(g, slot):
            base = wid * EPT + g * (G * CHUNK)
            sbase = slot * (G * CHUNK)
            pltpu.async_copy(edge_hbm.at[pl.ds(base, G * CHUNK)],
                             sidx.at[pl.ds(sbase, G * CHUNK)], isem.at[slot])
            pltpu.async_copy(edge_hbm.at[pl.ds(E + base, G * CHUNK)],
                             didx.at[pl.ds(sbase, G * CHUNK)], isem.at[slot])

        def stage_wait(slot):
            for _ in range(2):
                pltpu.make_async_copy(edge_hbm.at[pl.ds(0, G * CHUNK)],
                                      sidx.at[pl.ds(0, G * CHUNK)],
                                      isem.at[slot]).wait()

        def issue_gather(k):
            slot, j, b = (k // G) % NSLOT, k % G, k % NBUF
            pltpu.async_copy(
                x_hbm.at[sidx.at[pl.ds(slot * (G * CHUNK) + j * CHUNK,
                                       CHUNK)]],
                rows.at[b], gsem.at[b])

        def wait_gather(k):
            b = k % NBUF
            pltpu.make_async_copy(x_hbm.at[sidx.at[pl.ds(0, CHUNK)]],
                                  rows.at[b], gsem.at[b]).wait()

        def didx_ref(k):
            slot, j = (k // G) % NSLOT, k % G
            return didx.at[pl.ds(slot * (G * CHUNK) + j * CHUNK, CHUNK)]

        def issue_scatter(k):
            b = k % NBUF
            pltpu.async_copy(rows.at[b], acc.at[didx_ref(k)],
                             ssem.at[b], add=True)

        def wait_scatter(k):
            b = k % NBUF
            pltpu.make_async_copy(rows.at[b], acc.at[didx_ref(0)],
                                  ssem.at[b]).wait()

        def issue_deg(k):
            pltpu.async_copy(ones_src, dacc.at[didx_ref(k)],
                             dsem.at[k % 2], add=True)

        def wait_deg(k):
            pltpu.make_async_copy(ones_src, dacc.at[didx_ref(0)],
                                  dsem.at[k % 2]).wait()

        zero16 = jnp.zeros((L,), jnp.float32)
        for j in range(112 // L):
            fbuf[pl.ds(j * L, L)] = zero16

        stage(0, 0)
        stage(1, 1)

        @pl.loop(0, CHUNK)
        def _zrows(i):
            for j in range(D // L):
                rows[0, i, pl.ds(j * L, L)] = zero16

        zrows = rows.at[0, pl.ds(0, ZC)]
        zdeg = fbuf.at[pl.ds(0, ZC)]
        for k in range(RPT // ZC):
            pltpu.async_copy(zrows, acc.at[pl.ds(s * RPT + k * ZC, ZC)],
                             ssem.at[k % NBUF])
            if with_deg:
                pltpu.async_copy(zdeg, dacc.at[pl.ds(s * RPT + k * ZC, ZC)],
                                 dsem.at[k % 2])
        for k in range(RPT // ZC):
            pltpu.make_async_copy(zrows, acc.at[pl.ds(0, ZC)],
                                  ssem.at[k % NBUF]).wait()
            if with_deg:
                pltpu.make_async_copy(zdeg, dacc.at[pl.ds(0, ZC)],
                                      dsem.at[k % 2]).wait()

        if with_deg:
            one16 = jnp.ones((L,), jnp.float32)
            for j in range(112 // L):
                fbuf[pl.ds(j * L, L)] = one16
        ones_src = fbuf.at[pl.ds(0, CHUNK)]

        stage_wait(0)
        for k in range(AHEAD):
            issue_gather(k)

        plsc.subcore_barrier()

        @pl.loop(0, CPT)
        def _step(k):
            @pl.when(k >= SLAG)
            def _():
                wait_scatter(k - SLAG)

            if with_deg:
                @pl.when(k >= 1)
                def _():
                    wait_deg(k - 1)

            g = k // G

            @pl.when((k % G == 0) & (k > 0) & (g + 1 < NG))
            def _():
                stage(g + 1, (g + 1) % NSLOT)

            @pl.when((k % G == G - AHEAD) & (k + AHEAD < CPT))
            def _():
                stage_wait((g + 1) % NSLOT)

            @pl.when(k + AHEAD < CPT)
            def _():
                issue_gather(k + AHEAD)

            wait_gather(k)
            issue_scatter(k)
            if with_deg:
                issue_deg(k)

        for k in range(CPT - SLAG, CPT):
            wait_scatter(k)
        if with_deg:
            wait_deg(CPT - 1)

        plsc.subcore_barrier()

        pltpu.sync_copy(acc.at[pl.ds(s * RPT, RPT)],
                        nout.at[c, pl.ds(s * RPT, RPT)])
        if with_deg:
            pltpu.sync_copy(dacc.at[pl.ds(s * RPT, RPT)],
                            dout.at[c, 0, pl.ds(s * RPT, RPT)])

    return pl.kernel(
        body,
        out_type=tuple(out_type) if with_deg else out_type[0],
        mesh=mesh,
        scratch_types=scratch,
    )


_sc_agg_deg = _sc_aggregate(with_deg=True)
_sc_agg = _sc_aggregate(with_deg=False)


BR = 2048


def _tc_body(pp, dd, xb, w, b, o):
    ssum = pp[0] + pp[1] + xb[...]
    deg = dd[0, 0] + dd[1, 0]
    inv = 1.0 / (deg + 1.0)
    h = ssum * inv[:, None]
    r = jnp.dot(h, w[...], preferred_element_type=jnp.float32) + b[...][None, :]
    o[...] = jnp.where(r > 0.0, r, jnp.exp(jnp.minimum(r, 0.0)) - 1.0)


def _tc_layer(np2, degp, xs, w, b):
    return pl.pallas_call(
        _tc_body,
        grid=(NPAD // BR,),
        in_specs=[
            pl.BlockSpec((NC, BR, D), lambda i: (0, i, 0)),
            pl.BlockSpec((NC, 1, BR), lambda i: (0, 0, i)),
            pl.BlockSpec((BR, D), lambda i: (i, 0)),
            pl.BlockSpec((D, D), lambda i: (0, 0)),
            pl.BlockSpec((D,), lambda i: (0,)),
        ],
        out_specs=pl.BlockSpec((BR, D), lambda i: (i, 0)),
        out_shape=jax.ShapeDtypeStruct((N, D), jnp.float32),
    )(np2, degp, xs, w, b)


def kernel(x, edge_index, W1, b1, W2, b2):
    edge_flat = edge_index.reshape(2 * E)

    n1, degp = _sc_agg_deg(x, edge_flat)
    h1 = _tc_layer(n1, degp, x, W1, b1)
    n2 = _sc_agg(h1, edge_flat)
    h2 = _tc_layer(n2, degp, h1, W2, b2)
    return h2

# --- scband reference (transcript-rebuilt; emitter-appended) ---
"""Pipeline reference for scband-sage-71098888617994 (READ-ONLY COPY).

The authoritative reference and input builder live on the scoring server;
editing this copy changes nothing except your own understanding.
"""

import jax, jax.numpy as jnp
import numpy as np

N = 10000
E = 320000
D = 128


def setup_inputs(seed: int = 0) -> dict:
    key = jax.random.key(seed)
    k1, k2, k3, k4, k5, k6 = jax.random.split(key, 6)
    x = jax.random.normal(k1, (N, D), dtype=jnp.float32)
    edge_index = jax.random.randint(k2, (2, E), 0, N, dtype=jnp.int32)
    s = 1.0 / np.sqrt(D)
    W1 = jax.random.uniform(k3, (D, D), dtype=jnp.float32, minval=-s, maxval=s)
    b1 = jax.random.uniform(k4, (D,), dtype=jnp.float32, minval=-s, maxval=s)
    W2 = jax.random.uniform(k5, (D, D), dtype=jnp.float32, minval=-s, maxval=s)
    b2 = jax.random.uniform(k6, (D,), dtype=jnp.float32, minval=-s, maxval=s)
    return {"x": x, "edge_index": edge_index, "W1": W1, "b1": b1, "W2": W2, "b2": b2}


def _sage_conv_gcn(x, edge_index, W, b):
    # DGL SAGEConv aggregator_type='gcn', in==out so linear is applied AFTER message passing.
    # Dropout (feat_drop) is identity in eval mode.
    src = edge_index[0]
    dst = edge_index[1]
    msg = jnp.take(x, src, axis=0)                       # gather source features
    neigh = jax.ops.segment_sum(msg, dst, num_segments=N)  # scatter-add to dst nodes
    deg = jax.ops.segment_sum(jnp.ones((E,), dtype=x.dtype), dst, num_segments=N)
    h_neigh = (neigh + x) / (deg[:, None] + 1.0)
    rst = h_neigh @ W + b
    return jax.nn.elu(rst)


def reference(x, edge_index, W1, b1, W2, b2):
    h = _sage_conv_gcn(x, edge_index, W1, b1)
    h = _sage_conv_gcn(h, edge_index, W2, b2)
    return h

if __name__ == "__main__":
    import jax
    _d = setup_inputs()
    print(jax.jit(kernel)(*tuple(_d.values())))

</pallas_src>

<mosaic_0001>
#map = affine_map<(d0, d1) -> (0, 0)>
#map1 = affine_map<(d0, d1) -> (0)>
#map2 = affine_map<(d0, d1) -> (0, 0, 0)>
module attributes {stable_mosaic.version = 14 : i64} {
  func.func @body(%arg0: i32, %arg1: i32, %arg2: memref<10000x128xf32, #tpu.memory_space<hbm>>, %arg3: memref<640000xi32, #tpu.memory_space<hbm>>, %arg4: memref<2x10240x128xf32, #tpu.memory_space<hbm>>, %arg5: memref<10240x128xf32, #tpu.memory_space<vmem_shared>>, %arg6: memref<10240xf32, #tpu.memory_space<vmem_shared>>, %arg7: memref<800xi32, #tpu.memory_space<vmem>>, %arg8: memref<2x!tpu.dma_semaphore, #tpu.memory_space<semaphore_mem>>, %arg9: memref<112xf32, #tpu.memory_space<vmem>>, %arg10: memref<4x!tpu.dma_semaphore, #tpu.memory_space<semaphore_mem>>, %arg11: memref<2x!tpu.dma_semaphore, #tpu.memory_space<semaphore_mem>>, %arg12: memref<4x80x128xf32, #tpu.memory_space<vmem>>, %arg13: memref<800xi32, #tpu.memory_space<vmem>>, %arg14: memref<4x!tpu.dma_semaphore, #tpu.memory_space<semaphore_mem>>) attributes {dimension_semantics = [#tpu.dimension_semantics<core_parallel>, #tpu.dimension_semantics<subcore_parallel>], iteration_bounds = array<i64: 2, 16>, scalar_prefetch = 0 : i64, scratch_operands = 10 : i64, tpu.core_type = #tpu.core_type<sc_vector_subcore>, window_params = [{transform_indices = #map}, {transform_indices = #map1}, {transform_indices = #map2}]} {
    %mul3A = arith.constant 16 : i32
    %mul3A_0 = arith.muli %arg0, %mul3A : i32
    %add3A = arith.addi %mul3A_0, %arg1 : i32
    %broadcast_in_dim3A = arith.constant 0.000000e+00 : f32
    %broadcast_in_dim3A_1 = vector.broadcast %broadcast_in_dim3A : f32 to vector<16xf32>
    %swap3A = arith.constant 0 : index
    %swap3A_2 = tpu.vector_load %arg9[%swap3A] {strides = array<i32>} : memref<112xf32, #tpu.memory_space<vmem>>, vector<16xf32>,
    %swap3A_3 = vector.shape_cast %swap3A_2 : vector<16xf32> to vector<16xf32>
    %swap3A_4 = vector.shape_cast %broadcast_in_dim3A_1 : vector<16xf32> to vector<16xf32>
    tpu.vector_store %arg9[%swap3A], %swap3A_4 {strides = array<i32>} : memref<112xf32, #tpu.memory_space<vmem>>, vector<16xf32>,
    %swap3A_5 = arith.constant 16 : index
    %swap3A_6 = tpu.vector_load %arg9[%swap3A_5] {strides = array<i32>} : memref<112xf32, #tpu.memory_space<vmem>>, vector<16xf32>,
    %swap3A_7 = vector.shape_cast %swap3A_6 : vector<16xf32> to vector<16xf32>
    %swap3A_8 = vector.shape_cast %broadcast_in_dim3A_1 : vector<16xf32> to vector<16xf32>
    tpu.vector_store %arg9[%swap3A_5], %swap3A_8 {strides = array<i32>} : memref<112xf32, #tpu.memory_space<vmem>>, vector<16xf32>,
    %swap3A_9 = arith.constant 32 : index
    %swap3A_10 = tpu.vector_load %arg9[%swap3A_9] {strides = array<i32>} : memref<112xf32, #tpu.memory_space<vmem>>, vector<16xf32>,
    %swap3A_11 = vector.shape_cast %swap3A_10 : vector<16xf32> to vector<16xf32>
    %swap3A_12 = vector.shape_cast %broadcast_in_dim3A_1 : vector<16xf32> to vector<16xf32>
    tpu.vector_store %arg9[%swap3A_9], %swap3A_12 {strides = array<i32>} : memref<112xf32, #tpu.memory_space<vmem>>, vector<16xf32>,
    %swap3A_13 = arith.constant 48 : index
    %swap3A_14 = tpu.vector_load %arg9[%swap3A_13] {strides = array<i32>} : memref<112xf32, #tpu.memory_space<vmem>>, vector<16xf32>,
    %swap3A_15 = vector.shape_cast %swap3A_14 : vector<16xf32> to vector<16xf32>
    %swap3A_16 = vector.shape_cast %broadcast_in_dim3A_1 : vector<16xf32> to vector<16xf32>
    tpu.vector_store %arg9[%swap3A_13], %swap3A_16 {strides = array<i32>} : memref<112xf32, #tpu.memory_space<vmem>>, vector<16xf32>,
    %swap3A_17 = arith.constant 64 : index
    %swap3A_18 = tpu.vector_load %arg9[%swap3A_17] {strides = array<i32>} : memref<112xf32, #tpu.memory_space<vmem>>, vector<16xf32>,
    %swap3A_19 = vector.shape_cast %swap3A_18 : vector<16xf32> to vector<16xf32>
    %swap3A_20 = vector.shape_cast %broadcast_in_dim3A_1 : vector<16xf32> to vector<16xf32>
    tpu.vector_store %arg9[%swap3A_17], %swap3A_20 {strides = array<i32>} : memref<112xf32, #tpu.memory_space<vmem>>, vector<16xf32>,
    %swap3A_21 = arith.constant 80 : index
    %swap3A_22 = tpu.vector_load %arg9[%swap3A_21] {strides = array<i32>} : memref<112xf32, #tpu.memory_space<vmem>>, vector<16xf32>,
    %swap3A_23 = vector.shape_cast %swap3A_22 : vector<16xf32> to vector<16xf32>
    %swap3A_24 = vector.shape_cast %broadcast_in_dim3A_1 : vector<16xf32> to vector<16xf32>
    tpu.vector_store %arg9[%swap3A_21], %swap3A_24 {strides = array<i32>} : memref<112xf32, #tpu.memory_space<vmem>>, vector<16xf32>,
    %swap3A_25 = arith.constant 96 : index
    %swap3A_26 = tpu.vector_load %arg9[%swap3A_25] {strides = array<i32>} : memref<112xf32, #tpu.memory_space<vmem>>, vector<16xf32>,
    %swap3A_27 = vector.shape_cast %swap3A_26 : vector<16xf32> to vector<16xf32>
    %swap3A_28 = vector.shape_cast %broadcast_in_dim3A_1 : vector<16xf32> to vector<16xf32>
    tpu.vector_store %arg9[%swap3A_25], %swap3A_28 {strides = array<i32>} : memref<112xf32, #tpu.memory_space<vmem>>, vector<16xf32>,
    %mul3A_29 = arith.constant 10000 : i32
    %mul3A_30 = arith.muli %add3A, %mul3A_29 : i32
    %add3A_31 = arith.constant 0 : i32
    %add3A_32 = arith.addi %mul3A_30, %add3A_31 : i32
    %dma_start3A = arith.constant 0 : i32
    %dma_start3A_33 = arith.constant 0 : i32
    %dma_start3A_34 = tpu.memref_slice %arg13[%dma_start3A_33] : memref<800xi32, #tpu.memory_space<vmem>> -> memref<400xi32, #tpu.memory_space<vmem>>
    %dma_start3A_35 = tpu.memref_slice %arg3[%add3A_32] : memref<640000xi32, #tpu.memory_space<hbm>> -> memref<400xi32, #tpu.memory_space<hbm>>
    %dma_start3A_36 = tpu.memref_slice %arg11[%dma_start3A] : memref<2x!tpu.dma_semaphore, #tpu.memory_space<semaphore_mem>> -> memref<1x!tpu.dma_semaphore, #tpu.memory_space<semaphore_mem>>
    %dma_start3A_37 = tpu.memref_squeeze %dma_start3A_36 : memref<1x!tpu.dma_semaphore, #tpu.memory_space<semaphore_mem>> -> memref<!tpu.dma_semaphore, #tpu.memory_space<semaphore_mem>>
    %dma_start3A_38 = arith.constant 0 : i32
    %dma_start3A_39 = tpu.memref_slice %arg13[%dma_start3A_38] : memref<800xi32, #tpu.memory_space<vmem>> -> memref<400xi32, #tpu.memory_space<vmem>>
    %dma_start3A_40 = tpu.memref_slice %arg3[%add3A_32] : memref<640000xi32, #tpu.memory_space<hbm>> -> memref<400xi32, #tpu.memory_space<hbm>>
    tpu.enqueue_dma source(%dma_start3A_40 : memref<400xi32, #tpu.memory_space<hbm>>) target(%dma_start3A_39 : memref<400xi32, #tpu.memory_space<vmem>>) target_semaphore(%dma_start3A_37 : memref<!tpu.dma_semaphore, #tpu.memory_space<semaphore_mem>>)
    %add3A_41 = arith.constant 320000 : i32
    %add3A_42 = arith.addi %add3A_41, %add3A_32 : i32
    %dma_start3A_43 = arith.constant 0 : i32
    %dma_start3A_44 = arith.constant 0 : i32
    %dma_start3A_45 = tpu.memref_slice %arg7[%dma_start3A_44] : memref<800xi32, #tpu.memory_space<vmem>> -> memref<400xi32, #tpu.memory_space<vmem>>
    %dma_start3A_46 = tpu.memref_slice %arg3[%add3A_42] : memref<640000xi32, #tpu.memory_space<hbm>> -> memref<400xi32, #tpu.memory_space<hbm>>
    %dma_start3A_47 = tpu.memref_slice %arg11[%dma_start3A_43] : memref<2x!tpu.dma_semaphore, #tpu.memory_space<semaphore_mem>> -> memref<1x!tpu.dma_semaphore, #tpu.memory_space<semaphore_mem>>
    %dma_start3A_48 = tpu.memref_squeeze %dma_start3A_47 : memref<1x!tpu.dma_semaphore, #tpu.memory_space<semaphore_mem>> -> memref<!tpu.dma_semaphore, #tpu.memory_space<semaphore_mem>>
    %dma_start3A_49 = arith.constant 0 : i32
    %dma_start3A_50 = tpu.memref_slice %arg7[%dma_start3A_49] : memref<800xi32, #tpu.memory_space<vmem>> -> memref<400xi32, #tpu.memory_space<vmem>>
    %dma_start3A_51 = tpu.memref_slice %arg3[%add3A_42] : memref<640000xi32, #tpu.memory_space<hbm>> -> memref<400xi32, #tpu.memory_space<hbm>>
    tpu.enqueue_dma source(%dma_start3A_51 : memref<400xi32, #tpu.memory_space<hbm>>) target(%dma_start3A_50 : memref<400xi32, #tpu.memory_space<vmem>>) target_semaphore(%dma_start3A_48 : memref<!tpu.dma_semaphore, #tpu.memory_space<semaphore_mem>>)
    %mul3A_52 = arith.constant 10000 : i32
    %mul3A_53 = arith.muli %add3A, %mul3A_52 : i32
    %add3A_54 = arith.constant 400 : i32
    %add3A_55 = arith.addi %mul3A_53, %add3A_54 : i32
    %dma_start3A_56 = arith.constant 1 : i32
    %dma_start3A_57 = arith.constant 400 : i32
    %dma_start3A_58 = tpu.memref_slice %arg13[%dma_start3A_57] : memref<800xi32, #tpu.memory_space<vmem>> -> memref<400xi32, #tpu.memory_space<vmem>>
    %dma_start3A_59 = tpu.memref_slice %arg3[%add3A_55] : memref<640000xi32, #tpu.memory_space<hbm>> -> memref<400xi32, #tpu.memory_space<hbm>>
    %dma_start3A_60 = tpu.memref_slice %arg11[%dma_start3A_56] : memref<2x!tpu.dma_semaphore, #tpu.memory_space<semaphore_mem>> -> memref<1x!tpu.dma_semaphore, #tpu.memory_space<semaphore_mem>>
    %dma_start3A_61 = tpu.memref_squeeze %dma_start3A_60 : memref<1x!tpu.dma_semaphore, #tpu.memory_space<semaphore_mem>> -> memref<!tpu.dma_semaphore, #tpu.memory_space<semaphore_mem>>
    %dma_start3A_62 = arith.constant 400 : i32
    %dma_start3A_63 = tpu.memref_slice %arg13[%dma_start3A_62] : memref<800xi32, #tpu.memory_space<vmem>> -> memref<400xi32, #tpu.memory_space<vmem>>
    %dma_start3A_64 = tpu.memref_slice %arg3[%add3A_55] : memref<640000xi32, #tpu.memory_space<hbm>> -> memref<400xi32, #tpu.memory_space<hbm>>
    tpu.enqueue_dma source(%dma_start3A_64 : memref<400xi32, #tpu.memory_space<hbm>>) target(%dma_start3A_63 : memref<400xi32, #tpu.memory_space<vmem>>) target_semaphore(%dma_start3A_61 : memref<!tpu.dma_semaphore, #tpu.memory_space<semaphore_mem>>)
    %add3A_65 = arith.constant 320000 : i32
    %add3A_66 = arith.addi %add3A_65, %add3A_55 : i32
    %dma_start3A_67 = arith.constant 1 : i32
    %dma_start3A_68 = arith.constant 400 : i32
    %dma_start3A_69 = tpu.memref_slice %arg7[%dma_start3A_68] : memref<800xi32, #tpu.memory_space<vmem>> -> memref<400xi32, #tpu.memory_space<vmem>>
    %dma_start3A_70 = tpu.memref_slice %arg3[%add3A_66] : memref<640000xi32, #tpu.memory_space<hbm>> -> memref<400xi32, #tpu.memory_space<hbm>>
    %dma_start3A_71 = tpu.memref_slice %arg11[%dma_start3A_67] : memref<2x!tpu.dma_semaphore, #tpu.memory_space<semaphore_mem>> -> memref<1x!tpu.dma_semaphore, #tpu.memory_space<semaphore_mem>>
    %dma_start3A_72 = tpu.memref_squeeze %dma_start3A_71 : memref<1x!tpu.dma_semaphore, #tpu.memory_space<semaphore_mem>> -> memref<!tpu.dma_semaphore, #tpu.memory_space<semaphore_mem>>
    %dma_start3A_73 = arith.constant 400 : i32
    %dma_start3A_74 = tpu.memref_slice %arg7[%dma_start3A_73] : memref<800xi32, #tpu.memory_space<vmem>> -> memref<400xi32, #tpu.memory_space<vmem>>
    %dma_start3A_75 = tpu.memref_slice %arg3[%add3A_66] : memref<640000xi32, #tpu.memory_space<hbm>> -> memref<400xi32, #tpu.memory_space<hbm>>
    tpu.enqueue_dma source(%dma_start3A_75 : memref<400xi32, #tpu.memory_space<hbm>>) target(%dma_start3A_74 : memref<400xi32, #tpu.memory_space<vmem>>) target_semaphore(%dma_start3A_72 : memref<!tpu.dma_semaphore, #tpu.memory_space<semaphore_mem>>)
    %scan3A = arith.constant 0 : i32
    %scan3A_76 = arith.constant 80 : i32
    %scan3A_77 = arith.addi %scan3A, %scan3A_76 : i32
    %scan3A_78 = arith.constant 1 : i32
    scf.for %scan3A_467 = %scan3A to %scan3A_77 step %scan3A_78  : i32 {
      %mul3A_468 = arith.constant 1 : i32
      %mul3A_469 = arith.muli %scan3A_467, %mul3A_468 : i32
      %add3A_470 = arith.constant 0 : i32
      %add3A_471 = arith.addi %add3A_470, %mul3A_469 : i32
      %swap3A_472 = arith.constant 0 : i32
      %swap3A_473 = arith.index_cast %swap3A_472 : i32 to index
      %swap3A_474 = arith.index_cast %add3A_471 : i32 to index
      %swap3A_475 = arith.constant 0 : index
      %swap3A_476 = tpu.vector_load %arg12[%swap3A_473, %swap3A_474, %swap3A_475] {strides = array<i32>} : memref<4x80x128xf32, #tpu.memory_space<vmem>>, vector<1x1x16xf32>,
      %swap3A_477 = vector.shape_cast %swap3A_476 : vector<1x1x16xf32> to vector<16xf32>
      %swap3A_478 = vector.shape_cast %broadcast_in_dim3A_1 : vector<16xf32> to vector<1x1x16xf32>
      tpu.vector_store %arg12[%swap3A_473, %swap3A_474, %swap3A_475], %swap3A_478 {strides = array<i32>} : memref<4x80x128xf32, #tpu.memory_space<vmem>>, vector<1x1x16xf32>,
      %swap3A_479 = arith.constant 0 : i32
      %swap3A_480 = arith.index_cast %swap3A_479 : i32 to index
      %swap3A_481 = arith.index_cast %add3A_471 : i32 to index
      %swap3A_482 = arith.constant 16 : index
      %swap3A_483 = tpu.vector_load %arg12[%swap3A_480, %swap3A_481, %swap3A_482] {strides = array<i32>} : memref<4x80x128xf32, #tpu.memory_space<vmem>>, vector<1x1x16xf32>,
      %swap3A_484 = vector.shape_cast %swap3A_483 : vector<1x1x16xf32> to vector<16xf32>
      %swap3A_485 = vector.shape_cast %broadcast_in_dim3A_1 : vector<16xf32> to vector<1x1x16xf32>
      tpu.vector_store %arg12[%swap3A_480, %swap3A_481, %swap3A_482], %swap3A_485 {strides = array<i32>} : memref<4x80x128xf32, #tpu.memory_space<vmem>>, vector<1x1x16xf32>,
      %swap3A_486 = arith.constant 0 : i32
      %swap3A_487 = arith.index_cast %swap3A_486 : i32 to index
      %swap3A_488 = arith.index_cast %add3A_471 : i32 to index
      %swap3A_489 = arith.constant 32 : index
      %swap3A_490 = tpu.vector_load %arg12[%swap3A_487, %swap3A_488, %swap3A_489] {strides = array<i32>} : memref<4x80x128xf32, #tpu.memory_space<vmem>>, vector<1x1x16xf32>,
      %swap3A_491 = vector.shape_cast %swap3A_490 : vector<1x1x16xf32> to vector<16xf32>
      %swap3A_492 = vector.shape_cast %broadcast_in_dim3A_1 : vector<16xf32> to vector<1x1x16xf32>
      tpu.vector_store %arg12[%swap3A_487, %swap3A_488, %swap3A_489], %swap3A_492 {strides = array<i32>} : memref<4x80x128xf32, #tpu.memory_space<vmem>>, vector<1x1x16xf32>,
      %swap3A_493 = arith.constant 0 : i32
      %swap3A_494 = arith.index_cast %swap3A_493 : i32 to index
      %swap3A_495 = arith.index_cast %add3A_471 : i32 to index
      %swap3A_496 = arith.constant 48 : index
      %swap3A_497 = tpu.vector_load %arg12[%swap3A_494, %swap3A_495, %swap3A_496] {strides = array<i32>} : memref<4x80x128xf32, #tpu.memory_space<vmem>>, vector<1x1x16xf32>,
      %swap3A_498 = vector.shape_cast %swap3A_497 : vector<1x1x16xf32> to vector<16xf32>
      %swap3A_499 = vector.shape_cast %broadcast_in_dim3A_1 : vector<16xf32> to vector<1x1x16xf32>
      tpu.vector_store %arg12[%swap3A_494, %swap3A_495, %swap3A_496], %swap3A_499 {strides = array<i32>} : memref<4x80x128xf32, #tpu.memory_space<vmem>>, vector<1x1x16xf32>,
      %swap3A_500 = arith.constant 0 : i32
      %swap3A_501 = arith.index_cast %swap3A_500 : i32 to index
      %swap3A_502 = arith.index_cast %add3A_471 : i32 to index
      %swap3A_503 = arith.constant 64 : index
      %swap3A_504 = tpu.vector_load %arg12[%swap3A_501, %swap3A_502, %swap3A_503] {strides = array<i32>} : memref<4x80x128xf32, #tpu.memory_space<vmem>>, vector<1x1x16xf32>,
      %swap3A_505 = vector.shape_cast %swap3A_504 : vector<1x1x16xf32> to vector<16xf32>
      %swap3A_506 = vector.shape_cast %broadcast_in_dim3A_1 : vector<16xf32> to vector<1x1x16xf32>
      tpu.vector_store %arg12[%swap3A_501, %swap3A_502, %swap3A_503], %swap3A_506 {strides = array<i32>} : memref<4x80x128xf32, #tpu.memory_space<vmem>>, vector<1x1x16xf32>,
      %swap3A_507 = arith.constant 0 : i32
      %swap3A_508 = arith.index_cast %swap3A_507 : i32 to index
      %swap3A_509 = arith.index_cast %add3A_471 : i32 to index
      %swap3A_510 = arith.constant 80 : index
      %swap3A_511 = tpu.vector_load %arg12[%swap3A_508, %swap3A_509, %swap3A_510] {strides = array<i32>} : memref<4x80x128xf32, #tpu.memory_space<vmem>>, vector<1x1x16xf32>,
      %swap3A_512 = vector.shape_cast %swap3A_511 : vector<1x1x16xf32> to vector<16xf32>
      %swap3A_513 = vector.shape_cast %broadcast_in_dim3A_1 : vector<16xf32> to vector<1x1x16xf32>
      tpu.vector_store %arg12[%swap3A_508, %swap3A_509, %swap3A_510], %swap3A_513 {strides = array<i32>} : memref<4x80x128xf32, #tpu.memory_space<vmem>>, vector<1x1x16xf32>,
      %swap3A_514 = arith.constant 0 : i32
      %swap3A_515 = arith.index_cast %swap3A_514 : i32 to index
      %swap3A_516 = arith.index_cast %add3A_471 : i32 to index
      %swap3A_517 = arith.constant 96 : index
      %swap3A_518 = tpu.vector_load %arg12[%swap3A_515, %swap3A_516, %swap3A_517] {strides = array<i32>} : memref<4x80x128xf32, #tpu.memory_space<vmem>>, vector<1x1x16xf32>,
      %swap3A_519 = vector.shape_cast %swap3A_518 : vector<1x1x16xf32> to vector<16xf32>
      %swap3A_520 = vector.shape_cast %broadcast_in_dim3A_1 : vector<16xf32> to vector<1x1x16xf32>
      tpu.vector_store %arg12[%swap3A_515, %swap3A_516, %swap3A_517], %swap3A_520 {strides = array<i32>} : memref<4x80x128xf32, #tpu.memory_space<vmem>>, vector<1x1x16xf32>,
      %swap3A_521 = arith.constant 0 : i32
      %swap3A_522 = arith.index_cast %swap3A_521 : i32 to index
      %swap3A_523 = arith.index_cast %add3A_471 : i32 to index
      %swap3A_524 = arith.constant 112 : index
      %swap3A_525 = tpu.vector_load %arg12[%swap3A_522, %swap3A_523, %swap3A_524] {strides = array<i32>} : memref<4x80x128xf32, #tpu.memory_space<vmem>>, vector<1x1x16xf32>,
      %swap3A_526 = vector.shape_cast %swap3A_525 : vector<1x1x16xf32> to vector<16xf32>
      %swap3A_527 = vector.shape_cast %broadcast_in_dim3A_1 : vector<16xf32> to vector<1x1x16xf32>
      tpu.vector_store %arg12[%swap3A_522, %swap3A_523, %swap3A_524], %swap3A_527 {strides = array<i32>} : memref<4x80x128xf32, #tpu.memory_space<vmem>>, vector<1x1x16xf32>,
    }
    %scan3A_79 = arith.constant 80 : i32
    %mul3A_80 = arith.constant 640 : i32
    %mul3A_81 = arith.muli %arg1, %mul3A_80 : i32
    %add3A_82 = arith.constant 0 : i32
    %add3A_83 = arith.addi %mul3A_81, %add3A_82 : i32
    %dma_start3A_84 = arith.constant 0 : i32
    %dma_start3A_85 = arith.constant 0 : i32
    %dma_start3A_86 = arith.constant 0 : i32
    %dma_start3A_87 = arith.constant 0 : i32
    %dma_start3A_88 = tpu.memref_slice %arg12[%dma_start3A_84, %dma_start3A_86, %dma_start3A_87] : memref<4x80x128xf32, #tpu.memory_space<vmem>> -> memref<1x80x128xf32, #tpu.memory_space<vmem>>
    %dma_start3A_89 = tpu.memref_squeeze %dma_start3A_88 : memref<1x80x128xf32, #tpu.memory_space<vmem>> -> memref<80x128xf32, #tpu.memory_space<vmem>>
    %dma_start3A_90 = arith.constant 0 : i32
    %dma_start3A_91 = tpu.memref_slice %arg5[%add3A_83, %dma_start3A_90] : memref<10240x128xf32, #tpu.memory_space<vmem_shared>> -> memref<80x128xf32, #tpu.memory_space<vmem_shared>>
    %dma_start3A_92 = tpu.memref_slice %arg14[%dma_start3A_85] : memref<4x!tpu.dma_semaphore, #tpu.memory_space<semaphore_mem>> -> memref<1x!tpu.dma_semaphore, #tpu.memory_space<semaphore_mem>>
    %dma_start3A_93 = tpu.memref_squeeze %dma_start3A_92 : memref<1x!tpu.dma_semaphore, #tpu.memory_space<semaphore_mem>> -> memref<!tpu.dma_semaphore, #tpu.memory_space<semaphore_mem>>
    %dma_start3A_94 = arith.constant 0 : i32
    %dma_start3A_95 = tpu.memref_slice %arg5[%add3A_83, %dma_start3A_94] : memref<10240x128xf32, #tpu.memory_space<vmem_shared>> -> memref<80x128xf32, #tpu.memory_space<vmem_shared>>
    %dma_start3A_96 = arith.constant 0 : i32
    %dma_start3A_97 = arith.constant 0 : i32
    %dma_start3A_98 = tpu.memref_slice %arg12[%dma_start3A_84, %dma_start3A_96, %dma_start3A_97] : memref<4x80x128xf32, #tpu.memory_space<vmem>> -> memref<1x80x128xf32, #tpu.memory_space<vmem>>
    %dma_start3A_99 = tpu.memref_squeeze %dma_start3A_98 : memref<1x80x128xf32, #tpu.memory_space<vmem>> -> memref<80x128xf32, #tpu.memory_space<vmem>>
    tpu.enqueue_dma source(%dma_start3A_99 : memref<80x128xf32, #tpu.memory_space<vmem>>) target(%dma_start3A_95 : memref<80x128xf32, #tpu.memory_space<vmem_shared>>) target_semaphore(%dma_start3A_93 : memref<!tpu.dma_semaphore, #tpu.memory_space<semaphore_mem>>)
    %mul3A_100 = arith.constant 640 : i32
    %mul3A_101 = arith.muli %arg1, %mul3A_100 : i32
    %add3A_102 = arith.constant 80 : i32
    %add3A_103 = arith.addi %mul3A_101, %add3A_102 : i32
    %dma_start3A_104 = arith.constant 0 : i32
    %dma_start3A_105 = arith.constant 1 : i32
    %dma_start3A_106 = arith.constant 0 : i32
    %dma_start3A_107 = arith.constant 0 : i32
    %dma_start3A_108 = tpu.memref_slice %arg12[%dma_start3A_104, %dma_start3A_106, %dma_start3A_107] : memref<4x80x128xf32, #tpu.memory_space<vmem>> -> memref<1x80x128xf32, #tpu.memory_space<vmem>>
    %dma_start3A_109 = tpu.memref_squeeze %dma_start3A_108 : memref<1x80x128xf32, #tpu.memory_space<vmem>> -> memref<80x128xf32, #tpu.memory_space<vmem>>
    %dma_start3A_110 = arith.constant 0 : i32
    %dma_start3A_111 = tpu.memref_slice %arg5[%add3A_103, %dma_start3A_110] : memref<10240x128xf32, #tpu.memory_space<vmem_shared>> -> memref<80x128xf32, #tpu.memory_space<vmem_shared>>
    %dma_start3A_112 = tpu.memref_slice %arg14[%dma_start3A_105] : memref<4x!tpu.dma_semaphore, #tpu.memory_space<semaphore_mem>> -> memref<1x!tpu.dma_semaphore, #tpu.memory_space<semaphore_mem>>
    %dma_start3A_113 = tpu.memref_squeeze %dma_start3A_112 : memref<1x!tpu.dma_semaphore, #tpu.memory_space<semaphore_mem>> -> memref<!tpu.dma_semaphore, #tpu.memory_space<semaphore_mem>>
    %dma_start3A_114 = arith.constant 0 : i32
    %dma_start3A_115 = tpu.memref_slice %arg5[%add3A_103, %dma_start3A_114] : memref<10240x128xf32, #tpu.memory_space<vmem_shared>> -> memref<80x128xf32, #tpu.memory_space<vmem_shared>>
    %dma_start3A_116 = arith.constant 0 : i32
    %dma_start3A_117 = arith.constant 0 : i32
    %dma_start3A_118 = tpu.memref_slice %arg12[%dma_start3A_104, %dma_start3A_116, %dma_start3A_117] : memref<4x80x128xf32, #tpu.memory_space<vmem>> -> memref<1x80x128xf32, #tpu.memory_space<vmem>>
    %dma_start3A_119 = tpu.memref_squeeze %dma_start3A_118 : memref<1x80x128xf32, #tpu.memory_space<vmem>> -> memref<80x128xf32, #tpu.memory_space<vmem>>
    tpu.enqueue_dma source(%dma_start3A_119 : memref<80x128xf32, #tpu.memory_space<vmem>>) target(%dma_start3A_115 : memref<80x128xf32, #tpu.memory_space<vmem_shared>>) target_semaphore(%dma_start3A_113 : memref<!tpu.dma_semaphore, #tpu.memory_space<semaphore_mem>>)
    %mul3A_120 = arith.constant 640 : i32
    %mul3A_121 = arith.muli %arg1, %mul3A_120 : i32
    %add3A_122 = arith.constant 160 : i32
    %add3A_123 = arith.addi %mul3A_121, %add3A_122 : i32
    %dma_start3A_124 = arith.constant 0 : i32
    %dma_start3A_125 = arith.constant 2 : i32
    %dma_start3A_126 = arith.constant 0 : i32
    %dma_start3A_127 = arith.constant 0 : i32
    %dma_start3A_128 = tpu.memref_slice %arg12[%dma_start3A_124, %dma_start3A_126, %dma_start3A_127] : memref<4x80x128xf32, #tpu.memory_space<vmem>> -> memref<1x80x128xf32, #tpu.memory_space<vmem>>
    %dma_start3A_129 = tpu.memref_squeeze %dma_start3A_128 : memref<1x80x128xf32, #tpu.memory_space<vmem>> -> memref<80x128xf32, #tpu.memory_space<vmem>>
    %dma_start3A_130 = arith.constant 0 : i32
    %dma_start3A_131 = tpu.memref_slice %arg5[%add3A_123, %dma_start3A_130] : memref<10240x128xf32, #tpu.memory_space<vmem_shared>> -> memref<80x128xf32, #tpu.memory_space<vmem_shared>>
    %dma_start3A_132 = tpu.memref_slice %arg14[%dma_start3A_125] : memref<4x!tpu.dma_semaphore, #tpu.memory_space<semaphore_mem>> -> memref<1x!tpu.dma_semaphore, #tpu.memory_space<semaphore_mem>>
    %dma_start3A_133 = tpu.memref_squeeze %dma_start3A_132 : memref<1x!tpu.dma_semaphore, #tpu.memory_space<semaphore_mem>> -> memref<!tpu.dma_semaphore, #tpu.memory_space<semaphore_mem>>
    %dma_start3A_134 = arith.constant 0 : i32
    %dma_start3A_135 = tpu.memref_slice %arg5[%add3A_123, %dma_start3A_134] : memref<10240x128xf32, #tpu.memory_space<vmem_shared>> -> memref<80x128xf32, #tpu.memory_space<vmem_shared>>
    %dma_start3A_136 = arith.constant 0 : i32
    %dma_start3A_137 = arith.constant 0 : i32
    %dma_start3A_138 = tpu.memref_slice %arg12[%dma_start3A_124, %dma_start3A_136, %dma_start3A_137] : memref<4x80x128xf32, #tpu.memory_space<vmem>> -> memref<1x80x128xf32, #tpu.memory_space<vmem>>
    %dma_start3A_139 = tpu.memref_squeeze %dma_start3A_138 : memref<1x80x128xf32, #tpu.memory_space<vmem>> -> memref<80x128xf32, #tpu.memory_space<vmem>>
    tpu.enqueue_dma source(%dma_start3A_139 : memref<80x128xf32, #tpu.memory_space<vmem>>) target(%dma_start3A_135 : memref<80x128xf32, #tpu.memory_space<vmem_shared>>) target_semaphore(%dma_start3A_133 : memref<!tpu.dma_semaphore, #tpu.memory_space<semaphore_mem>>)
    %mul3A_140 = arith.constant 640 : i32
    %mul3A_141 = arith.muli %arg1, %mul3A_140 : i32
    %add3A_142 = arith.constant 240 : i32
    %add3A_143 = arith.addi %mul3A_141, %add3A_142 : i32
    %dma_start3A_144 = arith.constant 0 : i32
    %dma_start3A_145 = arith.constant 3 : i32
    %dma_start3A_146 = arith.constant 0 : i32
    %dma_start3A_147 = arith.constant 0 : i32
    %dma_start3A_148 = tpu.memref_slice %arg12[%dma_start3A_144, %dma_start3A_146, %dma_start3A_147] : memref<4x80x128xf32, #tpu.memory_space<vmem>> -> memref<1x80x128xf32, #tpu.memory_space<vmem>>
    %dma_start3A_149 = tpu.memref_squeeze %dma_start3A_148 : memref<1x80x128xf32, #tpu.memory_space<vmem>> -> memref<80x128xf32, #tpu.memory_space<vmem>>
    %dma_start3A_150 = arith.constant 0 : i32
    %dma_start3A_151 = tpu.memref_slice %arg5[%add3A_143, %dma_start3A_150] : memref<10240x128xf32, #tpu.memory_space<vmem_shared>> -> memref<80x128xf32, #tpu.memory_space<vmem_shared>>
    %dma_start3A_152 = tpu.memref_slice %arg14[%dma_start3A_145] : memref<4x!tpu.dma_semaphore, #tpu.memory_space<semaphore_mem>> -> memref<1x!tpu.dma_semaphore, #tpu.memory_space<semaphore_mem>>
    %dma_start3A_153 = tpu.memref_squeeze %dma_start3A_152 : memref<1x!tpu.dma_semaphore, #tpu.memory_space<semaphore_mem>> -> memref<!tpu.dma_semaphore, #tpu.memory_space<semaphore_mem>>
    %dma_start3A_154 = arith.constant 0 : i32
    %dma_start3A_155 = tpu.memref_slice %arg5[%add3A_143, %dma_start3A_154] : memref<10240x128xf32, #tpu.memory_space<vmem_shared>> -> memref<80x128xf32, #tpu.memory_space<vmem_shared>>
    %dma_start3A_156 = arith.constant 0 : i32
    %dma_start3A_157 = arith.constant 0 : i32
    %dma_start3A_158 = tpu.memref_slice %arg12[%dma_start3A_144, %dma_start3A_156, %dma_start3A_157] : memref<4x80x128xf32, #tpu.memory_space<vmem>> -> memref<1x80x128xf32, #tpu.memory_space<vmem>>
    %dma_start3A_159 = tpu.memref_squeeze %dma_start3A_158 : memref<1x80x128xf32, #tpu.memory_space<vmem>> -> memref<80x128xf32, #tpu.memory_space<vmem>>
    tpu.enqueue_dma source(%dma_start3A_159 : memref<80x128xf32, #tpu.memory_space<vmem>>) target(%dma_start3A_155 : memref<80x128xf32, #tpu.memory_space<vmem_shared>>) target_semaphore(%dma_start3A_153 : memref<!tpu.dma_semaphore, #tpu.memory_space<semaphore_mem>>)
    %mul3A_160 = arith.constant 640 : i32
    %mul3A_161 = arith.muli %arg1, %mul3A_160 : i32
    %add3A_162 = arith.constant 320 : i32
    %add3A_163 = arith.addi %mul3A_161, %add3A_162 : i32
    %dma_start3A_164 = arith.constant 0 : i32
    %dma_start3A_165 = arith.constant 0 : i32
    %dma_start3A_166 = arith.constant 0 : i32
    %dma_start3A_167 = arith.constant 0 : i32
    %dma_start3A_168 = tpu.memref_slice %arg12[%dma_start3A_164, %dma_start3A_166, %dma_start3A_167] : memref<4x80x128xf32, #tpu.memory_space<vmem>> -> memref<1x80x128xf32, #tpu.memory_space<vmem>>
    %dma_start3A_169 = tpu.memref_squeeze %dma_start3A_168 : memref<1x80x128xf32, #tpu.memory_space<vmem>> -> memref<80x128xf32, #tpu.memory_space<vmem>>
    %dma_start3A_170 = arith.constant 0 : i32
    %dma_start3A_171 = tpu.memref_slice %arg5[%add3A_163, %dma_start3A_170] : memref<10240x128xf32, #tpu.memory_space<vmem_shared>> -> memref<80x128xf32, #tpu.memory_space<vmem_shared>>
    %dma_start3A_172 = tpu.memref_slice %arg14[%dma_start3A_165] : memref<4x!tpu.dma_semaphore, #tpu.memory_space<semaphore_mem>> -> memref<1x!tpu.dma_semaphore, #tpu.memory_space<semaphore_mem>>
    %dma_start3A_173 = tpu.memref_squeeze %dma_start3A_172 : memref<1x!tpu.dma_semaphore, #tpu.memory_space<semaphore_mem>> -> memref<!tpu.dma_semaphore, #tpu.memory_space<semaphore_mem>>
    %dma_start3A_174 = arith.constant 0 : i32
    %dma_start3A_175 = tpu.memref_slice %arg5[%add3A_163, %dma_start3A_174] : memref<10240x128xf32, #tpu.memory_space<vmem_shared>> -> memref<80x128xf32, #tpu.memory_space<vmem_shared>>
    %dma_start3A_176 = arith.constant 0 : i32
    %dma_start3A_177 = arith.constant 0 : i32
    %dma_start3A_178 = tpu.memref_slice %arg12[%dma_start3A_164, %dma_start3A_176, %dma_start3A_177] : memref<4x80x128xf32, #tpu.memory_space<vmem>> -> memref<1x80x128xf32, #tpu.memory_space<vmem>>
    %dma_start3A_179 = tpu.memref_squeeze %dma_start3A_178 : memref<1x80x128xf32, #tpu.memory_space<vmem>> -> memref<80x128xf32, #tpu.memory_space<vmem>>
    tpu.enqueue_dma source(%dma_start3A_179 : memref<80x128xf32, #tpu.memory_space<vmem>>) target(%dma_start3A_175 : memref<80x128xf32, #tpu.memory_space<vmem_shared>>) target_semaphore(%dma_start3A_173 : memref<!tpu.dma_semaphore, #tpu.memory_space<semaphore_mem>>)
    %mul3A_180 = arith.constant 640 : i32
    %mul3A_181 = arith.muli %arg1, %mul3A_180 : i32
    %add3A_182 = arith.constant 400 : i32
    %add3A_183 = arith.addi %mul3A_181, %add3A_182 : i32
    %dma_start3A_184 = arith.constant 0 : i32
    %dma_start3A_185 = arith.constant 1 : i32
    %dma_start3A_186 = arith.constant 0 : i32
    %dma_start3A_187 = arith.constant 0 : i32
    %dma_start3A_188 = tpu.memref_slice %arg12[%dma_start3A_184, %dma_start3A_186, %dma_start3A_187] : memref<4x80x128xf32, #tpu.memory_space<vmem>> -> memref<1x80x128xf32, #tpu.memory_space<vmem>>
    %dma_start3A_189 = tpu.memref_squeeze %dma_start3A_188 : memref<1x80x128xf32, #tpu.memory_space<vmem>> -> memref<80x128xf32, #tpu.memory_space<vmem>>
    %dma_start3A_190 = arith.constant 0 : i32
    %dma_start3A_191 = tpu.memref_slice %arg5[%add3A_183, %dma_start3A_190] : memref<10240x128xf32, #tpu.memory_space<vmem_shared>> -> memref<80x128xf32, #tpu.memory_space<vmem_shared>>
    %dma_start3A_192 = tpu.memref_slice %arg14[%dma_start3A_185] : memref<4x!tpu.dma_semaphore, #tpu.memory_space<semaphore_mem>> -> memref<1x!tpu.dma_semaphore, #tpu.memory_space<semaphore_mem>>
    %dma_start3A_193 = tpu.memref_squeeze %dma_start3A_192 : memref<1x!tpu.dma_semaphore, #tpu.memory_space<semaphore_mem>> -> memref<!tpu.dma_semaphore, #tpu.memory_space<semaphore_mem>>
    %dma_start3A_194 = arith.constant 0 : i32
    %dma_start3A_195 = tpu.memref_slice %arg5[%add3A_183, %dma_start3A_194] : memref<10240x128xf32, #tpu.memory_space<vmem_shared>> -> memref<80x128xf32, #tpu.memory_space<vmem_shared>>
    %dma_start3A_196 = arith.constant 0 : i32
    %dma_start3A_197 = arith.constant 0 : i32
    %dma_start3A_198 = tpu.memref_slice %arg12[%dma_start3A_184, %dma_start3A_196, %dma_start3A_197] : memref<4x80x128xf32, #tpu.memory_space<vmem>> -> memref<1x80x128xf32, #tpu.memory_space<vmem>>
    %dma_start3A_199 = tpu.memref_squeeze %dma_start3A_198 : memref<1x80x128xf32, #tpu.memory_space<vmem>> -> memref<80x128xf32, #tpu.memory_space<vmem>>
    tpu.enqueue_dma source(%dma_start3A_199 : memref<80x128xf32, #tpu.memory_space<vmem>>) target(%dma_start3A_195 : memref<80x128xf32, #tpu.memory_space<vmem_shared>>) target_semaphore(%dma_start3A_193 : memref<!tpu.dma_semaphore, #tpu.memory_space<semaphore_mem>>)
    %mul3A_200 = arith.constant 640 : i32
    %mul3A_201 = arith.muli %arg1, %mul3A_200 : i32
    %add3A_202 = arith.constant 480 : i32
    %add3A_203 = arith.addi %mul3A_201, %add3A_202 : i32
    %dma_start3A_204 = arith.constant 0 : i32
    %dma_start3A_205 = arith.constant 2 : i32
    %dma_start3A_206 = arith.constant 0 : i32
    %dma_start3A_207 = arith.constant 0 : i32
    %dma_start3A_208 = tpu.memref_slice %arg12[%dma_start3A_204, %dma_start3A_206, %dma_start3A_207] : memref<4x80x128xf32, #tpu.memory_space<vmem>> -> memref<1x80x128xf32, #tpu.memory_space<vmem>>
    %dma_start3A_209 = tpu.memref_squeeze %dma_start3A_208 : memref<1x80x128xf32, #tpu.memory_space<vmem>> -> memref<80x128xf32, #tpu.memory_space<vmem>>
    %dma_start3A_210 = arith.constant 0 : i32
    %dma_start3A_211 = tpu.memref_slice %arg5[%add3A_203, %dma_start3A_210] : memref<10240x128xf32, #tpu.memory_space<vmem_shared>> -> memref<80x128xf32, #tpu.memory_space<vmem_shared>>
    %dma_start3A_212 = tpu.memref_slice %arg14[%dma_start3A_205] : memref<4x!tpu.dma_semaphore, #tpu.memory_space<semaphore_mem>> -> memref<1x!tpu.dma_semaphore, #tpu.memory_space<semaphore_mem>>
    %dma_start3A_213 = tpu.memref_squeeze %dma_start3A_212 : memref<1x!tpu.dma_semaphore, #tpu.memory_space<semaphore_mem>> -> memref<!tpu.dma_semaphore, #tpu.memory_space<semaphore_mem>>
    %dma_start3A_214 = arith.constant 0 : i32
    %dma_start3A_215 = tpu.memref_slice %arg5[%add3A_203, %dma_start3A_214] : memref<10240x128xf32, #tpu.memory_space<vmem_shared>> -> memref<80x128xf32, #tpu.memory_space<vmem_shared>>
    %dma_start3A_216 = arith.constant 0 : i32
    %dma_start3A_217 = arith.constant 0 : i32
    %dma_start3A_218 = tpu.memref_slice %arg12[%dma_start3A_204, %dma_start3A_216, %dma_start3A_217] : memref<4x80x128xf32, #tpu.memory_space<vmem>> -> memref<1x80x128xf32, #tpu.memory_space<vmem>>
    %dma_start3A_219 = tpu.memref_squeeze %dma_start3A_218 : memref<1x80x128xf32, #tpu.memory_space<vmem>> -> memref<80x128xf32, #tpu.memory_space<vmem>>
    tpu.enqueue_dma source(%dma_start3A_219 : memref<80x128xf32, #tpu.memory_space<vmem>>) target(%dma_start3A_215 : memref<80x128xf32, #tpu.memory_space<vmem_shared>>) target_semaphore(%dma_start3A_213 : memref<!tpu.dma_semaphore, #tpu.memory_space<semaphore_mem>>)
    %mul3A_220 = arith.constant 640 : i32
    %mul3A_221 = arith.muli %arg1, %mul3A_220 : i32
    %add3A_222 = arith.constant 560 : i32
    %add3A_223 = arith.addi %mul3A_221, %add3A_222 : i32
    %dma_start3A_224 = arith.constant 0 : i32
    %dma_start3A_225 = arith.constant 3 : i32
    %dma_start3A_226 = arith.constant 0 : i32
    %dma_start3A_227 = arith.constant 0 : i32
    %dma_start3A_228 = tpu.memref_slice %arg12[%dma_start3A_224, %dma_start3A_226, %dma_start3A_227] : memref<4x80x128xf32, #tpu.memory_space<vmem>> -> memref<1x80x128xf32, #tpu.memory_space<vmem>>
    %dma_start3A_229 = tpu.memref_squeeze %dma_start3A_228 : memref<1x80x128xf32, #tpu.memory_space<vmem>> -> memref<80x128xf32, #tpu.memory_space<vmem>>
    %dma_start3A_230 = arith.constant 0 : i32
    %dma_start3A_231 = tpu.memref_slice %arg5[%add3A_223, %dma_start3A_230] : memref<10240x128xf32, #tpu.memory_space<vmem_shared>> -> memref<80x128xf32, #tpu.memory_space<vmem_shared>>
    %dma_start3A_232 = tpu.memref_slice %arg14[%dma_start3A_225] : memref<4x!tpu.dma_semaphore, #tpu.memory_space<semaphore_mem>> -> memref<1x!tpu.dma_semaphore, #tpu.memory_space<semaphore_mem>>
    %dma_start3A_233 = tpu.memref_squeeze %dma_start3A_232 : memref<1x!tpu.dma_semaphore, #tpu.memory_space<semaphore_mem>> -> memref<!tpu.dma_semaphore, #tpu.memory_space<semaphore_mem>>
    %dma_start3A_234 = arith.constant 0 : i32
    %dma_start3A_235 = tpu.memref_slice %arg5[%add3A_223, %dma_start3A_234] : memref<10240x128xf32, #tpu.memory_space<vmem_shared>> -> memref<80x128xf32, #tpu.memory_space<vmem_shared>>
    %dma_start3A_236 = arith.constant 0 : i32
    %dma_start3A_237 = arith.constant 0 : i32
    %dma_start3A_238 = tpu.memref_slice %arg12[%dma_start3A_224, %dma_start3A_236, %dma_start3A_237] : memref<4x80x128xf32, #tpu.memory_space<vmem>> -> memref<1x80x128xf32, #tpu.memory_space<vmem>>
    %dma_start3A_239 = tpu.memref_squeeze %dma_start3A_238 : memref<1x80x128xf32, #tpu.memory_space<vmem>> -> memref<80x128xf32, #tpu.memory_space<vmem>>
    tpu.enqueue_dma source(%dma_start3A_239 : memref<80x128xf32, #tpu.memory_space<vmem>>) target(%dma_start3A_235 : memref<80x128xf32, #tpu.memory_space<vmem_shared>>) target_semaphore(%dma_start3A_233 : memref<!tpu.dma_semaphore, #tpu.memory_space<semaphore_mem>>)
    %dma_wait3A = arith.constant 0 : i32
    %dma_wait3A_240 = arith.constant 0 : i32
    %dma_wait3A_241 = arith.constant 0 : i32
    %dma_wait3A_242 = arith.constant 0 : i32
    %dma_wait3A_243 = tpu.memref_slice %arg12[%dma_wait3A, %dma_wait3A_241, %dma_wait3A_242] : memref<4x80x128xf32, #tpu.memory_space<vmem>> -> memref<1x80x128xf32, #tpu.memory_space<vmem>>
    %dma_wait3A_244 = tpu.memref_squeeze %dma_wait3A_243 : memref<1x80x128xf32, #tpu.memory_space<vmem>> -> memref<80x128xf32, #tpu.memory_space<vmem>>
    %dma_wait3A_245 = arith.constant 0 : i32
    %dma_wait3A_246 = arith.constant 0 : i32
    %dma_wait3A_247 = tpu.memref_slice %arg5[%dma_wait3A_245, %dma_wait3A_246] : memref<10240x128xf32, #tpu.memory_space<vmem_shared>> -> memref<80x128xf32, #tpu.memory_space<vmem_shared>>
    %dma_wait3A_248 = tpu.memref_slice %arg14[%dma_wait3A_240] : memref<4x!tpu.dma_semaphore, #tpu.memory_space<semaphore_mem>> -> memref<1x!tpu.dma_semaphore, #tpu.memory_space<semaphore_mem>>
    %dma_wait3A_249 = tpu.memref_squeeze %dma_wait3A_248 : memref<1x!tpu.dma_semaphore, #tpu.memory_space<semaphore_mem>> -> memref<!tpu.dma_semaphore, #tpu.memory_space<semaphore_mem>>
    %dma_wait3A_250 = arith.constant 0 : i32
    %dma_wait3A_251 = arith.constant 0 : i32
    %dma_wait3A_252 = tpu.memref_slice %arg5[%dma_wait3A_250, %dma_wait3A_251] : memref<10240x128xf32, #tpu.memory_space<vmem_shared>> -> memref<80x128xf32, #tpu.memory_space<vmem_shared>>
    %dma_wait3A_253 = arith.constant 0 : i32
    %dma_wait3A_254 = arith.constant 0 : i32
    %dma_wait3A_255 = tpu.memref_slice %arg12[%dma_wait3A, %dma_wait3A_253, %dma_wait3A_254] : memref<4x80x128xf32, #tpu.memory_space<vmem>> -> memref<1x80x128xf32, #tpu.memory_space<vmem>>
    %dma_wait3A_256 = tpu.memref_squeeze %dma_wait3A_255 : memref<1x80x128xf32, #tpu.memory_space<vmem>> -> memref<80x128xf32, #tpu.memory_space<vmem>>
    tpu.wait_dma2 semaphore(%dma_wait3A_249 : memref<!tpu.dma_semaphore, #tpu.memory_space<semaphore_mem>>) src(%dma_wait3A_256 : memref<80x128xf32, #tpu.memory_space<vmem>>) dst(%dma_wait3A_252 : memref<80x128xf32, #tpu.memory_space<vmem_shared>>)
    %dma_wait3A_257 = arith.constant 0 : i32
    %dma_wait3A_258 = arith.constant 1 : i32
    %dma_wait3A_259 = arith.constant 0 : i32
    %dma_wait3A_260 = arith.constant 0 : i32
    %dma_wait3A_261 = tpu.memref_slice %arg12[%dma_wait3A_257, %dma_wait3A_259, %dma_wait3A_260] : memref<4x80x128xf32, #tpu.memory_space<vmem>> -> memref<1x80x128xf32, #tpu.memory_space<vmem>>
    %dma_wait3A_262 = tpu.memref_squeeze %dma_wait3A_261 : memref<1x80x128xf32, #tpu.memory_space<vmem>> -> memref<80x128xf32, #tpu.memory_space<vmem>>
    %dma_wait3A_263 = arith.constant 0 : i32
    %dma_wait3A_264 = arith.constant 0 : i32
    %dma_wait3A_265 = tpu.memref_slice %arg5[%dma_wait3A_263, %dma_wait3A_264] : memref<10240x128xf32, #tpu.memory_space<vmem_shared>> -> memref<80x128xf32, #tpu.memory_space<vmem_shared>>
    %dma_wait3A_266 = tpu.memref_slice %arg14[%dma_wait3A_258] : memref<4x!tpu.dma_semaphore, #tpu.memory_space<semaphore_mem>> -> memref<1x!tpu.dma_semaphore, #tpu.memory_space<semaphore_mem>>
    %dma_wait3A_267 = tpu.memref_squeeze %dma_wait3A_266 : memref<1x!tpu.dma_semaphore, #tpu.memory_space<semaphore_mem>> -> memref<!tpu.dma_semaphore, #tpu.memory_space<semaphore_mem>>
    %dma_wait3A_268 = arith.constant 0 : i32
    %dma_wait3A_269 = arith.constant 0 : i32
    %dma_wait3A_270 = tpu.memref_slice %arg5[%dma_wait3A_268, %dma_wait3A_269] : memref<10240x128xf32, #tpu.memory_space<vmem_shared>> -> memref<80x128xf32, #tpu.memory_space<vmem_shared>>
    %dma_wait3A_271 = arith.constant 0 : i32
    %dma_wait3A_272 = arith.constant 0 : i32
    %dma_wait3A_273 = tpu.memref_slice %arg12[%dma_wait3A_257, %dma_wait3A_271, %dma_wait3A_272] : memref<4x80x128xf32, #tpu.memory_space<vmem>> -> memref<1x80x128xf32, #tpu.memory_space<vmem>>
    %dma_wait3A_274 = tpu.memref_squeeze %dma_wait3A_273 : memref<1x80x128xf32, #tpu.memory_space<vmem>> -> memref<80x128xf32, #tpu.memory_space<vmem>>
    tpu.wait_dma2 semaphore(%dma_wait3A_267 : memref<!tpu.dma_semaphore, #tpu.memory_space<semaphore_mem>>) src(%dma_wait3A_274 : memref<80x128xf32, #tpu.memory_space<vmem>>) dst(%dma_wait3A_270 : memref<80x128xf32, #tpu.memory_space<vmem_shared>>)
    %dma_wait3A_275 = arith.constant 0 : i32
    %dma_wait3A_276 = arith.constant 2 : i32
    %dma_wait3A_277 = arith.constant 0 : i32
    %dma_wait3A_278 = arith.constant 0 : i32
    %dma_wait3A_279 = tpu.memref_slice %arg12[%dma_wait3A_275, %dma_wait3A_277, %dma_wait3A_278] : memref<4x80x128xf32, #tpu.memory_space<vmem>> -> memref<1x80x128xf32, #tpu.memory_space<vmem>>
    %dma_wait3A_280 = tpu.memref_squeeze %dma_wait3A_279 : memref<1x80x128xf32, #tpu.memory_space<vmem>> -> memref<80x128xf32, #tpu.memory_space<vmem>>
    %dma_wait3A_281 = arith.constant 0 : i32
    %dma_wait3A_282 = arith.constant 0 : i32
    %dma_wait3A_283 = tpu.memref_slice %arg5[%dma_wait3A_281, %dma_wait3A_282] : memref<10240x128xf32, #tpu.memory_space<vmem_shared>> -> memref<80x128xf32, #tpu.memory_space<vmem_shared>>
    %dma_wait3A_284 = tpu.memref_slice %arg14[%dma_wait3A_276] : memref<4x!tpu.dma_semaphore, #tpu.memory_space<semaphore_mem>> -> memref<1x!tpu.dma_semaphore, #tpu.memory_space<semaphore_mem>>
    %dma_wait3A_285 = tpu.memref_squeeze %dma_wait3A_284 : memref<1x!tpu.dma_semaphore, #tpu.memory_space<semaphore_mem>> -> memref<!tpu.dma_semaphore, #tpu.memory_space<semaphore_mem>>
    %dma_wait3A_286 = arith.constant 0 : i32
    %dma_wait3A_287 = arith.constant 0 : i32
    %dma_wait3A_288 = tpu.memref_slice %arg5[%dma_wait3A_286, %dma_wait3A_287] : memref<10240x128xf32, #tpu.memory_space<vmem_shared>> -> memref<80x128xf32, #tpu.memory_space<vmem_shared>>
    %dma_wait3A_289 = arith.constant 0 : i32
    %dma_wait3A_290 = arith.constant 0 : i32
    %dma_wait3A_291 = tpu.memref_slice %arg12[%dma_wait3A_275, %dma_wait3A_289, %dma_wait3A_290] : memref<4x80x128xf32, #tpu.memory_space<vmem>> -> memref<1x80x128xf32, #tpu.memory_space<vmem>>
    %dma_wait3A_292 = tpu.memref_squeeze %dma_wait3A_291 : memref<1x80x128xf32, #tpu.memory_space<vmem>> -> memref<80x128xf32, #tpu.memory_space<vmem>>
    tpu.wait_dma2 semaphore(%dma_wait3A_285 : memref<!tpu.dma_semaphore, #tpu.memory_space<semaphore_mem>>) src(%dma_wait3A_292 : memref<80x128xf32, #tpu.memory_space<vmem>>) dst(%dma_wait3A_288 : memref<80x128xf32, #tpu.memory_space<vmem_shared>>)
    %dma_wait3A_293 = arith.constant 0 : i32
    %dma_wait3A_294 = arith.constant 3 : i32
    %dma_wait3A_295 = arith.constant 0 : i32
    %dma_wait3A_296 = arith.constant 0 : i32
    %dma_wait3A_297 = tpu.memref_slice %arg12[%dma_wait3A_293, %dma_wait3A_295, %dma_wait3A_296] : memref<4x80x128xf32, #tpu.memory_space<vmem>> -> memref<1x80x128xf32, #tpu.memory_space<vmem>>
    %dma_wait3A_298 = tpu.memref_squeeze %dma_wait3A_297 : memref<1x80x128xf32, #tpu.memory_space<vmem>> -> memref<80x128xf32, #tpu.memory_space<vmem>>
    %dma_wait3A_299 = arith.constant 0 : i32
    %dma_wait3A_300 = arith.constant 0 : i32
    %dma_wait3A_301 = tpu.memref_slice %arg5[%dma_wait3A_299, %dma_wait3A_300] : memref<10240x128xf32, #tpu.memory_space<vmem_shared>> -> memref<80x128xf32, #tpu.memory_space<vmem_shared>>
    %dma_wait3A_302 = tpu.memref_slice %arg14[%dma_wait3A_294] : memref<4x!tpu.dma_semaphore, #tpu.memory_space<semaphore_mem>> -> memref<1x!tpu.dma_semaphore, #tpu.memory_space<semaphore_mem>>
    %dma_wait3A_303 = tpu.memref_squeeze %dma_wait3A_302 : memref<1x!tpu.dma_semaphore, #tpu.memory_space<semaphore_mem>> -> memref<!tpu.dma_semaphore, #tpu.memory_space<semaphore_mem>>
    %dma_wait3A_304 = arith.constant 0 : i32
    %dma_wait3A_305 = arith.constant 0 : i32
    %dma_wait3A_306 = tpu.memref_slice %arg5[%dma_wait3A_304, %dma_wait3A_305] : memref<10240x128xf32, #tpu.memory_space<vmem_shared>> -> memref<80x128xf32, #tpu.memory_space<vmem_shared>>
    %dma_wait3A_307 = arith.constant 0 : i32
    %dma_wait3A_308 = arith.constant 0 : i32
    %dma_wait3A_309 = tpu.memref_slice %arg12[%dma_wait3A_293, %dma_wait3A_307, %dma_wait3A_308] : memref<4x80x128xf32, #tpu.memory_space<vmem>> -> memref<1x80x128xf32, #tpu.memory_space<vmem>>
    %dma_wait3A_310 = tpu.memref_squeeze %dma_wait3A_309 : memref<1x80x128xf32, #tpu.memory_space<vmem>> -> memref<80x128xf32, #tpu.memory_space<vmem>>
    tpu.wait_dma2 semaphore(%dma_wait3A_303 : memref<!tpu.dma_semaphore, #tpu.memory_space<semaphore_mem>>) src(%dma_wait3A_310 : memref<80x128xf32, #tpu.memory_space<vmem>>) dst(%dma_wait3A_306 : memref<80x128xf32, #tpu.memory_space<vmem_shared>>)
    %dma_wait3A_311 = arith.constant 0 : i32
    %dma_wait3A_312 = arith.constant 0 : i32
    %dma_wait3A_313 = arith.constant 0 : i32
    %dma_wait3A_314 = arith.constant 0 : i32
    %dma_wait3A_315 = tpu.memref_slice %arg12[%dma_wait3A_311, %dma_wait3A_313, %dma_wait3A_314] : memref<4x80x128xf32, #tpu.memory_space<vmem>> -> memref<1x80x128xf32, #tpu.memory_space<vmem>>
    %dma_wait3A_316 = tpu.memref_squeeze %dma_wait3A_315 : memref<1x80x128xf32, #tpu.memory_space<vmem>> -> memref<80x128xf32, #tpu.memory_space<vmem>>
    %dma_wait3A_317 = arith.constant 0 : i32
    %dma_wait3A_318 = arith.constant 0 : i32
    %dma_wait3A_319 = tpu.memref_slice %arg5[%dma_wait3A_317, %dma_wait3A_318] : memref<10240x128xf32, #tpu.memory_space<vmem_shared>> -> memref<80x128xf32, #tpu.memory_space<vmem_shared>>
    %dma_wait3A_320 = tpu.memref_slice %arg14[%dma_wait3A_312] : memref<4x!tpu.dma_semaphore, #tpu.memory_space<semaphore_mem>> -> memref<1x!tpu.dma_semaphore, #tpu.memory_space<semaphore_mem>>
    %dma_wait3A_321 = tpu.memref_squeeze %dma_wait3A_320 : memref<1x!tpu.dma_semaphore, #tpu.memory_space<semaphore_mem>> -> memref<!tpu.dma_semaphore, #tpu.memory_space<semaphore_mem>>
    %dma_wait3A_322 = arith.constant 0 : i32
    %dma_wait3A_323 = arith.constant 0 : i32
    %dma_wait3A_324 = tpu.memref_slice %arg5[%dma_wait3A_322, %dma_wait3A_323] : memref<10240x128xf32, #tpu.memory_space<vmem_shared>> -> memref<80x128xf32, #tpu.memory_space<vmem_shared>>
    %dma_wait3A_325 = arith.constant 0 : i32
    %dma_wait3A_326 = arith.constant 0 : i32
    %dma_wait3A_327 = tpu.memref_slice %arg12[%dma_wait3A_311, %dma_wait3A_325, %dma_wait3A_326] : memref<4x80x128xf32, #tpu.memory_space<vmem>> -> memref<1x80x128xf32, #tpu.memory_space<vmem>>
    %dma_wait3A_328 = tpu.memref_squeeze %dma_wait3A_327 : memref<1x80x128xf32, #tpu.memory_space<vmem>> -> memref<80x128xf32, #tpu.memory_space<vmem>>
    tpu.wait_dma2 semaphore(%dma_wait3A_321 : memref<!tpu.dma_semaphore, #tpu.memory_space<semaphore_mem>>) src(%dma_wait3A_328 : memref<80x128xf32, #tpu.memory_space<vmem>>) dst(%dma_wait3A_324 : memref<80x128xf32, #tpu.memory_space<vmem_shared>>)
    %dma_wait3A_329 = arith.constant 0 : i32
    %dma_wait3A_330 = arith.constant 1 : i32
    %dma_wait3A_331 = arith.constant 0 : i32
    %dma_wait3A_332 = arith.constant 0 : i32
    %dma_wait3A_333 = tpu.memref_slice %arg12[%dma_wait3A_329, %dma_wait3A_331, %dma_wait3A_332] : memref<4x80x128xf32, #tpu.memory_space<vmem>> -> memref<1x80x128xf32, #tpu.memory_space<vmem>>
    %dma_wait3A_334 = tpu.memref_squeeze %dma_wait3A_333 : memref<1x80x128xf32, #tpu.memory_space<vmem>> -> memref<80x128xf32, #tpu.memory_space<vmem>>
    %dma_wait3A_335 = arith.constant 0 : i32
    %dma_wait3A_336 = arith.constant 0 : i32
    %dma_wait3A_337 = tpu.memref_slice %arg5[%dma_wait3A_335, %dma_wait3A_336] : memref<10240x128xf32, #tpu.memory_space<vmem_shared>> -> memref<80x128xf32, #tpu.memory_space<vmem_shared>>
    %dma_wait3A_338 = tpu.memref_slice %arg14[%dma_wait3A_330] : memref<4x!tpu.dma_semaphore, #tpu.memory_space<semaphore_mem>> -> memref<1x!tpu.dma_semaphore, #tpu.memory_space<semaphore_mem>>
    %dma_wait3A_339 = tpu.memref_squeeze %dma_wait3A_338 : memref<1x!tpu.dma_semaphore, #tpu.memory_space<semaphore_mem>> -> memref<!tpu.dma_semaphore, #tpu.memory_space<semaphore_mem>>
    %dma_wait3A_340 = arith.constant 0 : i32
    %dma_wait3A_341 = arith.constant 0 : i32
    %dma_wait3A_342 = tpu.memref_slice %arg5[%dma_wait3A_340, %dma_wait3A_341] : memref<10240x128xf32, #tpu.memory_space<vmem_shared>> -> memref<80x128xf32, #tpu.memory_space<vmem_shared>>
    %dma_wait3A_343 = arith.constant 0 : i32
    %dma_wait3A_344 = arith.constant 0 : i32
    %dma_wait3A_345 = tpu.memref_slice %arg12[%dma_wait3A_329, %dma_wait3A_343, %dma_wait3A_344] : memref<4x80x128xf32, #tpu.memory_space<vmem>> -> memref<1x80x128xf32, #tpu.memory_space<vmem>>
    %dma_wait3A_346 = tpu.memref_squeeze %dma_wait3A_345 : memref<1x80x128xf32, #tpu.memory_space<vmem>> -> memref<80x128xf32, #tpu.memory_space<vmem>>
    tpu.wait_dma2 semaphore(%dma_wait3A_339 : memref<!tpu.dma_semaphore, #tpu.memory_space<semaphore_mem>>) src(%dma_wait3A_346 : memref<80x128xf32, #tpu.memory_space<vmem>>) dst(%dma_wait3A_342 : memref<80x128xf32, #tpu.memory_space<vmem_shared>>)
    %dma_wait3A_347 = arith.constant 0 : i32
    %dma_wait3A_348 = arith.constant 2 : i32
    %dma_wait3A_349 = arith.constant 0 : i32
    %dma_wait3A_350 = arith.constant 0 : i32
    %dma_wait3A_351 = tpu.memref_slice %arg12[%dma_wait3A_347, %dma_wait3A_349, %dma_wait3A_350] : memref<4x80x128xf32, #tpu.memory_space<vmem>> -> memref<1x80x128xf32, #tpu.memory_space<vmem>>
    %dma_wait3A_352 = tpu.memref_squeeze %dma_wait3A_351 : memref<1x80x128xf32, #tpu.memory_space<vmem>> -> memref<80x128xf32, #tpu.memory_space<vmem>>
    %dma_wait3A_353 = arith.constant 0 : i32
    %dma_wait3A_354 = arith.constant 0 : i32
    %dma_wait3A_355 = tpu.memref_slice %arg5[%dma_wait3A_353, %dma_wait3A_354] : memref<10240x128xf32, #tpu.memory_space<vmem_shared>> -> memref<80x128xf32, #tpu.memory_space<vmem_shared>>
    %dma_wait3A_356 = tpu.memref_slice %arg14[%dma_wait3A_348] : memref<4x!tpu.dma_semaphore, #tpu.memory_space<semaphore_mem>> -> memref<1x!tpu.dma_semaphore, #tpu.memory_space<semaphore_mem>>
    %dma_wait3A_357 = tpu.memref_squeeze %dma_wait3A_356 : memref<1x!tpu.dma_semaphore, #tpu.memory_space<semaphore_mem>> -> memref<!tpu.dma_semaphore, #tpu.memory_space<semaphore_mem>>
    %dma_wait3A_358 = arith.constant 0 : i32
    %dma_wait3A_359 = arith.constant 0 : i32
    %dma_wait3A_360 = tpu.memref_slice %arg5[%dma_wait3A_358, %dma_wait3A_359] : memref<10240x128xf32, #tpu.memory_space<vmem_shared>> -> memref<80x128xf32, #tpu.memory_space<vmem_shared>>
    %dma_wait3A_361 = arith.constant 0 : i32
    %dma_wait3A_362 = arith.constant 0 : i32
    %dma_wait3A_363 = tpu.memref_slice %arg12[%dma_wait3A_347, %dma_wait3A_361, %dma_wait3A_362] : memref<4x80x128xf32, #tpu.memory_space<vmem>> -> memref<1x80x128xf32, #tpu.memory_space<vmem>>
    %dma_wait3A_364 = tpu.memref_squeeze %dma_wait3A_363 : memref<1x80x128xf32, #tpu.memory_space<vmem>> -> memref<80x128xf32, #tpu.memory_space<vmem>>
    tpu.wait_dma2 semaphore(%dma_wait3A_357 : memref<!tpu.dma_semaphore, #tpu.memory_space<semaphore_mem>>) src(%dma_wait3A_364 : memref<80x128xf32, #tpu.memory_space<vmem>>) dst(%dma_wait3A_360 : memref<80x128xf32, #tpu.memory_space<vmem_shared>>)
    %dma_wait3A_365 = arith.constant 0 : i32
    %dma_wait3A_366 = arith.constant 3 : i32
    %dma_wait3A_367 = arith.constant 0 : i32
    %dma_wait3A_368 = arith.constant 0 : i32
    %dma_wait3A_369 = tpu.memref_slice %arg12[%dma_wait3A_365, %dma_wait3A_367, %dma_wait3A_368] : memref<4x80x128xf32, #tpu.memory_space<vmem>> -> memref<1x80x128xf32, #tpu.memory_space<vmem>>
    %dma_wait3A_370 = tpu.memref_squeeze %dma_wait3A_369 : memref<1x80x128xf32, #tpu.memory_space<vmem>> -> memref<80x128xf32, #tpu.memory_space<vmem>>
    %dma_wait3A_371 = arith.constant 0 : i32
    %dma_wait3A_372 = arith.constant 0 : i32
    %dma_wait3A_373 = tpu.memref_slice %arg5[%dma_wait3A_371, %dma_wait3A_372] : memref<10240x128xf32, #tpu.memory_space<vmem_shared>> -> memref<80x128xf32, #tpu.memory_space<vmem_shared>>
    %dma_wait3A_374 = tpu.memref_slice %arg14[%dma_wait3A_366] : memref<4x!tpu.dma_semaphore, #tpu.memory_space<semaphore_mem>> -> memref<1x!tpu.dma_semaphore, #tpu.memory_space<semaphore_mem>>
    %dma_wait3A_375 = tpu.memref_squeeze %dma_wait3A_374 : memref<1x!tpu.dma_semaphore, #tpu.memory_space<semaphore_mem>> -> memref<!tpu.dma_semaphore, #tpu.memory_space<semaphore_mem>>
    %dma_wait3A_376 = arith.constant 0 : i32
    %dma_wait3A_377 = arith.constant 0 : i32
    %dma_wait3A_378 = tpu.memref_slice %arg5[%dma_wait3A_376, %dma_wait3A_377] : memref<10240x128xf32, #tpu.memory_space<vmem_shared>> -> memref<80x128xf32, #tpu.memory_space<vmem_shared>>
    %dma_wait3A_379 = arith.constant 0 : i32
    %dma_wait3A_380 = arith.constant 0 : i32
    %dma_wait3A_381 = tpu.memref_slice %arg12[%dma_wait3A_365, %dma_wait3A_379, %dma_wait3A_380] : memref<4x80x128xf32, #tpu.memory_space<vmem>> -> memref<1x80x128xf32, #tpu.memory_space<vmem>>
    %dma_wait3A_382 = tpu.memref_squeeze %dma_wait3A_381 : memref<1x80x128xf32, #tpu.memory_space<vmem>> -> memref<80x128xf32, #tpu.memory_space<vmem>>
    tpu.wait_dma2 semaphore(%dma_wait3A_375 : memref<!tpu.dma_semaphore, #tpu.memory_space<semaphore_mem>>) src(%dma_wait3A_382 : memref<80x128xf32, #tpu.memory_space<vmem>>) dst(%dma_wait3A_378 : memref<80x128xf32, #tpu.memory_space<vmem_shared>>)
    %dma_wait3A_383 = arith.constant 0 : i32
    %dma_wait3A_384 = arith.constant 0 : i32
    %dma_wait3A_385 = tpu.memref_slice %arg13[%dma_wait3A_384] : memref<800xi32, #tpu.memory_space<vmem>> -> memref<400xi32, #tpu.memory_space<vmem>>
    %dma_wait3A_386 = arith.constant 0 : i32
    %dma_wait3A_387 = tpu.memref_slice %arg3[%dma_wait3A_386] : memref<640000xi32, #tpu.memory_space<hbm>> -> memref<400xi32, #tpu.memory_space<hbm>>
    %dma_wait3A_388 = tpu.memref_slice %arg11[%dma_wait3A_383] : memref<2x!tpu.dma_semaphore, #tpu.memory_space<semaphore_mem>> -> memref<1x!tpu.dma_semaphore, #tpu.memory_space<semaphore_mem>>
    %dma_wait3A_389 = tpu.memref_squeeze %dma_wait3A_388 : memref<1x!tpu.dma_semaphore, #tpu.memory_space<semaphore_mem>> -> memref<!tpu.dma_semaphore, #tpu.memory_space<semaphore_mem>>
    %dma_wait3A_390 = arith.constant 0 : i32
    %dma_wait3A_391 = tpu.memref_slice %arg13[%dma_wait3A_390] : memref<800xi32, #tpu.memory_space<vmem>> -> memref<400xi32, #tpu.memory_space<vmem>>
    %dma_wait3A_392 = arith.constant 0 : i32
    %dma_wait3A_393 = tpu.memref_slice %arg3[%dma_wait3A_392] : memref<640000xi32, #tpu.memory_space<hbm>> -> memref<400xi32, #tpu.memory_space<hbm>>
    tpu.wait_dma2 semaphore(%dma_wait3A_389 : memref<!tpu.dma_semaphore, #tpu.memory_space<semaphore_mem>>) src(%dma_wait3A_393 : memref<400xi32, #tpu.memory_space<hbm>>) dst(%dma_wait3A_391 : memref<400xi32, #tpu.memory_space<vmem>>)
    %dma_wait3A_394 = arith.constant 0 : i32
    %dma_wait3A_395 = arith.constant 0 : i32
    %dma_wait3A_396 = tpu.memref_slice %arg13[%dma_wait3A_395] : memref<800xi32, #tpu.memory_space<vmem>> -> memref<400xi32, #tpu.memory_space<vmem>>
    %dma_wait3A_397 = arith.constant 0 : i32
    %dma_wait3A_398 = tpu.memref_slice %arg3[%dma_wait3A_397] : memref<640000xi32, #tpu.memory_space<hbm>> -> memref<400xi32, #tpu.memory_space<hbm>>
    %dma_wait3A_399 = tpu.memref_slice %arg11[%dma_wait3A_394] : memref<2x!tpu.dma_semaphore, #tpu.memory_space<semaphore_mem>> -> memref<1x!tpu.dma_semaphore, #tpu.memory_space<semaphore_mem>>
    %dma_wait3A_400 = tpu.memref_squeeze %dma_wait3A_399 : memref<1x!tpu.dma_semaphore, #tpu.memory_space<semaphore_mem>> -> memref<!tpu.dma_semaphore, #tpu.memory_space<semaphore_mem>>
    %dma_wait3A_401 = arith.constant 0 : i32
    %dma_wait3A_402 = tpu.memref_slice %arg13[%dma_wait3A_401] : memref<800xi32, #tpu.memory_space<vmem>> -> memref<400xi32, #tpu.memory_space<vmem>>
    %dma_wait3A_403 = arith.constant 0 : i32
    %dma_wait3A_404 = tpu.memref_slice %arg3[%dma_wait3A_403] : memref<640000xi32, #tpu.memory_space<hbm>> -> memref<400xi32, #tpu.memory_space<hbm>>
    tpu.wait_dma2 semaphore(%dma_wait3A_400 : memref<!tpu.dma_semaphore, #tpu.memory_space<semaphore_mem>>) src(%dma_wait3A_404 : memref<400xi32, #tpu.memory_space<hbm>>) dst(%dma_wait3A_402 : memref<400xi32, #tpu.memory_space<vmem>>)
    %dma_start3A_405 = arith.constant 0 : i32
    %dma_start3A_406 = arith.constant 0 : i32
    %dma_start3A_407 = arith.constant 0 : i32
    %dma_start3A_408 = arith.constant 0 : i32
    %dma_start3A_409 = tpu.memref_slice %arg12[%dma_start3A_405, %dma_start3A_407, %dma_start3A_408] : memref<4x80x128xf32, #tpu.memory_space<vmem>> -> memref<1x80x128xf32, #tpu.memory_space<vmem>>
    %dma_start3A_410 = tpu.memref_squeeze %dma_start3A_409 : memref<1x80x128xf32, #tpu.memory_space<vmem>> -> memref<80x128xf32, #tpu.memory_space<vmem>>
    %dma_start3A_411 = arith.constant 0 : i32
    %dma_start3A_412 = tpu.memref_slice %arg13[%dma_start3A_411] : memref<800xi32, #tpu.memory_space<vmem>> -> memref<80xi32, #tpu.memory_space<vmem>>
    %dma_start3A_413 = arith.constant 0 : i32
    %dma_start3A_414 = arith.constant 0 : i32
    %dma_start3A_415 = tpu.memref_slice %arg2[%dma_start3A_413, %dma_start3A_414] : memref<10000x128xf32, #tpu.memory_space<hbm>> -> memref<10000x128xf32, #tpu.memory_space<hbm>>
    %dma_start3A_416 = tpu.memref_slice %arg10[%dma_start3A_406] : memref<4x!tpu.dma_semaphore, #tpu.memory_space<semaphore_mem>> -> memref<1x!tpu.dma_semaphore, #tpu.memory_space<semaphore_mem>>
    %dma_start3A_417 = tpu.memref_squeeze %dma_start3A_416 : memref<1x!tpu.dma_semaphore, #tpu.memory_space<semaphore_mem>> -> memref<!tpu.dma_semaphore, #tpu.memory_space<semaphore_mem>>
    tpu.enqueue_indirect_dma source(%dma_start3A_415 : memref<10000x128xf32, #tpu.memory_space<hbm>>) target(%dma_start3A_410 : memref<80x128xf32, #tpu.memory_space<vmem>>) offsets(%dma_start3A_412 : memref<80xi32, #tpu.memory_space<vmem>>) semaphore(%dma_start3A_417 : memref<!tpu.dma_semaphore, #tpu.memory_space<semaphore_mem>>)
    %dma_start3A_418 = arith.constant 1 : i32
    %dma_start3A_419 = arith.constant 1 : i32
    %dma_start3A_420 = arith.constant 0 : i32
    %dma_start3A_421 = arith.constant 0 : i32
    %dma_start3A_422 = tpu.memref_slice %arg12[%dma_start3A_418, %dma_start3A_420, %dma_start3A_421] : memref<4x80x128xf32, #tpu.memory_space<vmem>> -> memref<1x80x128xf32, #tpu.memory_space<vmem>>
    %dma_start3A_423 = tpu.memref_squeeze %dma_start3A_422 : memref<1x80x128xf32, #tpu.memory_space<vmem>> -> memref<80x128xf32, #tpu.memory_space<vmem>>
    %dma_start3A_424 = arith.constant 80 : i32
    %dma_start3A_425 = tpu.memref_slice %arg13[%dma_start3A_424] : memref<800xi32, #tpu.memory_space<vmem>> -> memref<80xi32, #tpu.memory_space<vmem>>
    %dma_start3A_426 = arith.constant 0 : i32
    %dma_start3A_427 = arith.constant 0 : i32
    %dma_start3A_428 = tpu.memref_slice %arg2[%dma_start3A_426, %dma_start3A_427] : memref<10000x128xf32, #tpu.memory_space<hbm>> -> memref<10000x128xf32, #tpu.memory_space<hbm>>
    %dma_start3A_429 = tpu.memref_slice %arg10[%dma_start3A_419] : memref<4x!tpu.dma_semaphore, #tpu.memory_space<semaphore_mem>> -> memref<1x!tpu.dma_semaphore, #tpu.memory_space<semaphore_mem>>
    %dma_start3A_430 = tpu.memref_squeeze %dma_start3A_429 : memref<1x!tpu.dma_semaphore, #tpu.memory_space<semaphore_mem>> -> memref<!tpu.dma_semaphore, #tpu.memory_space<semaphore_mem>>
    tpu.enqueue_indirect_dma source(%dma_start3A_428 : memref<10000x128xf32, #tpu.memory_space<hbm>>) target(%dma_start3A_423 : memref<80x128xf32, #tpu.memory_space<vmem>>) offsets(%dma_start3A_425 : memref<80xi32, #tpu.memory_space<vmem>>) semaphore(%dma_start3A_430 : memref<!tpu.dma_semaphore, #tpu.memory_space<semaphore_mem>>)
    %dma_start3A_431 = arith.constant 2 : i32
    %dma_start3A_432 = arith.constant 2 : i32
    %dma_start3A_433 = arith.constant 0 : i32
    %dma_start3A_434 = arith.constant 0 : i32
    %dma_start3A_435 = tpu.memref_slice %arg12[%dma_start3A_431, %dma_start3A_433, %dma_start3A_434] : memref<4x80x128xf32, #tpu.memory_space<vmem>> -> memref<1x80x128xf32, #tpu.memory_space<vmem>>
    %dma_start3A_436 = tpu.memref_squeeze %dma_start3A_435 : memref<1x80x128xf32, #tpu.memory_space<vmem>> -> memref<80x128xf32, #tpu.memory_space<vmem>>
    %dma_start3A_437 = arith.constant 160 : i32
    %dma_start3A_438 = tpu.memref_slice %arg13[%dma_start3A_437] : memref<800xi32, #tpu.memory_space<vmem>> -> memref<80xi32, #tpu.memory_space<vmem>>
    %dma_start3A_439 = arith.constant 0 : i32
    %dma_start3A_440 = arith.constant 0 : i32
    %dma_start3A_441 = tpu.memref_slice %arg2[%dma_start3A_439, %dma_start3A_440] : memref<10000x128xf32, #tpu.memory_space<hbm>> -> memref<10000x128xf32, #tpu.memory_space<hbm>>
    %dma_start3A_442 = tpu.memref_slice %arg10[%dma_start3A_432] : memref<4x!tpu.dma_semaphore, #tpu.memory_space<semaphore_mem>> -> memref<1x!tpu.dma_semaphore, #tpu.memory_space<semaphore_mem>>
    %dma_start3A_443 = tpu.memref_squeeze %dma_start3A_442 : memref<1x!tpu.dma_semaphore, #tpu.memory_space<semaphore_mem>> -> memref<!tpu.dma_semaphore, #tpu.memory_space<semaphore_mem>>
    tpu.enqueue_indirect_dma source(%dma_start3A_441 : memref<10000x128xf32, #tpu.memory_space<hbm>>) target(%dma_start3A_436 : memref<80x128xf32, #tpu.memory_space<vmem>>) offsets(%dma_start3A_438 : memref<80xi32, #tpu.memory_space<vmem>>) semaphore(%dma_start3A_443 : memref<!tpu.dma_semaphore, #tpu.memory_space<semaphore_mem>>)
    %barrier3A = arith.constant 0 : index
    tpu.barrier barrier_id(%barrier3A)
    %scan3A_444 = arith.constant 0 : i32
    %scan3A_445 = arith.constant 125 : i32
    %scan3A_446 = arith.addi %scan3A_444, %scan3A_445 : i32
    %scan3A_447 = arith.constant 1 : i32
    scf.for %scan3A_467 = %scan3A_444 to %scan3A_446 step %scan3A_447  : i32 {
      %mul3A_468 = arith.constant 1 : i32
      %mul3A_469 = arith.muli %scan3A_467, %mul3A_468 : i32
      %add3A_470 = arith.constant 0 : i32
      %add3A_471 = arith.addi %add3A_470, %mul3A_469 : i32
      %ge3A = arith.constant 1 : i32
      %ge3A_472 = arith.cmpi sge, %add3A_471, %ge3A : i32
      %convert_element_type3A = arith.extui %ge3A_472 : i1 to i32
      %cond3A = arith.constant 0 : i32
      %cond3A_473 = arith.cmpi ne, %convert_element_type3A, %cond3A : i32
      scf.if %cond3A_473 {
        %sub3A_663 = arith.constant 1 : i32
        %sub3A_664 = arith.subi %add3A_471, %sub3A_663 : i32
        %jit3A_665 = arith.constant 4 : i32
        %eq3A_666 = arith.constant 0 : i32
        %eq3A_667 = arith.cmpi eq, %jit3A_665, %eq3A_666 : i32
        %jit3A_668 = arith.constant 1 : i32
        %select_n3A_669 = arith.select %eq3A_667, %jit3A_668, %jit3A_665 : i32
        %rem3A_670 = arith.remsi %sub3A_664, %select_n3A_669 : i32
        %ne3A_671 = arith.constant 0 : i32
        %ne3A_672 = arith.cmpi ne, %rem3A_670, %ne3A_671 : i32
        %lt3A_673 = arith.constant 0 : i32
        %lt3A_674 = arith.cmpi slt, %rem3A_670, %lt3A_673 : i32
        %lt3A_675 = arith.constant 0 : i32
        %lt3A_676 = arith.cmpi slt, %select_n3A_669, %lt3A_675 : i32
        %ne3A_677 = arith.xori %lt3A_674, %lt3A_676 : i1
        %and3A_678 = arith.andi %ne3A_677, %ne3A_672 : i1
        %add3A_679 = arith.addi %rem3A_670, %select_n3A_669 : i32
        %select_n3A_680 = arith.select %and3A_678, %add3A_679, %rem3A_670 : i32
        %dma_wait3A_681 = arith.constant 0 : i32
        %dma_wait3A_682 = arith.constant 0 : i32
        %dma_wait3A_683 = tpu.memref_slice %arg12[%select_n3A_680, %dma_wait3A_681, %dma_wait3A_682] : memref<4x80x128xf32, #tpu.memory_space<vmem>> -> memref<1x80x128xf32, #tpu.memory_space<vmem>>
        %dma_wait3A_684 = tpu.memref_squeeze %dma_wait3A_683 : memref<1x80x128xf32, #tpu.memory_space<vmem>> -> memref<80x128xf32, #tpu.memory_space<vmem>>
        %dma_wait3A_685 = arith.constant 0 : i32
        %dma_wait3A_686 = tpu.memref_slice %arg7[%dma_wait3A_685] : memref<800xi32, #tpu.memory_space<vmem>> -> memref<80xi32, #tpu.memory_space<vmem>>
        %dma_wait3A_687 = arith.constant 0 : i32
        %dma_wait3A_688 = arith.constant 0 : i32
        %dma_wait3A_689 = tpu.memref_slice %arg5[%dma_wait3A_687, %dma_wait3A_688] : memref<10240x128xf32, #tpu.memory_space<vmem_shared>> -> memref<10240x128xf32, #tpu.memory_space<vmem_shared>>
        %dma_wait3A_690 = tpu.memref_slice %arg14[%select_n3A_680] : memref<4x!tpu.dma_semaphore, #tpu.memory_space<semaphore_mem>> -> memref<1x!tpu.dma_semaphore, #tpu.memory_space<semaphore_mem>>
        %dma_wait3A_691 = tpu.memref_squeeze %dma_wait3A_690 : memref<1x!tpu.dma_semaphore, #tpu.memory_space<semaphore_mem>> -> memref<!tpu.dma_semaphore, #tpu.memory_space<semaphore_mem>>
        tpu.wait_indirect_dma semaphore(%dma_wait3A_691 : memref<!tpu.dma_semaphore, #tpu.memory_space<semaphore_mem>>) src(%dma_wait3A_684 : memref<80x128xf32, #tpu.memory_space<vmem>>) dst(%dma_wait3A_689 : memref<10240x128xf32, #tpu.memory_space<vmem_shared>>)
      } else {
      }
      %jit3A = arith.constant 5 : i32
      %div3A = arith.divsi %add3A_471, %jit3A : i32
      %sign3A = arith.constant 0 : i32
      %sign3A_474 = arith.cmpi sgt, %add3A_471, %sign3A : i32
      %sign3A_475 = arith.extui %sign3A_474 : i1 to i32
      %sign3A_476 = arith.constant 0 : i32
      %sign3A_477 = arith.cmpi slt, %add3A_471, %sign3A_476 : i32
      %sign3A_478 = arith.extui %sign3A_477 : i1 to i32
      %sign3A_479 = arith.subi %sign3A_475, %sign3A_478 : i32
      %sign3A_480 = arith.constant 0 : i32
      %sign3A_481 = arith.cmpi sgt, %jit3A, %sign3A_480 : i32
      %sign3A_482 = arith.extui %sign3A_481 : i1 to i32
      %sign3A_483 = arith.constant 0 : i32
      %sign3A_484 = arith.cmpi slt, %jit3A, %sign3A_483 : i32
      %sign3A_485 = arith.extui %sign3A_484 : i1 to i32
      %sign3A_486 = arith.subi %sign3A_482, %sign3A_485 : i32
      %ne3A = arith.cmpi ne, %sign3A_479, %sign3A_486 : i32
      %rem3A = arith.remsi %add3A_471, %jit3A : i32
      %ne3A_487 = arith.constant 0 : i32
      %ne3A_488 = arith.cmpi ne, %rem3A, %ne3A_487 : i32
      %and3A = arith.andi %ne3A, %ne3A_488 : i1
      %sub3A = arith.constant 1 : i32
      %sub3A_489 = arith.subi %div3A, %sub3A : i32
      %select_n3A = arith.select %and3A, %sub3A_489, %div3A : i32
      %jit3A_490 = arith.constant 5 : i32
      %eq3A = arith.constant 0 : i32
      %eq3A_491 = arith.cmpi eq, %jit3A_490, %eq3A : i32
      %jit3A_492 = arith.constant 1 : i32
      %select_n3A_493 = arith.select %eq3A_491, %jit3A_492, %jit3A_490 : i32
      %rem3A_494 = arith.remsi %add3A_471, %select_n3A_493 : i32
      %ne3A_495 = arith.constant 0 : i32
      %ne3A_496 = arith.cmpi ne, %rem3A_494, %ne3A_495 : i32
      %lt3A = arith.constant 0 : i32
      %lt3A_497 = arith.cmpi slt, %rem3A_494, %lt3A : i32
      %lt3A_498 = arith.constant 0 : i32
      %lt3A_499 = arith.cmpi slt, %select_n3A_493, %lt3A_498 : i32
      %ne3A_500 = arith.xori %lt3A_497, %lt3A_499 : i1
      %and3A_501 = arith.andi %ne3A_500, %ne3A_496 : i1
      %add3A_502 = arith.addi %rem3A_494, %select_n3A_493 : i32
      %select_n3A_503 = arith.select %and3A_501, %add3A_502, %rem3A_494 : i32
      %eq3A_504 = arith.constant 0 : i32
      %eq3A_505 = arith.cmpi eq, %select_n3A_503, %eq3A_504 : i32
      %gt3A = arith.constant 0 : i32
      %gt3A_506 = arith.cmpi sgt, %add3A_471, %gt3A : i32
      %and3A_507 = arith.andi %eq3A_505, %gt3A_506 : i1
      %add3A_508 = arith.constant 1 : i32
      %add3A_509 = arith.addi %select_n3A, %add3A_508 : i32
      %lt3A_510 = arith.constant 25 : i32
      %lt3A_511 = arith.cmpi slt, %add3A_509, %lt3A_510 : i32
      %and3A_512 = arith.andi %and3A_507, %lt3A_511 : i1
      %convert_element_type3A_513 = arith.extui %and3A_512 : i1 to i32
      %cond3A_514 = arith.constant 0 : i32
      %cond3A_515 = arith.cmpi ne, %convert_element_type3A_513, %cond3A_514 : i32
      scf.if %cond3A_515 {
        %add3A_663 = arith.constant 1 : i32
        %add3A_664 = arith.addi %select_n3A, %add3A_663 : i32
        %add3A_665 = arith.constant 1 : i32
        %add3A_666 = arith.addi %select_n3A, %add3A_665 : i32
        %jit3A_667 = arith.constant 2 : i32
        %eq3A_668 = arith.constant 0 : i32
        %eq3A_669 = arith.cmpi eq, %jit3A_667, %eq3A_668 : i32
        %jit3A_670 = arith.constant 1 : i32
        %select_n3A_671 = arith.select %eq3A_669, %jit3A_670, %jit3A_667 : i32
        %rem3A_672 = arith.remsi %add3A_666, %select_n3A_671 : i32
        %ne3A_673 = arith.constant 0 : i32
        %ne3A_674 = arith.cmpi ne, %rem3A_672, %ne3A_673 : i32
        %lt3A_675 = arith.constant 0 : i32
        %lt3A_676 = arith.cmpi slt, %rem3A_672, %lt3A_675 : i32
        %lt3A_677 = arith.constant 0 : i32
        %lt3A_678 = arith.cmpi slt, %select_n3A_671, %lt3A_677 : i32
        %ne3A_679 = arith.xori %lt3A_676, %lt3A_678 : i1
        %and3A_680 = arith.andi %ne3A_679, %ne3A_674 : i1
        %add3A_681 = arith.addi %rem3A_672, %select_n3A_671 : i32
        %select_n3A_682 = arith.select %and3A_680, %add3A_681, %rem3A_672 : i32
        %mul3A_683 = arith.constant 10000 : i32
        %mul3A_684 = arith.muli %add3A, %mul3A_683 : i32
        %mul3A_685 = arith.constant 400 : i32
        %mul3A_686 = arith.muli %add3A_664, %mul3A_685 : i32
        %add3A_687 = arith.addi %mul3A_684, %mul3A_686 : i32
        %mul3A_688 = arith.constant 400 : i32
        %mul3A_689 = arith.muli %select_n3A_682, %mul3A_688 : i32
        %dma_start3A_690 = tpu.memref_slice %arg13[%mul3A_689] : memref<800xi32, #tpu.memory_space<vmem>> -> memref<400xi32, #tpu.memory_space<vmem>>
        %dma_start3A_691 = tpu.memref_slice %arg3[%add3A_687] : memref<640000xi32, #tpu.memory_space<hbm>> -> memref<400xi32, #tpu.memory_space<hbm>>
        %dma_start3A_692 = tpu.memref_slice %arg11[%select_n3A_682] : memref<2x!tpu.dma_semaphore, #tpu.memory_space<semaphore_mem>> -> memref<1x!tpu.dma_semaphore, #tpu.memory_space<semaphore_mem>>
        %dma_start3A_693 = tpu.memref_squeeze %dma_start3A_692 : memref<1x!tpu.dma_semaphore, #tpu.memory_space<semaphore_mem>> -> memref<!tpu.dma_semaphore, #tpu.memory_space<semaphore_mem>>
        %dma_start3A_694 = tpu.memref_slice %arg13[%mul3A_689] : memref<800xi32, #tpu.memory_space<vmem>> -> memref<400xi32, #tpu.memory_space<vmem>>
        %dma_start3A_695 = tpu.memref_slice %arg3[%add3A_687] : memref<640000xi32, #tpu.memory_space<hbm>> -> memref<400xi32, #tpu.memory_space<hbm>>
        tpu.enqueue_dma source(%dma_start3A_695 : memref<400xi32, #tpu.memory_space<hbm>>) target(%dma_start3A_694 : memref<400xi32, #tpu.memory_space<vmem>>) target_semaphore(%dma_start3A_693 : memref<!tpu.dma_semaphore, #tpu.memory_space<semaphore_mem>>)
        %add3A_696 = arith.constant 320000 : i32
        %add3A_697 = arith.addi %add3A_696, %add3A_687 : i32
        %dma_start3A_698 = tpu.memref_slice %arg7[%mul3A_689] : memref<800xi32, #tpu.memory_space<vmem>> -> memref<400xi32, #tpu.memory_space<vmem>>
        %dma_start3A_699 = tpu.memref_slice %arg3[%add3A_697] : memref<640000xi32, #tpu.memory_space<hbm>> -> memref<400xi32, #tpu.memory_space<hbm>>
        %dma_start3A_700 = tpu.memref_slice %arg11[%select_n3A_682] : memref<2x!tpu.dma_semaphore, #tpu.memory_space<semaphore_mem>> -> memref<1x!tpu.dma_semaphore, #tpu.memory_space<semaphore_mem>>
        %dma_start3A_701 = tpu.memref_squeeze %dma_start3A_700 : memref<1x!tpu.dma_semaphore, #tpu.memory_space<semaphore_mem>> -> memref<!tpu.dma_semaphore, #tpu.memory_space<semaphore_mem>>
        %dma_start3A_702 = tpu.memref_slice %arg7[%mul3A_689] : memref<800xi32, #tpu.memory_space<vmem>> -> memref<400xi32, #tpu.memory_space<vmem>>
        %dma_start3A_703 = tpu.memref_slice %arg3[%add3A_697] : memref<640000xi32, #tpu.memory_space<hbm>> -> memref<400xi32, #tpu.memory_space<hbm>>
        tpu.enqueue_dma source(%dma_start3A_703 : memref<400xi32, #tpu.memory_space<hbm>>) target(%dma_start3A_702 : memref<400xi32, #tpu.memory_space<vmem>>) target_semaphore(%dma_start3A_701 : memref<!tpu.dma_semaphore, #tpu.memory_space<semaphore_mem>>)
      } else {
      }
      %jit3A_516 = arith.constant 5 : i32
      %eq3A_517 = arith.constant 0 : i32
      %eq3A_518 = arith.cmpi eq, %jit3A_516, %eq3A_517 : i32
      %jit3A_519 = arith.constant 1 : i32
      %select_n3A_520 = arith.select %eq3A_518, %jit3A_519, %jit3A_516 : i32
      %rem3A_521 = arith.remsi %add3A_471, %select_n3A_520 : i32
      %ne3A_522 = arith.constant 0 : i32
      %ne3A_523 = arith.cmpi ne, %rem3A_521, %ne3A_522 : i32
      %lt3A_524 = arith.constant 0 : i32
      %lt3A_525 = arith.cmpi slt, %rem3A_521, %lt3A_524 : i32
      %lt3A_526 = arith.constant 0 : i32
      %lt3A_527 = arith.cmpi slt, %select_n3A_520, %lt3A_526 : i32
      %ne3A_528 = arith.xori %lt3A_525, %lt3A_527 : i1
      %and3A_529 = arith.andi %ne3A_528, %ne3A_523 : i1
      %add3A_530 = arith.addi %rem3A_521, %select_n3A_520 : i32
      %select_n3A_531 = arith.select %and3A_529, %add3A_530, %rem3A_521 : i32
      %eq3A_532 = arith.constant 2 : i32
      %eq3A_533 = arith.cmpi eq, %select_n3A_531, %eq3A_532 : i32
      %add3A_534 = arith.constant 3 : i32
      %add3A_535 = arith.addi %add3A_471, %add3A_534 : i32
      %lt3A_536 = arith.constant 125 : i32
      %lt3A_537 = arith.cmpi slt, %add3A_535, %lt3A_536 : i32
      %and3A_538 = arith.andi %eq3A_533, %lt3A_537 : i1
      %convert_element_type3A_539 = arith.extui %and3A_538 : i1 to i32
      %cond3A_540 = arith.constant 0 : i32
      %cond3A_541 = arith.cmpi ne, %convert_element_type3A_539, %cond3A_540 : i32
      scf.if %cond3A_541 {
        %add3A_663 = arith.constant 1 : i32
        %add3A_664 = arith.addi %select_n3A, %add3A_663 : i32
        %jit3A_665 = arith.constant 2 : i32
        %eq3A_666 = arith.constant 0 : i32
        %eq3A_667 = arith.cmpi eq, %jit3A_665, %eq3A_666 : i32
        %jit3A_668 = arith.constant 1 : i32
        %select_n3A_669 = arith.select %eq3A_667, %jit3A_668, %jit3A_665 : i32
        %rem3A_670 = arith.remsi %add3A_664, %select_n3A_669 : i32
        %ne3A_671 = arith.constant 0 : i32
        %ne3A_672 = arith.cmpi ne, %rem3A_670, %ne3A_671 : i32
        %lt3A_673 = arith.constant 0 : i32
        %lt3A_674 = arith.cmpi slt, %rem3A_670, %lt3A_673 : i32
        %lt3A_675 = arith.constant 0 : i32
        %lt3A_676 = arith.cmpi slt, %select_n3A_669, %lt3A_675 : i32
        %ne3A_677 = arith.xori %lt3A_674, %lt3A_676 : i1
        %and3A_678 = arith.andi %ne3A_677, %ne3A_672 : i1
        %add3A_679 = arith.addi %rem3A_670, %select_n3A_669 : i32
        %select_n3A_680 = arith.select %and3A_678, %add3A_679, %rem3A_670 : i32
        %dma_wait3A_681 = arith.constant 0 : i32
        %dma_wait3A_682 = tpu.memref_slice %arg13[%dma_wait3A_681] : memref<800xi32, #tpu.memory_space<vmem>> -> memref<400xi32, #tpu.memory_space<vmem>>
        %dma_wait3A_683 = arith.constant 0 : i32
        %dma_wait3A_684 = tpu.memref_slice %arg3[%dma_wait3A_683] : memref<640000xi32, #tpu.memory_space<hbm>> -> memref<400xi32, #tpu.memory_space<hbm>>
        %dma_wait3A_685 = tpu.memref_slice %arg11[%select_n3A_680] : memref<2x!tpu.dma_semaphore, #tpu.memory_space<semaphore_mem>> -> memref<1x!tpu.dma_semaphore, #tpu.memory_space<semaphore_mem>>
        %dma_wait3A_686 = tpu.memref_squeeze %dma_wait3A_685 : memref<1x!tpu.dma_semaphore, #tpu.memory_space<semaphore_mem>> -> memref<!tpu.dma_semaphore, #tpu.memory_space<semaphore_mem>>
        %dma_wait3A_687 = arith.constant 0 : i32
        %dma_wait3A_688 = tpu.memref_slice %arg13[%dma_wait3A_687] : memref<800xi32, #tpu.memory_space<vmem>> -> memref<400xi32, #tpu.memory_space<vmem>>
        %dma_wait3A_689 = arith.constant 0 : i32
        %dma_wait3A_690 = tpu.memref_slice %arg3[%dma_wait3A_689] : memref<640000xi32, #tpu.memory_space<hbm>> -> memref<400xi32, #tpu.memory_space<hbm>>
        tpu.wait_dma2 semaphore(%dma_wait3A_686 : memref<!tpu.dma_semaphore, #tpu.memory_space<semaphore_mem>>) src(%dma_wait3A_690 : memref<400xi32, #tpu.memory_space<hbm>>) dst(%dma_wait3A_688 : memref<400xi32, #tpu.memory_space<vmem>>)
        %dma_wait3A_691 = arith.constant 0 : i32
        %dma_wait3A_692 = tpu.memref_slice %arg13[%dma_wait3A_691] : memref<800xi32, #tpu.memory_space<vmem>> -> memref<400xi32, #tpu.memory_space<vmem>>
        %dma_wait3A_693 = arith.constant 0 : i32
        %dma_wait3A_694 = tpu.memref_slice %arg3[%dma_wait3A_693] : memref<640000xi32, #tpu.memory_space<hbm>> -> memref<400xi32, #tpu.memory_space<hbm>>
        %dma_wait3A_695 = tpu.memref_slice %arg11[%select_n3A_680] : memref<2x!tpu.dma_semaphore, #tpu.memory_space<semaphore_mem>> -> memref<1x!tpu.dma_semaphore, #tpu.memory_space<semaphore_mem>>
        %dma_wait3A_696 = tpu.memref_squeeze %dma_wait3A_695 : memref<1x!tpu.dma_semaphore, #tpu.memory_space<semaphore_mem>> -> memref<!tpu.dma_semaphore, #tpu.memory_space<semaphore_mem>>
        %dma_wait3A_697 = arith.constant 0 : i32
        %dma_wait3A_698 = tpu.memref_slice %arg13[%dma_wait3A_697] : memref<800xi32, #tpu.memory_space<vmem>> -> memref<400xi32, #tpu.memory_space<vmem>>
        %dma_wait3A_699 = arith.constant 0 : i32
        %dma_wait3A_700 = tpu.memref_slice %arg3[%dma_wait3A_699] : memref<640000xi32, #tpu.memory_space<hbm>> -> memref<400xi32, #tpu.memory_space<hbm>>
        tpu.wait_dma2 semaphore(%dma_wait3A_696 : memref<!tpu.dma_semaphore, #tpu.memory_space<semaphore_mem>>) src(%dma_wait3A_700 : memref<400xi32, #tpu.memory_space<hbm>>) dst(%dma_wait3A_698 : memref<400xi32, #tpu.memory_space<vmem>>)
      } else {
      }
      %add3A_542 = arith.constant 3 : i32
      %add3A_543 = arith.addi %add3A_471, %add3A_542 : i32
      %lt3A_544 = arith.constant 125 : i32
      %lt3A_545 = arith.cmpi slt, %add3A_543, %lt3A_544 : i32
      %convert_element_type3A_546 = arith.extui %lt3A_545 : i1 to i32
      %cond3A_547 = arith.constant 0 : i32
      %cond3A_548 = arith.cmpi ne, %convert_element_type3A_546, %cond3A_547 : i32
      scf.if %cond3A_548 {
        %add3A_663 = arith.constant 3 : i32
        %add3A_664 = arith.addi %add3A_471, %add3A_663 : i32
        %jit3A_665 = arith.constant 5 : i32
        %div3A_666 = arith.divsi %add3A_664, %jit3A_665 : i32
        %sign3A_667 = arith.constant 0 : i32
        %sign3A_668 = arith.cmpi sgt, %add3A_664, %sign3A_667 : i32
        %sign3A_669 = arith.extui %sign3A_668 : i1 to i32
        %sign3A_670 = arith.constant 0 : i32
        %sign3A_671 = arith.cmpi slt, %add3A_664, %sign3A_670 : i32
        %sign3A_672 = arith.extui %sign3A_671 : i1 to i32
        %sign3A_673 = arith.subi %sign3A_669, %sign3A_672 : i32
        %sign3A_674 = arith.constant 0 : i32
        %sign3A_675 = arith.cmpi sgt, %jit3A_665, %sign3A_674 : i32
        %sign3A_676 = arith.extui %sign3A_675 : i1 to i32
        %sign3A_677 = arith.constant 0 : i32
        %sign3A_678 = arith.cmpi slt, %jit3A_665, %sign3A_677 : i32
        %sign3A_679 = arith.extui %sign3A_678 : i1 to i32
        %sign3A_680 = arith.subi %sign3A_676, %sign3A_679 : i32
        %ne3A_681 = arith.cmpi ne, %sign3A_673, %sign3A_680 : i32
        %rem3A_682 = arith.remsi %add3A_664, %jit3A_665 : i32
        %ne3A_683 = arith.constant 0 : i32
        %ne3A_684 = arith.cmpi ne, %rem3A_682, %ne3A_683 : i32
        %and3A_685 = arith.andi %ne3A_681, %ne3A_684 : i1
        %sub3A_686 = arith.constant 1 : i32
        %sub3A_687 = arith.subi %div3A_666, %sub3A_686 : i32
        %select_n3A_688 = arith.select %and3A_685, %sub3A_687, %div3A_666 : i32
        %jit3A_689 = arith.constant 2 : i32
        %eq3A_690 = arith.constant 0 : i32
        %eq3A_691 = arith.cmpi eq, %jit3A_689, %eq3A_690 : i32
        %jit3A_692 = arith.constant 1 : i32
        %select_n3A_693 = arith.select %eq3A_691, %jit3A_692, %jit3A_689 : i32
        %rem3A_694 = arith.remsi %select_n3A_688, %select_n3A_693 : i32
        %ne3A_695 = arith.constant 0 : i32
        %ne3A_696 = arith.cmpi ne, %rem3A_694, %ne3A_695 : i32
        %lt3A_697 = arith.constant 0 : i32
        %lt3A_698 = arith.cmpi slt, %rem3A_694, %lt3A_697 : i32
        %lt3A_699 = arith.constant 0 : i32
        %lt3A_700 = arith.cmpi slt, %select_n3A_693, %lt3A_699 : i32
        %ne3A_701 = arith.xori %lt3A_698, %lt3A_700 : i1
        %and3A_702 = arith.andi %ne3A_701, %ne3A_696 : i1
        %add3A_703 = arith.addi %rem3A_694, %select_n3A_693 : i32
        %select_n3A_704 = arith.select %and3A_702, %add3A_703, %rem3A_694 : i32
        %jit3A_705 = arith.constant 5 : i32
        %eq3A_706 = arith.constant 0 : i32
        %eq3A_707 = arith.cmpi eq, %jit3A_705, %eq3A_706 : i32
        %jit3A_708 = arith.constant 1 : i32
        %select_n3A_709 = arith.select %eq3A_707, %jit3A_708, %jit3A_705 : i32
        %rem3A_710 = arith.remsi %add3A_664, %select_n3A_709 : i32
        %ne3A_711 = arith.constant 0 : i32
        %ne3A_712 = arith.cmpi ne, %rem3A_710, %ne3A_711 : i32
        %lt3A_713 = arith.constant 0 : i32
        %lt3A_714 = arith.cmpi slt, %rem3A_710, %lt3A_713 : i32
        %lt3A_715 = arith.constant 0 : i32
        %lt3A_716 = arith.cmpi slt, %select_n3A_709, %lt3A_715 : i32
        %ne3A_717 = arith.xori %lt3A_714, %lt3A_716 : i1
        %and3A_718 = arith.andi %ne3A_717, %ne3A_712 : i1
        %add3A_719 = arith.addi %rem3A_710, %select_n3A_709 : i32
        %select_n3A_720 = arith.select %and3A_718, %add3A_719, %rem3A_710 : i32
        %jit3A_721 = arith.constant 4 : i32
        %eq3A_722 = arith.constant 0 : i32
        %eq3A_723 = arith.cmpi eq, %jit3A_721, %eq3A_722 : i32
        %jit3A_724 = arith.constant 1 : i32
        %select_n3A_725 = arith.select %eq3A_723, %jit3A_724, %jit3A_721 : i32
        %rem3A_726 = arith.remsi %add3A_664, %select_n3A_725 : i32
        %ne3A_727 = arith.constant 0 : i32
        %ne3A_728 = arith.cmpi ne, %rem3A_726, %ne3A_727 : i32
        %lt3A_729 = arith.constant 0 : i32
        %lt3A_730 = arith.cmpi slt, %rem3A_726, %lt3A_729 : i32
        %lt3A_731 = arith.constant 0 : i32
        %lt3A_732 = arith.cmpi slt, %select_n3A_725, %lt3A_731 : i32
        %ne3A_733 = arith.xori %lt3A_730, %lt3A_732 : i1
        %and3A_734 = arith.andi %ne3A_733, %ne3A_728 : i1
        %add3A_735 = arith.addi %rem3A_726, %select_n3A_725 : i32
        %select_n3A_736 = arith.select %and3A_734, %add3A_735, %rem3A_726 : i32
        %mul3A_737 = arith.constant 400 : i32
        %mul3A_738 = arith.muli %select_n3A_704, %mul3A_737 : i32
        %mul3A_739 = arith.constant 80 : i32
        %mul3A_740 = arith.muli %select_n3A_720, %mul3A_739 : i32
        %add3A_741 = arith.addi %mul3A_738, %mul3A_740 : i32
        %dma_start3A_742 = arith.constant 0 : i32
        %dma_start3A_743 = arith.constant 0 : i32
        %dma_start3A_744 = tpu.memref_slice %arg12[%select_n3A_736, %dma_start3A_742, %dma_start3A_743] : memref<4x80x128xf32, #tpu.memory_space<vmem>> -> memref<1x80x128xf32, #tpu.memory_space<vmem>>
        %dma_start3A_745 = tpu.memref_squeeze %dma_start3A_744 : memref<1x80x128xf32, #tpu.memory_space<vmem>> -> memref<80x128xf32, #tpu.memory_space<vmem>>
        %dma_start3A_746 = tpu.memref_slice %arg13[%add3A_741] : memref<800xi32, #tpu.memory_space<vmem>> -> memref<80xi32, #tpu.memory_space<vmem>>
        %dma_start3A_747 = arith.constant 0 : i32
        %dma_start3A_748 = arith.constant 0 : i32
        %dma_start3A_749 = tpu.memref_slice %arg2[%dma_start3A_747, %dma_start3A_748] : memref<10000x128xf32, #tpu.memory_space<hbm>> -> memref<10000x128xf32, #tpu.memory_space<hbm>>
        %dma_start3A_750 = tpu.memref_slice %arg10[%select_n3A_736] : memref<4x!tpu.dma_semaphore, #tpu.memory_space<semaphore_mem>> -> memref<1x!tpu.dma_semaphore, #tpu.memory_space<semaphore_mem>>
        %dma_start3A_751 = tpu.memref_squeeze %dma_start3A_750 : memref<1x!tpu.dma_semaphore, #tpu.memory_space<semaphore_mem>> -> memref<!tpu.dma_semaphore, #tpu.memory_space<semaphore_mem>>
        tpu.enqueue_indirect_dma source(%dma_start3A_749 : memref<10000x128xf32, #tpu.memory_space<hbm>>) target(%dma_start3A_745 : memref<80x128xf32, #tpu.memory_space<vmem>>) offsets(%dma_start3A_746 : memref<80xi32, #tpu.memory_space<vmem>>) semaphore(%dma_start3A_751 : memref<!tpu.dma_semaphore, #tpu.memory_space<semaphore_mem>>)
      } else {
      }
      %jit3A_549 = arith.constant 4 : i32
      %eq3A_550 = arith.constant 0 : i32
      %eq3A_551 = arith.cmpi eq, %jit3A_549, %eq3A_550 : i32
      %jit3A_552 = arith.constant 1 : i32
      %select_n3A_553 = arith.select %eq3A_551, %jit3A_552, %jit3A_549 : i32
      %rem3A_554 = arith.remsi %add3A_471, %select_n3A_553 : i32
      %ne3A_555 = arith.constant 0 : i32
      %ne3A_556 = arith.cmpi ne, %rem3A_554, %ne3A_555 : i32
      %lt3A_557 = arith.constant 0 : i32
      %lt3A_558 = arith.cmpi slt, %rem3A_554, %lt3A_557 : i32
      %lt3A_559 = arith.constant 0 : i32
      %lt3A_560 = arith.cmpi slt, %select_n3A_553, %lt3A_559 : i32
      %ne3A_561 = arith.xori %lt3A_558, %lt3A_560 : i1
      %and3A_562 = arith.andi %ne3A_561, %ne3A_556 : i1
      %add3A_563 = arith.addi %rem3A_554, %select_n3A_553 : i32
      %select_n3A_564 = arith.select %and3A_562, %add3A_563, %rem3A_554 : i32
      %dma_wait3A_565 = arith.constant 0 : i32
      %dma_wait3A_566 = arith.constant 0 : i32
      %dma_wait3A_567 = tpu.memref_slice %arg12[%select_n3A_564, %dma_wait3A_565, %dma_wait3A_566] : memref<4x80x128xf32, #tpu.memory_space<vmem>> -> memref<1x80x128xf32, #tpu.memory_space<vmem>>
      %dma_wait3A_568 = tpu.memref_squeeze %dma_wait3A_567 : memref<1x80x128xf32, #tpu.memory_space<vmem>> -> memref<80x128xf32, #tpu.memory_space<vmem>>
      %dma_wait3A_569 = arith.constant 0 : i32
      %dma_wait3A_570 = tpu.memref_slice %arg13[%dma_wait3A_569] : memref<800xi32, #tpu.memory_space<vmem>> -> memref<80xi32, #tpu.memory_space<vmem>>
      %dma_wait3A_571 = arith.constant 0 : i32
      %dma_wait3A_572 = arith.constant 0 : i32
      %dma_wait3A_573 = tpu.memref_slice %arg2[%dma_wait3A_571, %dma_wait3A_572] : memref<10000x128xf32, #tpu.memory_space<hbm>> -> memref<10000x128xf32, #tpu.memory_space<hbm>>
      %dma_wait3A_574 = tpu.memref_slice %arg10[%select_n3A_564] : memref<4x!tpu.dma_semaphore, #tpu.memory_space<semaphore_mem>> -> memref<1x!tpu.dma_semaphore, #tpu.memory_space<semaphore_mem>>
      %dma_wait3A_575 = tpu.memref_squeeze %dma_wait3A_574 : memref<1x!tpu.dma_semaphore, #tpu.memory_space<semaphore_mem>> -> memref<!tpu.dma_semaphore, #tpu.memory_space<semaphore_mem>>
      tpu.wait_indirect_dma semaphore(%dma_wait3A_575 : memref<!tpu.dma_semaphore, #tpu.memory_space<semaphore_mem>>) src(%dma_wait3A_573 : memref<10000x128xf32, #tpu.memory_space<hbm>>) dst(%dma_wait3A_568 : memref<80x128xf32, #tpu.memory_space<vmem>>)
      %jit3A_576 = arith.constant 4 : i32
      %eq3A_577 = arith.constant 0 : i32
      %eq3A_578 = arith.cmpi eq, %jit3A_576, %eq3A_577 : i32
      %jit3A_579 = arith.constant 1 : i32
      %select_n3A_580 = arith.select %eq3A_578, %jit3A_579, %jit3A_576 : i32
      %rem3A_581 = arith.remsi %add3A_471, %select_n3A_580 : i32
      %ne3A_582 = arith.constant 0 : i32
      %ne3A_583 = arith.cmpi ne, %rem3A_581, %ne3A_582 : i32
      %lt3A_584 = arith.constant 0 : i32
      %lt3A_585 = arith.cmpi slt, %rem3A_581, %lt3A_584 : i32
      %lt3A_586 = arith.constant 0 : i32
      %lt3A_587 = arith.cmpi slt, %select_n3A_580, %lt3A_586 : i32
      %ne3A_588 = arith.xori %lt3A_585, %lt3A_587 : i1
      %and3A_589 = arith.andi %ne3A_588, %ne3A_583 : i1
      %add3A_590 = arith.addi %rem3A_581, %select_n3A_580 : i32
      %select_n3A_591 = arith.select %and3A_589, %add3A_590, %rem3A_581 : i32
      %jit3A_592 = arith.constant 5 : i32
      %div3A_593 = arith.divsi %add3A_471, %jit3A_592 : i32
      %sign3A_594 = arith.constant 0 : i32
      %sign3A_595 = arith.cmpi sgt, %add3A_471, %sign3A_594 : i32
      %sign3A_596 = arith.extui %sign3A_595 : i1 to i32
      %sign3A_597 = arith.constant 0 : i32
      %sign3A_598 = arith.cmpi slt, %add3A_471, %sign3A_597 : i32
      %sign3A_599 = arith.extui %sign3A_598 : i1 to i32
      %sign3A_600 = arith.subi %sign3A_596, %sign3A_599 : i32
      %sign3A_601 = arith.constant 0 : i32
      %sign3A_602 = arith.cmpi sgt, %jit3A_592, %sign3A_601 : i32
      %sign3A_603 = arith.extui %sign3A_602 : i1 to i32
      %sign3A_604 = arith.constant 0 : i32
      %sign3A_605 = arith.cmpi slt, %jit3A_592, %sign3A_604 : i32
      %sign3A_606 = arith.extui %sign3A_605 : i1 to i32
      %sign3A_607 = arith.subi %sign3A_603, %sign3A_606 : i32
      %ne3A_608 = arith.cmpi ne, %sign3A_600, %sign3A_607 : i32
      %rem3A_609 = arith.remsi %add3A_471, %jit3A_592 : i32
      %ne3A_610 = arith.constant 0 : i32
      %ne3A_611 = arith.cmpi ne, %rem3A_609, %ne3A_610 : i32
      %and3A_612 = arith.andi %ne3A_608, %ne3A_611 : i1
      %sub3A_613 = arith.constant 1 : i32
      %sub3A_614 = arith.subi %div3A_593, %sub3A_613 : i32
      %select_n3A_615 = arith.select %and3A_612, %sub3A_614, %div3A_593 : i32
      %jit3A_616 = arith.constant 2 : i32
      %eq3A_617 = arith.constant 0 : i32
      %eq3A_618 = arith.cmpi eq, %jit3A_616, %eq3A_617 : i32
      %jit3A_619 = arith.constant 1 : i32
      %select_n3A_620 = arith.select %eq3A_618, %jit3A_619, %jit3A_616 : i32
      %rem3A_621 = arith.remsi %select_n3A_615, %select_n3A_620 : i32
      %ne3A_622 = arith.constant 0 : i32
      %ne3A_623 = arith.cmpi ne, %rem3A_621, %ne3A_622 : i32
      %lt3A_624 = arith.constant 0 : i32
      %lt3A_625 = arith.cmpi slt, %rem3A_621, %lt3A_624 : i32
      %lt3A_626 = arith.constant 0 : i32
      %lt3A_627 = arith.cmpi slt, %select_n3A_620, %lt3A_626 : i32
      %ne3A_628 = arith.xori %lt3A_625, %lt3A_627 : i1
      %and3A_629 = arith.andi %ne3A_628, %ne3A_623 : i1
      %add3A_630 = arith.addi %rem3A_621, %select_n3A_620 : i32
      %select_n3A_631 = arith.select %and3A_629, %add3A_630, %rem3A_621 : i32
      %jit3A_632 = arith.constant 5 : i32
      %eq3A_633 = arith.constant 0 : i32
      %eq3A_634 = arith.cmpi eq, %jit3A_632, %eq3A_633 : i32
      %jit3A_635 = arith.constant 1 : i32
      %select_n3A_636 = arith.select %eq3A_634, %jit3A_635, %jit3A_632 : i32
      %rem3A_637 = arith.remsi %add3A_471, %select_n3A_636 : i32
      %ne3A_638 = arith.constant 0 : i32
      %ne3A_639 = arith.cmpi ne, %rem3A_637, %ne3A_638 : i32
      %lt3A_640 = arith.constant 0 : i32
      %lt3A_641 = arith.cmpi slt, %rem3A_637, %lt3A_640 : i32
      %lt3A_642 = arith.constant 0 : i32
      %lt3A_643 = arith.cmpi slt, %select_n3A_636, %lt3A_642 : i32
      %ne3A_644 = arith.xori %lt3A_641, %lt3A_643 : i1
      %and3A_645 = arith.andi %ne3A_644, %ne3A_639 : i1
      %add3A_646 = arith.addi %rem3A_637, %select_n3A_636 : i32
      %select_n3A_647 = arith.select %and3A_645, %add3A_646, %rem3A_637 : i32
      %mul3A_648 = arith.constant 400 : i32
      %mul3A_649 = arith.muli %select_n3A_631, %mul3A_648 : i32
      %mul3A_650 = arith.constant 80 : i32
      %mul3A_651 = arith.muli %select_n3A_647, %mul3A_650 : i32
      %add3A_652 = arith.addi %mul3A_649, %mul3A_651 : i32
      %dma_start3A_653 = arith.constant 0 : i32
      %dma_start3A_654 = arith.constant 0 : i32
      %dma_start3A_655 = tpu.memref_slice %arg12[%select_n3A_591, %dma_start3A_653, %dma_start3A_654] : memref<4x80x128xf32, #tpu.memory_space<vmem>> -> memref<1x80x128xf32, #tpu.memory_space<vmem>>
      %dma_start3A_656 = tpu.memref_squeeze %dma_start3A_655 : memref<1x80x128xf32, #tpu.memory_space<vmem>> -> memref<80x128xf32, #tpu.memory_space<vmem>>
      %dma_start3A_657 = tpu.memref_slice %arg7[%add3A_652] : memref<800xi32, #tpu.memory_space<vmem>> -> memref<80xi32, #tpu.memory_space<vmem>>
      %dma_start3A_658 = arith.constant 0 : i32
      %dma_start3A_659 = arith.constant 0 : i32
      %dma_start3A_660 = tpu.memref_slice %arg5[%dma_start3A_658, %dma_start3A_659] : memref<10240x128xf32, #tpu.memory_space<vmem_shared>> -> memref<10240x128xf32, #tpu.memory_space<vmem_shared>>
      %dma_start3A_661 = tpu.memref_slice %arg14[%select_n3A_591] : memref<4x!tpu.dma_semaphore, #tpu.memory_space<semaphore_mem>> -> memref<1x!tpu.dma_semaphore, #tpu.memory_space<semaphore_mem>>
      %dma_start3A_662 = tpu.memref_squeeze %dma_start3A_661 : memref<1x!tpu.dma_semaphore, #tpu.memory_space<semaphore_mem>> -> memref<!tpu.dma_semaphore, #tpu.memory_space<semaphore_mem>>
      tpu.enqueue_indirect_dma source(%dma_start3A_656 : memref<80x128xf32, #tpu.memory_space<vmem>>) target(%dma_start3A_660 : memref<10240x128xf32, #tpu.memory_space<vmem_shared>>) offsets(%dma_start3A_657 : memref<80xi32, #tpu.memory_space<vmem>>) semaphore(%dma_start3A_662 : memref<!tpu.dma_semaphore, #tpu.memory_space<semaphore_mem>>) {add = true}
    }
    %scan3A_448 = arith.constant 125 : i32
    %dma_wait3A_449 = arith.constant 0 : i32
    %dma_wait3A_450 = arith.constant 0 : i32
    %dma_wait3A_451 = arith.constant 0 : i32
    %dma_wait3A_452 = arith.constant 0 : i32
    %dma_wait3A_453 = tpu.memref_slice %arg12[%dma_wait3A_449, %dma_wait3A_451, %dma_wait3A_452] : memref<4x80x128xf32, #tpu.memory_space<vmem>> -> memref<1x80x128xf32, #tpu.memory_space<vmem>>
    %dma_wait3A_454 = tpu.memref_squeeze %dma_wait3A_453 : memref<1x80x128xf32, #tpu.memory_space<vmem>> -> memref<80x128xf32, #tpu.memory_space<vmem>>
    %dma_wait3A_455 = arith.constant 0 : i32
    %dma_wait3A_456 = tpu.memref_slice %arg7[%dma_wait3A_455] : memref<800xi32, #tpu.memory_space<vmem>> -> memref<80xi32, #tpu.memory_space<vmem>>
    %dma_wait3A_457 = arith.constant 0 : i32
    %dma_wait3A_458 = arith.constant 0 : i32
    %dma_wait3A_459 = tpu.memref_slice %arg5[%dma_wait3A_457, %dma_wait3A_458] : memref<10240x128xf32, #tpu.memory_space<vmem_shared>> -> memref<10240x128xf32, #tpu.memory_space<vmem_shared>>
    %dma_wait3A_460 = tpu.memref_slice %arg14[%dma_wait3A_450] : memref<4x!tpu.dma_semaphore, #tpu.memory_space<semaphore_mem>> -> memref<1x!tpu.dma_semaphore, #tpu.memory_space<semaphore_mem>>
    %dma_wait3A_461 = tpu.memref_squeeze %dma_wait3A_460 : memref<1x!tpu.dma_semaphore, #tpu.memory_space<semaphore_mem>> -> memref<!tpu.dma_semaphore, #tpu.memory_space<semaphore_mem>>
    tpu.wait_indirect_dma semaphore(%dma_wait3A_461 : memref<!tpu.dma_semaphore, #tpu.memory_space<semaphore_mem>>) src(%dma_wait3A_454 : memref<80x128xf32, #tpu.memory_space<vmem>>) dst(%dma_wait3A_459 : memref<10240x128xf32, #tpu.memory_space<vmem_shared>>)
    %barrier3A_462 = arith.constant 0 : index
    tpu.barrier barrier_id(%barrier3A_462)
    %mul3A_463 = arith.constant 640 : i32
    %mul3A_464 = arith.muli %arg1, %mul3A_463 : i32
    %mul3A_465 = arith.constant 640 : i32
    %mul3A_466 = arith.muli %arg1, %mul3A_465 : i32
    "tpu.region"() ({
      %run_scoped3A = tpu.sem_alloc : memref<!tpu.dma_semaphore, #tpu.memory_space<semaphore_mem>>
      %dma_start3A_467 = arith.constant 0 : i32
      %dma_start3A_468 = tpu.memref_slice %arg4[%arg0, %mul3A_466, %dma_start3A_467] : memref<2x10240x128xf32, #tpu.memory_space<hbm>> -> memref<1x640x128xf32, #tpu.memory_space<hbm>>
      %dma_start3A_469 = tpu.memref_squeeze %dma_start3A_468 : memref<1x640x128xf32, #tpu.memory_space<hbm>> -> memref<640x128xf32, #tpu.memory_space<hbm>>
      %dma_start3A_470 = arith.constant 0 : i32
      %dma_start3A_471 = tpu.memref_slice %arg5[%mul3A_464, %dma_start3A_470] : memref<10240x128xf32, #tpu.memory_space<vmem_shared>> -> memref<640x128xf32, #tpu.memory_space<vmem_shared>>
      tpu.enqueue_dma source(%dma_start3A_471 : memref<640x128xf32, #tpu.memory_space<vmem_shared>>) target(%dma_start3A_469 : memref<640x128xf32, #tpu.memory_space<hbm>>) target_semaphore(%run_scoped3A : memref<!tpu.dma_semaphore, #tpu.memory_space<semaphore_mem>>)
      %dma_wait3A_472 = arith.constant 0 : i32
      %dma_wait3A_473 = tpu.memref_slice %arg4[%arg0, %mul3A_466, %dma_wait3A_472] : memref<2x10240x128xf32, #tpu.memory_space<hbm>> -> memref<1x640x128xf32, #tpu.memory_space<hbm>>
      %dma_wait3A_474 = tpu.memref_squeeze %dma_wait3A_473 : memref<1x640x128xf32, #tpu.memory_space<hbm>> -> memref<640x128xf32, #tpu.memory_space<hbm>>
      %dma_wait3A_475 = arith.constant 0 : i32
      %dma_wait3A_476 = tpu.memref_slice %arg5[%mul3A_464, %dma_wait3A_475] : memref<10240x128xf32, #tpu.memory_space<vmem_shared>> -> memref<640x128xf32, #tpu.memory_space<vmem_shared>>
      tpu.wait_dma2 semaphore(%run_scoped3A : memref<!tpu.dma_semaphore, #tpu.memory_space<semaphore_mem>>) src(%dma_wait3A_476 : memref<640x128xf32, #tpu.memory_space<vmem_shared>>) dst(%dma_wait3A_474 : memref<640x128xf32, #tpu.memory_space<hbm>>)
      tpu.yield
    }) : () -> ()
    return
  }
}

#map = affine_map<(d0, d1) -> (0, 0)>
#map1 = affine_map<(d0, d1) -> (0)>
#map2 = affine_map<(d0, d1) -> (0, 0, 0)>
module attributes {stable_mosaic.version = 14 : i64} {
  func.func @body(%arg0: i32, %arg1: i32, %arg2: memref<10000x128xf32, #tpu.memory_space<hbm>>, %arg3: memref<640000xi32, #tpu.memory_space<hbm>>, %arg4: memref<2x10240x128xf32, #tpu.memory_space<hbm>>, %arg5: memref<2x1x10240xf32, #tpu.memory_space<hbm>>, %arg6: memref<10240x128xf32, #tpu.memory_space<vmem_shared>>, %arg7: memref<10240xf32, #tpu.memory_space<vmem_shared>>, %arg8: memref<800xi32, #tpu.memory_space<vmem>>, %arg9: memref<2x!tpu.dma_semaphore, #tpu.memory_space<semaphore_mem>>, %arg10: memref<112xf32, #tpu.memory_space<vmem>>, %arg11: memref<4x!tpu.dma_semaphore, #tpu.memory_space<semaphore_mem>>, %arg12: memref<2x!tpu.dma_semaphore, #tpu.memory_space<semaphore_mem>>, %arg13: memref<4x80x128xf32, #tpu.memory_space<vmem>>, %arg14: memref<800xi32, #tpu.memory_space<vmem>>, %arg15: memref<4x!tpu.dma_semaphore, #tpu.memory_space<semaphore_mem>>) attributes {dimension_semantics = [#tpu.dimension_semantics<core_parallel>, #tpu.dimension_semantics<subcore_parallel>], iteration_bounds = array<i64: 2, 16>, scalar_prefetch = 0 : i64, scratch_operands = 10 : i64, tpu.core_type = #tpu.core_type<sc_vector_subcore>, window_params = [{transform_indices = #map}, {transform_indices = #map1}, {transform_indices = #map2}, {transform_indices = #map2}]} {
    %mul3A = arith.constant 16 : i32
    %mul3A_0 = arith.muli %arg0, %mul3A : i32
    %add3A = arith.addi %mul3A_0, %arg1 : i32
    %broadcast_in_dim3A = arith.constant 0.000000e+00 : f32
    %broadcast_in_dim3A_1 = vector.broadcast %broadcast_in_dim3A : f32 to vector<16xf32>
    %swap3A = arith.constant 0 : index
    %swap3A_2 = tpu.vector_load %arg10[%swap3A] {strides = array<i32>} : memref<112xf32, #tpu.memory_space<vmem>>, vector<16xf32>,
    %swap3A_3 = vector.shape_cast %swap3A_2 : vector<16xf32> to vector<16xf32>
    %swap3A_4 = vector.shape_cast %broadcast_in_dim3A_1 : vector<16xf32> to vector<16xf32>
    tpu.vector_store %arg10[%swap3A], %swap3A_4 {strides = array<i32>} : memref<112xf32, #tpu.memory_space<vmem>>, vector<16xf32>,
    %swap3A_5 = arith.constant 16 : index
    %swap3A_6 = tpu.vector_load %arg10[%swap3A_5] {strides = array<i32>} : memref<112xf32, #tpu.memory_space<vmem>>, vector<16xf32>,
    %swap3A_7 = vector.shape_cast %swap3A_6 : vector<16xf32> to vector<16xf32>
    %swap3A_8 = vector.shape_cast %broadcast_in_dim3A_1 : vector<16xf32> to vector<16xf32>
    tpu.vector_store %arg10[%swap3A_5], %swap3A_8 {strides = array<i32>} : memref<112xf32, #tpu.memory_space<vmem>>, vector<16xf32>,
    %swap3A_9 = arith.constant 32 : index
    %swap3A_10 = tpu.vector_load %arg10[%swap3A_9] {strides = array<i32>} : memref<112xf32, #tpu.memory_space<vmem>>, vector<16xf32>,
    %swap3A_11 = vector.shape_cast %swap3A_10 : vector<16xf32> to vector<16xf32>
    %swap3A_12 = vector.shape_cast %broadcast_in_dim3A_1 : vector<16xf32> to vector<16xf32>
    tpu.vector_store %arg10[%swap3A_9], %swap3A_12 {strides = array<i32>} : memref<112xf32, #tpu.memory_space<vmem>>, vector<16xf32>,
    %swap3A_13 = arith.constant 48 : index
    %swap3A_14 = tpu.vector_load %arg10[%swap3A_13] {strides = array<i32>} : memref<112xf32, #tpu.memory_space<vmem>>, vector<16xf32>,
    %swap3A_15 = vector.shape_cast %swap3A_14 : vector<16xf32> to vector<16xf32>
    %swap3A_16 = vector.shape_cast %broadcast_in_dim3A_1 : vector<16xf32> to vector<16xf32>
    tpu.vector_store %arg10[%swap3A_13], %swap3A_16 {strides = array<i32>} : memref<112xf32, #tpu.memory_space<vmem>>, vector<16xf32>,
    %swap3A_17 = arith.constant 64 : index
    %swap3A_18 = tpu.vector_load %arg10[%swap3A_17] {strides = array<i32>} : memref<112xf32, #tpu.memory_space<vmem>>, vector<16xf32>,
    %swap3A_19 = vector.shape_cast %swap3A_18 : vector<16xf32> to vector<16xf32>
    %swap3A_20 = vector.shape_cast %broadcast_in_dim3A_1 : vector<16xf32> to vector<16xf32>
    tpu.vector_store %arg10[%swap3A_17], %swap3A_20 {strides = array<i32>} : memref<112xf32, #tpu.memory_space<vmem>>, vector<16xf32>,
    %swap3A_21 = arith.constant 80 : index
    %swap3A_22 = tpu.vector_load %arg10[%swap3A_21] {strides = array<i32>} : memref<112xf32, #tpu.memory_space<vmem>>, vector<16xf32>,
    %swap3A_23 = vector.shape_cast %swap3A_22 : vector<16xf32> to vector<16xf32>
    %swap3A_24 = vector.shape_cast %broadcast_in_dim3A_1 : vector<16xf32> to vector<16xf32>
    tpu.vector_store %arg10[%swap3A_21], %swap3A_24 {strides = array<i32>} : memref<112xf32, #tpu.memory_space<vmem>>, vector<16xf32>,
    %swap3A_25 = arith.constant 96 : index
    %swap3A_26 = tpu.vector_load %arg10[%swap3A_25] {strides = array<i32>} : memref<112xf32, #tpu.memory_space<vmem>>, vector<16xf32>,
    %swap3A_27 = vector.shape_cast %swap3A_26 : vector<16xf32> to vector<16xf32>
    %swap3A_28 = vector.shape_cast %broadcast_in_dim3A_1 : vector<16xf32> to vector<16xf32>
    tpu.vector_store %arg10[%swap3A_25], %swap3A_28 {strides = array<i32>} : memref<112xf32, #tpu.memory_space<vmem>>, vector<16xf32>,
    %mul3A_29 = arith.constant 10000 : i32
    %mul3A_30 = arith.muli %add3A, %mul3A_29 : i32
    %add3A_31 = arith.constant 0 : i32
    %add3A_32 = arith.addi %mul3A_30, %add3A_31 : i32
    %dma_start3A = arith.constant 0 : i32
    %dma_start3A_33 = arith.constant 0 : i32
    %dma_start3A_34 = tpu.memref_slice %arg14[%dma_start3A_33] : memref<800xi32, #tpu.memory_space<vmem>> -> memref<400xi32, #tpu.memory_space<vmem>>
    %dma_start3A_35 = tpu.memref_slice %arg3[%add3A_32] : memref<640000xi32, #tpu.memory_space<hbm>> -> memref<400xi32, #tpu.memory_space<hbm>>
    %dma_start3A_36 = tpu.memref_slice %arg12[%dma_start3A] : memref<2x!tpu.dma_semaphore, #tpu.memory_space<semaphore_mem>> -> memref<1x!tpu.dma_semaphore, #tpu.memory_space<semaphore_mem>>
    %dma_start3A_37 = tpu.memref_squeeze %dma_start3A_36 : memref<1x!tpu.dma_semaphore, #tpu.memory_space<semaphore_mem>> -> memref<!tpu.dma_semaphore, #tpu.memory_space<semaphore_mem>>
    %dma_start3A_38 = arith.constant 0 : i32
    %dma_start3A_39 = tpu.memref_slice %arg14[%dma_start3A_38] : memref<800xi32, #tpu.memory_space<vmem>> -> memref<400xi32, #tpu.memory_space<vmem>>
    %dma_start3A_40 = tpu.memref_slice %arg3[%add3A_32] : memref<640000xi32, #tpu.memory_space<hbm>> -> memref<400xi32, #tpu.memory_space<hbm>>
    tpu.enqueue_dma source(%dma_start3A_40 : memref<400xi32, #tpu.memory_space<hbm>>) target(%dma_start3A_39 : memref<400xi32, #tpu.memory_space<vmem>>) target_semaphore(%dma_start3A_37 : memref<!tpu.dma_semaphore, #tpu.memory_space<semaphore_mem>>)
    %add3A_41 = arith.constant 320000 : i32
    %add3A_42 = arith.addi %add3A_41, %add3A_32 : i32
    %dma_start3A_43 = arith.constant 0 : i32
    %dma_start3A_44 = arith.constant 0 : i32
    %dma_start3A_45 = tpu.memref_slice %arg8[%dma_start3A_44] : memref<800xi32, #tpu.memory_space<vmem>> -> memref<400xi32, #tpu.memory_space<vmem>>
    %dma_start3A_46 = tpu.memref_slice %arg3[%add3A_42] : memref<640000xi32, #tpu.memory_space<hbm>> -> memref<400xi32, #tpu.memory_space<hbm>>
    %dma_start3A_47 = tpu.memref_slice %arg12[%dma_start3A_43] : memref<2x!tpu.dma_semaphore, #tpu.memory_space<semaphore_mem>> -> memref<1x!tpu.dma_semaphore, #tpu.memory_space<semaphore_mem>>
    %dma_start3A_48 = tpu.memref_squeeze %dma_start3A_47 : memref<1x!tpu.dma_semaphore, #tpu.memory_space<semaphore_mem>> -> memref<!tpu.dma_semaphore, #tpu.memory_space<semaphore_mem>>
    %dma_start3A_49 = arith.constant 0 : i32
    %dma_start3A_50 = tpu.memref_slice %arg8[%dma_start3A_49] : memref<800xi32, #tpu.memory_space<vmem>> -> memref<400xi32, #tpu.memory_space<vmem>>
    %dma_start3A_51 = tpu.memref_slice %arg3[%add3A_42] : memref<640000xi32, #tpu.memory_space<hbm>> -> memref<400xi32, #tpu.memory_space<hbm>>
    tpu.enqueue_dma source(%dma_start3A_51 : memref<400xi32, #tpu.memory_space<hbm>>) target(%dma_start3A_50 : memref<400xi32, #tpu.memory_space<vmem>>) target_semaphore(%dma_start3A_48 : memref<!tpu.dma_semaphore, #tpu.memory_space<semaphore_mem>>)
    %mul3A_52 = arith.constant 10000 : i32
    %mul3A_53 = arith.muli %add3A, %mul3A_52 : i32
    %add3A_54 = arith.constant 400 : i32
    %add3A_55 = arith.addi %mul3A_53, %add3A_54 : i32
    %dma_start3A_56 = arith.constant 1 : i32
    %dma_start3A_57 = arith.constant 400 : i32
    %dma_start3A_58 = tpu.memref_slice %arg14[%dma_start3A_57] : memref<800xi32, #tpu.memory_space<vmem>> -> memref<400xi32, #tpu.memory_space<vmem>>
    %dma_start3A_59 = tpu.memref_slice %arg3[%add3A_55] : memref<640000xi32, #tpu.memory_space<hbm>> -> memref<400xi32, #tpu.memory_space<hbm>>
    %dma_start3A_60 = tpu.memref_slice %arg12[%dma_start3A_56] : memref<2x!tpu.dma_semaphore, #tpu.memory_space<semaphore_mem>> -> memref<1x!tpu.dma_semaphore, #tpu.memory_space<semaphore_mem>>
    %dma_start3A_61 = tpu.memref_squeeze %dma_start3A_60 : memref<1x!tpu.dma_semaphore, #tpu.memory_space<semaphore_mem>> -> memref<!tpu.dma_semaphore, #tpu.memory_space<semaphore_mem>>
    %dma_start3A_62 = arith.constant 400 : i32
    %dma_start3A_63 = tpu.memref_slice %arg14[%dma_start3A_62] : memref<800xi32, #tpu.memory_space<vmem>> -> memref<400xi32, #tpu.memory_space<vmem>>
    %dma_start3A_64 = tpu.memref_slice %arg3[%add3A_55] : memref<640000xi32, #tpu.memory_space<hbm>> -> memref<400xi32, #tpu.memory_space<hbm>>
    tpu.enqueue_dma source(%dma_start3A_64 : memref<400xi32, #tpu.memory_space<hbm>>) target(%dma_start3A_63 : memref<400xi32, #tpu.memory_space<vmem>>) target_semaphore(%dma_start3A_61 : memref<!tpu.dma_semaphore, #tpu.memory_space<semaphore_mem>>)
    %add3A_65 = arith.constant 320000 : i32
    %add3A_66 = arith.addi %add3A_65, %add3A_55 : i32
    %dma_start3A_67 = arith.constant 1 : i32
    %dma_start3A_68 = arith.constant 400 : i32
    %dma_start3A_69 = tpu.memref_slice %arg8[%dma_start3A_68] : memref<800xi32, #tpu.memory_space<vmem>> -> memref<400xi32, #tpu.memory_space<vmem>>
    %dma_start3A_70 = tpu.memref_slice %arg3[%add3A_66] : memref<640000xi32, #tpu.memory_space<hbm>> -> memref<400xi32, #tpu.memory_space<hbm>>
    %dma_start3A_71 = tpu.memref_slice %arg12[%dma_start3A_67] : memref<2x!tpu.dma_semaphore, #tpu.memory_space<semaphore_mem>> -> memref<1x!tpu.dma_semaphore, #tpu.memory_space<semaphore_mem>>
    %dma_start3A_72 = tpu.memref_squeeze %dma_start3A_71 : memref<1x!tpu.dma_semaphore, #tpu.memory_space<semaphore_mem>> -> memref<!tpu.dma_semaphore, #tpu.memory_space<semaphore_mem>>
    %dma_start3A_73 = arith.constant 400 : i32
    %dma_start3A_74 = tpu.memref_slice %arg8[%dma_start3A_73] : memref<800xi32, #tpu.memory_space<vmem>> -> memref<400xi32, #tpu.memory_space<vmem>>
    %dma_start3A_75 = tpu.memref_slice %arg3[%add3A_66] : memref<640000xi32, #tpu.memory_space<hbm>> -> memref<400xi32, #tpu.memory_space<hbm>>
    tpu.enqueue_dma source(%dma_start3A_75 : memref<400xi32, #tpu.memory_space<hbm>>) target(%dma_start3A_74 : memref<400xi32, #tpu.memory_space<vmem>>) target_semaphore(%dma_start3A_72 : memref<!tpu.dma_semaphore, #tpu.memory_space<semaphore_mem>>)
    %scan3A = arith.constant 0 : i32
    %scan3A_76 = arith.constant 80 : i32
    %scan3A_77 = arith.addi %scan3A, %scan3A_76 : i32
    %scan3A_78 = arith.constant 1 : i32
    scf.for %scan3A_702 = %scan3A to %scan3A_77 step %scan3A_78  : i32 {
      %mul3A_703 = arith.constant 1 : i32
      %mul3A_704 = arith.muli %scan3A_702, %mul3A_703 : i32
      %add3A_705 = arith.constant 0 : i32
      %add3A_706 = arith.addi %add3A_705, %mul3A_704 : i32
      %swap3A_707 = arith.constant 0 : i32
      %swap3A_708 = arith.index_cast %swap3A_707 : i32 to index
      %swap3A_709 = arith.index_cast %add3A_706 : i32 to index
      %swap3A_710 = arith.constant 0 : index
      %swap3A_711 = tpu.vector_load %arg13[%swap3A_708, %swap3A_709, %swap3A_710] {strides = array<i32>} : memref<4x80x128xf32, #tpu.memory_space<vmem>>, vector<1x1x16xf32>,
      %swap3A_712 = vector.shape_cast %swap3A_711 : vector<1x1x16xf32> to vector<16xf32>
      %swap3A_713 = vector.shape_cast %broadcast_in_dim3A_1 : vector<16xf32> to vector<1x1x16xf32>
      tpu.vector_store %arg13[%swap3A_708, %swap3A_709, %swap3A_710], %swap3A_713 {strides = array<i32>} : memref<4x80x128xf32, #tpu.memory_space<vmem>>, vector<1x1x16xf32>,
      %swap3A_714 = arith.constant 0 : i32
      %swap3A_715 = arith.index_cast %swap3A_714 : i32 to index
      %swap3A_716 = arith.index_cast %add3A_706 : i32 to index
      %swap3A_717 = arith.constant 16 : index
      %swap3A_718 = tpu.vector_load %arg13[%swap3A_715, %swap3A_716, %swap3A_717] {strides = array<i32>} : memref<4x80x128xf32, #tpu.memory_space<vmem>>, vector<1x1x16xf32>,
      %swap3A_719 = vector.shape_cast %swap3A_718 : vector<1x1x16xf32> to vector<16xf32>
      %swap3A_720 = vector.shape_cast %broadcast_in_dim3A_1 : vector<16xf32> to vector<1x1x16xf32>
      tpu.vector_store %arg13[%swap3A_715, %swap3A_716, %swap3A_717], %swap3A_720 {strides = array<i32>} : memref<4x80x128xf32, #tpu.memory_space<vmem>>, vector<1x1x16xf32>,
      %swap3A_721 = arith.constant 0 : i32
      %swap3A_722 = arith.index_cast %swap3A_721 : i32 to index
      %swap3A_723 = arith.index_cast %add3A_706 : i32 to index
      %swap3A_724 = arith.constant 32 : index
      %swap3A_725 = tpu.vector_load %arg13[%swap3A_722, %swap3A_723, %swap3A_724] {strides = array<i32>} : memref<4x80x128xf32, #tpu.memory_space<vmem>>, vector<1x1x16xf32>,
      %swap3A_726 = vector.shape_cast %swap3A_725 : vector<1x1x16xf32> to vector<16xf32>
      %swap3A_727 = vector.shape_cast %broadcast_in_dim3A_1 : vector<16xf32> to vector<1x1x16xf32>
      tpu.vector_store %arg13[%swap3A_722, %swap3A_723, %swap3A_724], %swap3A_727 {strides = array<i32>} : memref<4x80x128xf32, #tpu.memory_space<vmem>>, vector<1x1x16xf32>,
      %swap3A_728 = arith.constant 0 : i32
      %swap3A_729 = arith.index_cast %swap3A_728 : i32 to index
      %swap3A_730 = arith.index_cast %add3A_706 : i32 to index
      %swap3A_731 = arith.constant 48 : index
      %swap3A_732 = tpu.vector_load %arg13[%swap3A_729, %swap3A_730, %swap3A_731] {strides = array<i32>} : memref<4x80x128xf32, #tpu.memory_space<vmem>>, vector<1x1x16xf32>,
      %swap3A_733 = vector.shape_cast %swap3A_732 : vector<1x1x16xf32> to vector<16xf32>
      %swap3A_734 = vector.shape_cast %broadcast_in_dim3A_1 : vector<16xf32> to vector<1x1x16xf32>
      tpu.vector_store %arg13[%swap3A_729, %swap3A_730, %swap3A_731], %swap3A_734 {strides = array<i32>} : memref<4x80x128xf32, #tpu.memory_space<vmem>>, vector<1x1x16xf32>,
      %swap3A_735 = arith.constant 0 : i32
      %swap3A_736 = arith.index_cast %swap3A_735 : i32 to index
      %swap3A_737 = arith.index_cast %add3A_706 : i32 to index
      %swap3A_738 = arith.constant 64 : index
      %swap3A_739 = tpu.vector_load %arg13[%swap3A_736, %swap3A_737, %swap3A_738] {strides = array<i32>} : memref<4x80x128xf32, #tpu.memory_space<vmem>>, vector<1x1x16xf32>,
      %swap3A_740 = vector.shape_cast %swap3A_739 : vector<1x1x16xf32> to vector<16xf32>
      %swap3A_741 = vector.shape_cast %broadcast_in_dim3A_1 : vector<16xf32> to vector<1x1x16xf32>
      tpu.vector_store %arg13[%swap3A_736, %swap3A_737, %swap3A_738], %swap3A_741 {strides = array<i32>} : memref<4x80x128xf32, #tpu.memory_space<vmem>>, vector<1x1x16xf32>,
      %swap3A_742 = arith.constant 0 : i32
      %swap3A_743 = arith.index_cast %swap3A_742 : i32 to index
      %swap3A_744 = arith.index_cast %add3A_706 : i32 to index
      %swap3A_745 = arith.constant 80 : index
      %swap3A_746 = tpu.vector_load %arg13[%swap3A_743, %swap3A_744, %swap3A_745] {strides = array<i32>} : memref<4x80x128xf32, #tpu.memory_space<vmem>>, vector<1x1x16xf32>,
      %swap3A_747 = vector.shape_cast %swap3A_746 : vector<1x1x16xf32> to vector<16xf32>
      %swap3A_748 = vector.shape_cast %broadcast_in_dim3A_1 : vector<16xf32> to vector<1x1x16xf32>
      tpu.vector_store %arg13[%swap3A_743, %swap3A_744, %swap3A_745], %swap3A_748 {strides = array<i32>} : memref<4x80x128xf32, #tpu.memory_space<vmem>>, vector<1x1x16xf32>,
      %swap3A_749 = arith.constant 0 : i32
      %swap3A_750 = arith.index_cast %swap3A_749 : i32 to index
      %swap3A_751 = arith.index_cast %add3A_706 : i32 to index
      %swap3A_752 = arith.constant 96 : index
      %swap3A_753 = tpu.vector_load %arg13[%swap3A_750, %swap3A_751, %swap3A_752] {strides = array<i32>} : memref<4x80x128xf32, #tpu.memory_space<vmem>>, vector<1x1x16xf32>,
      %swap3A_754 = vector.shape_cast %swap3A_753 : vector<1x1x16xf32> to vector<16xf32>
      %swap3A_755 = vector.shape_cast %broadcast_in_dim3A_1 : vector<16xf32> to vector<1x1x16xf32>
      tpu.vector_store %arg13[%swap3A_750, %swap3A_751, %swap3A_752], %swap3A_755 {strides = array<i32>} : memref<4x80x128xf32, #tpu.memory_space<vmem>>, vector<1x1x16xf32>,
      %swap3A_756 = arith.constant 0 : i32
      %swap3A_757 = arith.index_cast %swap3A_756 : i32 to index
      %swap3A_758 = arith.index_cast %add3A_706 : i32 to index
      %swap3A_759 = arith.constant 112 : index
      %swap3A_760 = tpu.vector_load %arg13[%swap3A_757, %swap3A_758, %swap3A_759] {strides = array<i32>} : memref<4x80x128xf32, #tpu.memory_space<vmem>>, vector<1x1x16xf32>,
      %swap3A_761 = vector.shape_cast %swap3A_760 : vector<1x1x16xf32> to vector<16xf32>
      %swap3A_762 = vector.shape_cast %broadcast_in_dim3A_1 : vector<16xf32> to vector<1x1x16xf32>
      tpu.vector_store %arg13[%swap3A_757, %swap3A_758, %swap3A_759], %swap3A_762 {strides = array<i32>} : memref<4x80x128xf32, #tpu.memory_space<vmem>>, vector<1x1x16xf32>,
    }
    %scan3A_79 = arith.constant 80 : i32
    %mul3A_80 = arith.constant 640 : i32
    %mul3A_81 = arith.muli %arg1, %mul3A_80 : i32
    %add3A_82 = arith.constant 0 : i32
    %add3A_83 = arith.addi %mul3A_81, %add3A_82 : i32
    %dma_start3A_84 = arith.constant 0 : i32
    %dma_start3A_85 = arith.constant 0 : i32
    %dma_start3A_86 = arith.constant 0 : i32
    %dma_start3A_87 = arith.constant 0 : i32
    %dma_start3A_88 = tpu.memref_slice %arg13[%dma_start3A_84, %dma_start3A_86, %dma_start3A_87] : memref<4x80x128xf32, #tpu.memory_space<vmem>> -> memref<1x80x128xf32, #tpu.memory_space<vmem>>
    %dma_start3A_89 = tpu.memref_squeeze %dma_start3A_88 : memref<1x80x128xf32, #tpu.memory_space<vmem>> -> memref<80x128xf32, #tpu.memory_space<vmem>>
    %dma_start3A_90 = arith.constant 0 : i32
    %dma_start3A_91 = tpu.memref_slice %arg6[%add3A_83, %dma_start3A_90] : memref<10240x128xf32, #tpu.memory_space<vmem_shared>> -> memref<80x128xf32, #tpu.memory_space<vmem_shared>>
    %dma_start3A_92 = tpu.memref_slice %arg15[%dma_start3A_85] : memref<4x!tpu.dma_semaphore, #tpu.memory_space<semaphore_mem>> -> memref<1x!tpu.dma_semaphore, #tpu.memory_space<semaphore_mem>>
    %dma_start3A_93 = tpu.memref_squeeze %dma_start3A_92 : memref<1x!tpu.dma_semaphore, #tpu.memory_space<semaphore_mem>> -> memref<!tpu.dma_semaphore, #tpu.memory_space<semaphore_mem>>
    %dma_start3A_94 = arith.constant 0 : i32
    %dma_start3A_95 = tpu.memref_slice %arg6[%add3A_83, %dma_start3A_94] : memref<10240x128xf32, #tpu.memory_space<vmem_shared>> -> memref<80x128xf32, #tpu.memory_space<vmem_shared>>
    %dma_start3A_96 = arith.constant 0 : i32
    %dma_start3A_97 = arith.constant 0 : i32
    %dma_start3A_98 = tpu.memref_slice %arg13[%dma_start3A_84, %dma_start3A_96, %dma_start3A_97] : memref<4x80x128xf32, #tpu.memory_space<vmem>> -> memref<1x80x128xf32, #tpu.memory_space<vmem>>
    %dma_start3A_99 = tpu.memref_squeeze %dma_start3A_98 : memref<1x80x128xf32, #tpu.memory_space<vmem>> -> memref<80x128xf32, #tpu.memory_space<vmem>>
    tpu.enqueue_dma source(%dma_start3A_99 : memref<80x128xf32, #tpu.memory_space<vmem>>) target(%dma_start3A_95 : memref<80x128xf32, #tpu.memory_space<vmem_shared>>) target_semaphore(%dma_start3A_93 : memref<!tpu.dma_semaphore, #tpu.memory_space<semaphore_mem>>)
    %mul3A_100 = arith.constant 640 : i32
    %mul3A_101 = arith.muli %arg1, %mul3A_100 : i32
    %add3A_102 = arith.constant 0 : i32
    %add3A_103 = arith.addi %mul3A_101, %add3A_102 : i32
    %dma_start3A_104 = arith.constant 0 : i32
    %dma_start3A_105 = arith.constant 0 : i32
    %dma_start3A_106 = tpu.memref_slice %arg10[%dma_start3A_105] : memref<112xf32, #tpu.memory_space<vmem>> -> memref<80xf32, #tpu.memory_space<vmem>>
    %dma_start3A_107 = tpu.memref_slice %arg7[%add3A_103] : memref<10240xf32, #tpu.memory_space<vmem_shared>> -> memref<80xf32, #tpu.memory_space<vmem_shared>>
    %dma_start3A_108 = tpu.memref_slice %arg9[%dma_start3A_104] : memref<2x!tpu.dma_semaphore, #tpu.memory_space<semaphore_mem>> -> memref<1x!tpu.dma_semaphore, #tpu.memory_space<semaphore_mem>>
    %dma_start3A_109 = tpu.memref_squeeze %dma_start3A_108 : memref<1x!tpu.dma_semaphore, #tpu.memory_space<semaphore_mem>> -> memref<!tpu.dma_semaphore, #tpu.memory_space<semaphore_mem>>
    %dma_start3A_110 = tpu.memref_slice %arg7[%add3A_103] : memref<10240xf32, #tpu.memory_space<vmem_shared>> -> memref<80xf32, #tpu.memory_space<vmem_shared>>
    %dma_start3A_111 = arith.constant 0 : i32
    %dma_start3A_112 = tpu.memref_slice %arg10[%dma_start3A_111] : memref<112xf32, #tpu.memory_space<vmem>> -> memref<80xf32, #tpu.memory_space<vmem>>
    tpu.enqueue_dma source(%dma_start3A_112 : memref<80xf32, #tpu.memory_space<vmem>>) target(%dma_start3A_110 : memref<80xf32, #tpu.memory_space<vmem_shared>>) target_semaphore(%dma_start3A_109 : memref<!tpu.dma_semaphore, #tpu.memory_space<semaphore_mem>>)
    %mul3A_113 = arith.constant 640 : i32
    %mul3A_114 = arith.muli %arg1, %mul3A_113 : i32
    %add3A_115 = arith.constant 80 : i32
    %add3A_116 = arith.addi %mul3A_114, %add3A_115 : i32
    %dma_start3A_117 = arith.constant 0 : i32
    %dma_start3A_118 = arith.constant 1 : i32
    %dma_start3A_119 = arith.constant 0 : i32
    %dma_start3A_120 = arith.constant 0 : i32
    %dma_start3A_121 = tpu.memref_slice %arg13[%dma_start3A_117, %dma_start3A_119, %dma_start3A_120] : memref<4x80x128xf32, #tpu.memory_space<vmem>> -> memref<1x80x128xf32, #tpu.memory_space<vmem>>
    %dma_start3A_122 = tpu.memref_squeeze %dma_start3A_121 : memref<1x80x128xf32, #tpu.memory_space<vmem>> -> memref<80x128xf32, #tpu.memory_space<vmem>>
    %dma_start3A_123 = arith.constant 0 : i32
    %dma_start3A_124 = tpu.memref_slice %arg6[%add3A_116, %dma_start3A_123] : memref<10240x128xf32, #tpu.memory_space<vmem_shared>> -> memref<80x128xf32, #tpu.memory_space<vmem_shared>>
    %dma_start3A_125 = tpu.memref_slice %arg15[%dma_start3A_118] : memref<4x!tpu.dma_semaphore, #tpu.memory_space<semaphore_mem>> -> memref<1x!tpu.dma_semaphore, #tpu.memory_space<semaphore_mem>>
    %dma_start3A_126 = tpu.memref_squeeze %dma_start3A_125 : memref<1x!tpu.dma_semaphore, #tpu.memory_space<semaphore_mem>> -> memref<!tpu.dma_semaphore, #tpu.memory_space<semaphore_mem>>
    %dma_start3A_127 = arith.constant 0 : i32
    %dma_start3A_128 = tpu.memref_slice %arg6[%add3A_116, %dma_start3A_127] : memref<10240x128xf32, #tpu.memory_space<vmem_shared>> -> memref<80x128xf32, #tpu.memory_space<vmem_shared>>
    %dma_start3A_129 = arith.constant 0 : i32
    %dma_start3A_130 = arith.constant 0 : i32
    %dma_start3A_131 = tpu.memref_slice %arg13[%dma_start3A_117, %dma_start3A_129, %dma_start3A_130] : memref<4x80x128xf32, #tpu.memory_space<vmem>> -> memref<1x80x128xf32, #tpu.memory_space<vmem>>
    %dma_start3A_132 = tpu.memref_squeeze %dma_start3A_131 : memref<1x80x128xf32, #tpu.memory_space<vmem>> -> memref<80x128xf32, #tpu.memory_space<vmem>>
    tpu.enqueue_dma source(%dma_start3A_132 : memref<80x128xf32, #tpu.memory_space<vmem>>) target(%dma_start3A_128 : memref<80x128xf32, #tpu.memory_space<vmem_shared>>) target_semaphore(%dma_start3A_126 : memref<!tpu.dma_semaphore, #tpu.memory_space<semaphore_mem>>)
    %mul3A_133 = arith.constant 640 : i32
    %mul3A_134 = arith.muli %arg1, %mul3A_133 : i32
    %add3A_135 = arith.constant 80 : i32
    %add3A_136 = arith.addi %mul3A_134, %add3A_135 : i32
    %dma_start3A_137 = arith.constant 1 : i32
    %dma_start3A_138 = arith.constant 0 : i32
    %dma_start3A_139 = tpu.memref_slice %arg10[%dma_start3A_138] : memref<112xf32, #tpu.memory_space<vmem>> -> memref<80xf32, #tpu.memory_space<vmem>>
    %dma_start3A_140 = tpu.memref_slice %arg7[%add3A_136] : memref<10240xf32, #tpu.memory_space<vmem_shared>> -> memref<80xf32, #tpu.memory_space<vmem_shared>>
    %dma_start3A_141 = tpu.memref_slice %arg9[%dma_start3A_137] : memref<2x!tpu.dma_semaphore, #tpu.memory_space<semaphore_mem>> -> memref<1x!tpu.dma_semaphore, #tpu.memory_space<semaphore_mem>>
    %dma_start3A_142 = tpu.memref_squeeze %dma_start3A_141 : memref<1x!tpu.dma_semaphore, #tpu.memory_space<semaphore_mem>> -> memref<!tpu.dma_semaphore, #tpu.memory_space<semaphore_mem>>
    %dma_start3A_143 = tpu.memref_slice %arg7[%add3A_136] : memref<10240xf32, #tpu.memory_space<vmem_shared>> -> memref<80xf32, #tpu.memory_space<vmem_shared>>
    %dma_start3A_144 = arith.constant 0 : i32
    %dma_start3A_145 = tpu.memref_slice %arg10[%dma_start3A_144] : memref<112xf32, #tpu.memory_space<vmem>> -> memref<80xf32, #tpu.memory_space<vmem>>
    tpu.enqueue_dma source(%dma_start3A_145 : memref<80xf32, #tpu.memory_space<vmem>>) target(%dma_start3A_143 : memref<80xf32, #tpu.memory_space<vmem_shared>>) target_semaphore(%dma_start3A_142 : memref<!tpu.dma_semaphore, #tpu.memory_space<semaphore_mem>>)
    %mul3A_146 = arith.constant 640 : i32
    %mul3A_147 = arith.muli %arg1, %mul3A_146 : i32
    %add3A_148 = arith.constant 160 : i32
    %add3A_149 = arith.addi %mul3A_147, %add3A_148 : i32
    %dma_start3A_150 = arith.constant 0 : i32
    %dma_start3A_151 = arith.constant 2 : i32
    %dma_start3A_152 = arith.constant 0 : i32
    %dma_start3A_153 = arith.constant 0 : i32
    %dma_start3A_154 = tpu.memref_slice %arg13[%dma_start3A_150, %dma_start3A_152, %dma_start3A_153] : memref<4x80x128xf32, #tpu.memory_space<vmem>> -> memref<1x80x128xf32, #tpu.memory_space<vmem>>
    %dma_start3A_155 = tpu.memref_squeeze %dma_start3A_154 : memref<1x80x128xf32, #tpu.memory_space<vmem>> -> memref<80x128xf32, #tpu.memory_space<vmem>>
    %dma_start3A_156 = arith.constant 0 : i32
    %dma_start3A_157 = tpu.memref_slice %arg6[%add3A_149, %dma_start3A_156] : memref<10240x128xf32, #tpu.memory_space<vmem_shared>> -> memref<80x128xf32, #tpu.memory_space<vmem_shared>>
    %dma_start3A_158 = tpu.memref_slice %arg15[%dma_start3A_151] : memref<4x!tpu.dma_semaphore, #tpu.memory_space<semaphore_mem>> -> memref<1x!tpu.dma_semaphore, #tpu.memory_space<semaphore_mem>>
    %dma_start3A_159 = tpu.memref_squeeze %dma_start3A_158 : memref<1x!tpu.dma_semaphore, #tpu.memory_space<semaphore_mem>> -> memref<!tpu.dma_semaphore, #tpu.memory_space<semaphore_mem>>
    %dma_start3A_160 = arith.constant 0 : i32
    %dma_start3A_161 = tpu.memref_slice %arg6[%add3A_149, %dma_start3A_160] : memref<10240x128xf32, #tpu.memory_space<vmem_shared>> -> memref<80x128xf32, #tpu.memory_space<vmem_shared>>
    %dma_start3A_162 = arith.constant 0 : i32
    %dma_start3A_163 = arith.constant 0 : i32
    %dma_start3A_164 = tpu.memref_slice %arg13[%dma_start3A_150, %dma_start3A_162, %dma_start3A_163] : memref<4x80x128xf32, #tpu.memory_space<vmem>> -> memref<1x80x128xf32, #tpu.memory_space<vmem>>
    %dma_start3A_165 = tpu.memref_squeeze %dma_start3A_164 : memref<1x80x128xf32, #tpu.memory_space<vmem>> -> memref<80x128xf32, #tpu.memory_space<vmem>>
    tpu.enqueue_dma source(%dma_start3A_165 : memref<80x128xf32, #tpu.memory_space<vmem>>) target(%dma_start3A_161 : memref<80x128xf32, #tpu.memory_space<vmem_shared>>) target_semaphore(%dma_start3A_159 : memref<!tpu.dma_semaphore, #tpu.memory_space<semaphore_mem>>)
    %mul3A_166 = arith.constant 640 : i32
    %mul3A_167 = arith.muli %arg1, %mul3A_166 : i32
    %add3A_168 = arith.constant 160 : i32
    %add3A_169 = arith.addi %mul3A_167, %add3A_168 : i32
    %dma_start3A_170 = arith.constant 0 : i32
    %dma_start3A_171 = arith.constant 0 : i32
    %dma_start3A_172 = tpu.memref_slice %arg10[%dma_start3A_171] : memref<112xf32, #tpu.memory_space<vmem>> -> memref<80xf32, #tpu.memory_space<vmem>>
    %dma_start3A_173 = tpu.memref_slice %arg7[%add3A_169] : memref<10240xf32, #tpu.memory_space<vmem_shared>> -> memref<80xf32, #tpu.memory_space<vmem_shared>>
    %dma_start3A_174 = tpu.memref_slice %arg9[%dma_start3A_170] : memref<2x!tpu.dma_semaphore, #tpu.memory_space<semaphore_mem>> -> memref<1x!tpu.dma_semaphore, #tpu.memory_space<semaphore_mem>>
    %dma_start3A_175 = tpu.memref_squeeze %dma_start3A_174 : memref<1x!tpu.dma_semaphore, #tpu.memory_space<semaphore_mem>> -> memref<!tpu.dma_semaphore, #tpu.memory_space<semaphore_mem>>
    %dma_start3A_176 = tpu.memref_slice %arg7[%add3A_169] : memref<10240xf32, #tpu.memory_space<vmem_shared>> -> memref<80xf32, #tpu.memory_space<vmem_shared>>
    %dma_start3A_177 = arith.constant 0 : i32
    %dma_start3A_178 = tpu.memref_slice %arg10[%dma_start3A_177] : memref<112xf32, #tpu.memory_space<vmem>> -> memref<80xf32, #tpu.memory_space<vmem>>
    tpu.enqueue_dma source(%dma_start3A_178 : memref<80xf32, #tpu.memory_space<vmem>>) target(%dma_start3A_176 : memref<80xf32, #tpu.memory_space<vmem_shared>>) target_semaphore(%dma_start3A_175 : memref<!tpu.dma_semaphore, #tpu.memory_space<semaphore_mem>>)
    %mul3A_179 = arith.constant 640 : i32
    %mul3A_180 = arith.muli %arg1, %mul3A_179 : i32
    %add3A_181 = arith.constant 240 : i32
    %add3A_182 = arith.addi %mul3A_180, %add3A_181 : i32
    %dma_start3A_183 = arith.constant 0 : i32
    %dma_start3A_184 = arith.constant 3 : i32
    %dma_start3A_185 = arith.constant 0 : i32
    %dma_start3A_186 = arith.constant 0 : i32
    %dma_start3A_187 = tpu.memref_slice %arg13[%dma_start3A_183, %dma_start3A_185, %dma_start3A_186] : memref<4x80x128xf32, #tpu.memory_space<vmem>> -> memref<1x80x128xf32, #tpu.memory_space<vmem>>
    %dma_start3A_188 = tpu.memref_squeeze %dma_start3A_187 : memref<1x80x128xf32, #tpu.memory_space<vmem>> -> memref<80x128xf32, #tpu.memory_space<vmem>>
    %dma_start3A_189 = arith.constant 0 : i32
    %dma_start3A_190 = tpu.memref_slice %arg6[%add3A_182, %dma_start3A_189] : memref<10240x128xf32, #tpu.memory_space<vmem_shared>> -> memref<80x128xf32, #tpu.memory_space<vmem_shared>>
    %dma_start3A_191 = tpu.memref_slice %arg15[%dma_start3A_184] : memref<4x!tpu.dma_semaphore, #tpu.memory_space<semaphore_mem>> -> memref<1x!tpu.dma_semaphore, #tpu.memory_space<semaphore_mem>>
    %dma_start3A_192 = tpu.memref_squeeze %dma_start3A_191 : memref<1x!tpu.dma_semaphore, #tpu.memory_space<semaphore_mem>> -> memref<!tpu.dma_semaphore, #tpu.memory_space<semaphore_mem>>
    %dma_start3A_193 = arith.constant 0 : i32
    %dma_start3A_194 = tpu.memref_slice %arg6[%add3A_182, %dma_start3A_193] : memref<10240x128xf32, #tpu.memory_space<vmem_shared>> -> memref<80x128xf32, #tpu.memory_space<vmem_shared>>
    %dma_start3A_195 = arith.constant 0 : i32
    %dma_start3A_196 = arith.constant 0 : i32
    %dma_start3A_197 = tpu.memref_slice %arg13[%dma_start3A_183, %dma_start3A_195, %dma_start3A_196] : memref<4x80x128xf32, #tpu.memory_space<vmem>> -> memref<1x80x128xf32, #tpu.memory_space<vmem>>
    %dma_start3A_198 = tpu.memref_squeeze %dma_start3A_197 : memref<1x80x128xf32, #tpu.memory_space<vmem>> -> memref<80x128xf32, #tpu.memory_space<vmem>>
    tpu.enqueue_dma source(%dma_start3A_198 : memref<80x128xf32, #tpu.memory_space<vmem>>) target(%dma_start3A_194 : memref<80x128xf32, #tpu.memory_space<vmem_shared>>) target_semaphore(%dma_start3A_192 : memref<!tpu.dma_semaphore, #tpu.memory_space<semaphore_mem>>)
    %mul3A_199 = arith.constant 640 : i32
    %mul3A_200 = arith.muli %arg1, %mul3A_199 : i32
    %add3A_201 = arith.constant 240 : i32
    %add3A_202 = arith.addi %mul3A_200, %add3A_201 : i32
    %dma_start3A_203 = arith.constant 1 : i32
    %dma_start3A_204 = arith.constant 0 : i32
    %dma_start3A_205 = tpu.memref_slice %arg10[%dma_start3A_204] : memref<112xf32, #tpu.memory_space<vmem>> -> memref<80xf32, #tpu.memory_space<vmem>>
    %dma_start3A_206 = tpu.memref_slice %arg7[%add3A_202] : memref<10240xf32, #tpu.memory_space<vmem_shared>> -> memref<80xf32, #tpu.memory_space<vmem_shared>>
    %dma_start3A_207 = tpu.memref_slice %arg9[%dma_start3A_203] : memref<2x!tpu.dma_semaphore, #tpu.memory_space<semaphore_mem>> -> memref<1x!tpu.dma_semaphore, #tpu.memory_space<semaphore_mem>>
    %dma_start3A_208 = tpu.memref_squeeze %dma_start3A_207 : memref<1x!tpu.dma_semaphore, #tpu.memory_space<semaphore_mem>> -> memref<!tpu.dma_semaphore, #tpu.memory_space<semaphore_mem>>
    %dma_start3A_209 = tpu.memref_slice %arg7[%add3A_202] : memref<10240xf32, #tpu.memory_space<vmem_shared>> -> memref<80xf32, #tpu.memory_space<vmem_shared>>
    %dma_start3A_210 = arith.constant 0 : i32
    %dma_start3A_211 = tpu.memref_slice %arg10[%dma_start3A_210] : memref<112xf32, #tpu.memory_space<vmem>> -> memref<80xf32, #tpu.memory_space<vmem>>
    tpu.enqueue_dma source(%dma_start3A_211 : memref<80xf32, #tpu.memory_space<vmem>>) target(%dma_start3A_209 : memref<80xf32, #tpu.memory_space<vmem_shared>>) target_semaphore(%dma_start3A_208 : memref<!tpu.dma_semaphore, #tpu.memory_space<semaphore_mem>>)
    %mul3A_212 = arith.constant 640 : i32
    %mul3A_213 = arith.muli %arg1, %mul3A_212 : i32
    %add3A_214 = arith.constant 320 : i32
    %add3A_215 = arith.addi %mul3A_213, %add3A_214 : i32
    %dma_start3A_216 = arith.constant 0 : i32
    %dma_start3A_217 = arith.constant 0 : i32
    %dma_start3A_218 = arith.constant 0 : i32
    %dma_start3A_219 = arith.constant 0 : i32
    %dma_start3A_220 = tpu.memref_slice %arg13[%dma_start3A_216, %dma_start3A_218, %dma_start3A_219] : memref<4x80x128xf32, #tpu.memory_space<vmem>> -> memref<1x80x128xf32, #tpu.memory_space<vmem>>
    %dma_start3A_221 = tpu.memref_squeeze %dma_start3A_220 : memref<1x80x128xf32, #tpu.memory_space<vmem>> -> memref<80x128xf32, #tpu.memory_space<vmem>>
    %dma_start3A_222 = arith.constant 0 : i32
    %dma_start3A_223 = tpu.memref_slice %arg6[%add3A_215, %dma_start3A_222] : memref<10240x128xf32, #tpu.memory_space<vmem_shared>> -> memref<80x128xf32, #tpu.memory_space<vmem_shared>>
    %dma_start3A_224 = tpu.memref_slice %arg15[%dma_start3A_217] : memref<4x!tpu.dma_semaphore, #tpu.memory_space<semaphore_mem>> -> memref<1x!tpu.dma_semaphore, #tpu.memory_space<semaphore_mem>>
    %dma_start3A_225 = tpu.memref_squeeze %dma_start3A_224 : memref<1x!tpu.dma_semaphore, #tpu.memory_space<semaphore_mem>> -> memref<!tpu.dma_semaphore, #tpu.memory_space<semaphore_mem>>
    %dma_start3A_226 = arith.constant 0 : i32
    %dma_start3A_227 = tpu.memref_slice %arg6[%add3A_215, %dma_start3A_226] : memref<10240x128xf32, #tpu.memory_space<vmem_shared>> -> memref<80x128xf32, #tpu.memory_space<vmem_shared>>
    %dma_start3A_228 = arith.constant 0 : i32
    %dma_start3A_229 = arith.constant 0 : i32
    %dma_start3A_230 = tpu.memref_slice %arg13[%dma_start3A_216, %dma_start3A_228, %dma_start3A_229] : memref<4x80x128xf32, #tpu.memory_space<vmem>> -> memref<1x80x128xf32, #tpu.memory_space<vmem>>
    %dma_start3A_231 = tpu.memref_squeeze %dma_start3A_230 : memref<1x80x128xf32, #tpu.memory_space<vmem>> -> memref<80x128xf32, #tpu.memory_space<vmem>>
    tpu.enqueue_dma source(%dma_start3A_231 : memref<80x128xf32, #tpu.memory_space<vmem>>) target(%dma_start3A_227 : memref<80x128xf32, #tpu.memory_space<vmem_shared>>) target_semaphore(%dma_start3A_225 : memref<!tpu.dma_semaphore, #tpu.memory_space<semaphore_mem>>)
    %mul3A_232 = arith.constant 640 : i32
    %mul3A_233 = arith.muli %arg1, %mul3A_232 : i32
    %add3A_234 = arith.constant 320 : i32
    %add3A_235 = arith.addi %mul3A_233, %add3A_234 : i32
    %dma_start3A_236 = arith.constant 0 : i32
    %dma_start3A_237 = arith.constant 0 : i32
    %dma_start3A_238 = tpu.memref_slice %arg10[%dma_start3A_237] : memref<112xf32, #tpu.memory_space<vmem>> -> memref<80xf32, #tpu.memory_space<vmem>>
    %dma_start3A_239 = tpu.memref_slice %arg7[%add3A_235] : memref<10240xf32, #tpu.memory_space<vmem_shared>> -> memref<80xf32, #tpu.memory_space<vmem_shared>>
    %dma_start3A_240 = tpu.memref_slice %arg9[%dma_start3A_236] : memref<2x!tpu.dma_semaphore, #tpu.memory_space<semaphore_mem>> -> memref<1x!tpu.dma_semaphore, #tpu.memory_space<semaphore_mem>>
    %dma_start3A_241 = tpu.memref_squeeze %dma_start3A_240 : memref<1x!tpu.dma_semaphore, #tpu.memory_space<semaphore_mem>> -> memref<!tpu.dma_semaphore, #tpu.memory_space<semaphore_mem>>
    %dma_start3A_242 = tpu.memref_slice %arg7[%add3A_235] : memref<10240xf32, #tpu.memory_space<vmem_shared>> -> memref<80xf32, #tpu.memory_space<vmem_shared>>
    %dma_start3A_243 = arith.constant 0 : i32
    %dma_start3A_244 = tpu.memref_slice %arg10[%dma_start3A_243] : memref<112xf32, #tpu.memory_space<vmem>> -> memref<80xf32, #tpu.memory_space<vmem>>
    tpu.enqueue_dma source(%dma_start3A_244 : memref<80xf32, #tpu.memory_space<vmem>>) target(%dma_start3A_242 : memref<80xf32, #tpu.memory_space<vmem_shared>>) target_semaphore(%dma_start3A_241 : memref<!tpu.dma_semaphore, #tpu.memory_space<semaphore_mem>>)
    %mul3A_245 = arith.constant 640 : i32
    %mul3A_246 = arith.muli %arg1, %mul3A_245 : i32
    %add3A_247 = arith.constant 400 : i32
    %add3A_248 = arith.addi %mul3A_246, %add3A_247 : i32
    %dma_start3A_249 = arith.constant 0 : i32
    %dma_start3A_250 = arith.constant 1 : i32
    %dma_start3A_251 = arith.constant 0 : i32
    %dma_start3A_252 = arith.constant 0 : i32
    %dma_start3A_253 = tpu.memref_slice %arg13[%dma_start3A_249, %dma_start3A_251, %dma_start3A_252] : memref<4x80x128xf32, #tpu.memory_space<vmem>> -> memref<1x80x128xf32, #tpu.memory_space<vmem>>
    %dma_start3A_254 = tpu.memref_squeeze %dma_start3A_253 : memref<1x80x128xf32, #tpu.memory_space<vmem>> -> memref<80x128xf32, #tpu.memory_space<vmem>>
    %dma_start3A_255 = arith.constant 0 : i32
    %dma_start3A_256 = tpu.memref_slice %arg6[%add3A_248, %dma_start3A_255] : memref<10240x128xf32, #tpu.memory_space<vmem_shared>> -> memref<80x128xf32, #tpu.memory_space<vmem_shared>>
    %dma_start3A_257 = tpu.memref_slice %arg15[%dma_start3A_250] : memref<4x!tpu.dma_semaphore, #tpu.memory_space<semaphore_mem>> -> memref<1x!tpu.dma_semaphore, #tpu.memory_space<semaphore_mem>>
    %dma_start3A_258 = tpu.memref_squeeze %dma_start3A_257 : memref<1x!tpu.dma_semaphore, #tpu.memory_space<semaphore_mem>> -> memref<!tpu.dma_semaphore, #tpu.memory_space<semaphore_mem>>
    %dma_start3A_259 = arith.constant 0 : i32
    %dma_start3A_260 = tpu.memref_slice %arg6[%add3A_248, %dma_start3A_259] : memref<10240x128xf32, #tpu.memory_space<vmem_shared>> -> memref<80x128xf32, #tpu.memory_space<vmem_shared>>
    %dma_start3A_261 = arith.constant 0 : i32
    %dma_start3A_262 = arith.constant 0 : i32
    %dma_start3A_263 = tpu.memref_slice %arg13[%dma_start3A_249, %dma_start3A_261, %dma_start3A_262] : memref<4x80x128xf32, #tpu.memory_space<vmem>> -> memref<1x80x128xf32, #tpu.memory_space<vmem>>
    %dma_start3A_264 = tpu.memref_squeeze %dma_start3A_263 : memref<1x80x128xf32, #tpu.memory_space<vmem>> -> memref<80x128xf32, #tpu.memory_space<vmem>>
    tpu.enqueue_dma source(%dma_start3A_264 : memref<80x128xf32, #tpu.memory_space<vmem>>) target(%dma_start3A_260 : memref<80x128xf32, #tpu.memory_space<vmem_shared>>) target_semaphore(%dma_start3A_258 : memref<!tpu.dma_semaphore, #tpu.memory_space<semaphore_mem>>)
    %mul3A_265 = arith.constant 640 : i32
    %mul3A_266 = arith.muli %arg1, %mul3A_265 : i32
    %add3A_267 = arith.constant 400 : i32
    %add3A_268 = arith.addi %mul3A_266, %add3A_267 : i32
    %dma_start3A_269 = arith.constant 1 : i32
    %dma_start3A_270 = arith.constant 0 : i32
    %dma_start3A_271 = tpu.memref_slice %arg10[%dma_start3A_270] : memref<112xf32, #tpu.memory_space<vmem>> -> memref<80xf32, #tpu.memory_space<vmem>>
    %dma_start3A_272 = tpu.memref_slice %arg7[%add3A_268] : memref<10240xf32, #tpu.memory_space<vmem_shared>> -> memref<80xf32, #tpu.memory_space<vmem_shared>>
    %dma_start3A_273 = tpu.memref_slice %arg9[%dma_start3A_269] : memref<2x!tpu.dma_semaphore, #tpu.memory_space<semaphore_mem>> -> memref<1x!tpu.dma_semaphore, #tpu.memory_space<semaphore_mem>>
    %dma_start3A_274 = tpu.memref_squeeze %dma_start3A_273 : memref<1x!tpu.dma_semaphore, #tpu.memory_space<semaphore_mem>> -> memref<!tpu.dma_semaphore, #tpu.memory_space<semaphore_mem>>
    %dma_start3A_275 = tpu.memref_slice %arg7[%add3A_268] : memref<10240xf32, #tpu.memory_space<vmem_shared>> -> memref<80xf32, #tpu.memory_space<vmem_shared>>
    %dma_start3A_276 = arith.constant 0 : i32
    %dma_start3A_277 = tpu.memref_slice %arg10[%dma_start3A_276] : memref<112xf32, #tpu.memory_space<vmem>> -> memref<80xf32, #tpu.memory_space<vmem>>
    tpu.enqueue_dma source(%dma_start3A_277 : memref<80xf32, #tpu.memory_space<vmem>>) target(%dma_start3A_275 : memref<80xf32, #tpu.memory_space<vmem_shared>>) target_semaphore(%dma_start3A_274 : memref<!tpu.dma_semaphore, #tpu.memory_space<semaphore_mem>>)
    %mul3A_278 = arith.constant 640 : i32
    %mul3A_279 = arith.muli %arg1, %mul3A_278 : i32
    %add3A_280 = arith.constant 480 : i32
    %add3A_281 = arith.addi %mul3A_279, %add3A_280 : i32
    %dma_start3A_282 = arith.constant 0 : i32
    %dma_start3A_283 = arith.constant 2 : i32
    %dma_start3A_284 = arith.constant 0 : i32
    %dma_start3A_285 = arith.constant 0 : i32
    %dma_start3A_286 = tpu.memref_slice %arg13[%dma_start3A_282, %dma_start3A_284, %dma_start3A_285] : memref<4x80x128xf32, #tpu.memory_space<vmem>> -> memref<1x80x128xf32, #tpu.memory_space<vmem>>
    %dma_start3A_287 = tpu.memref_squeeze %dma_start3A_286 : memref<1x80x128xf32, #tpu.memory_space<vmem>> -> memref<80x128xf32, #tpu.memory_space<vmem>>
    %dma_start3A_288 = arith.constant 0 : i32
    %dma_start3A_289 = tpu.memref_slice %arg6[%add3A_281, %dma_start3A_288] : memref<10240x128xf32, #tpu.memory_space<vmem_shared>> -> memref<80x128xf32, #tpu.memory_space<vmem_shared>>
    %dma_start3A_290 = tpu.memref_slice %arg15[%dma_start3A_283] : memref<4x!tpu.dma_semaphore, #tpu.memory_space<semaphore_mem>> -> memref<1x!tpu.dma_semaphore, #tpu.memory_space<semaphore_mem>>
    %dma_start3A_291 = tpu.memref_squeeze %dma_start3A_290 : memref<1x!tpu.dma_semaphore, #tpu.memory_space<semaphore_mem>> -> memref<!tpu.dma_semaphore, #tpu.memory_space<semaphore_mem>>
    %dma_start3A_292 = arith.constant 0 : i32
    %dma_start3A_293 = tpu.memref_slice %arg6[%add3A_281, %dma_start3A_292] : memref<10240x128xf32, #tpu.memory_space<vmem_shared>> -> memref<80x128xf32, #tpu.memory_space<vmem_shared>>
    %dma_start3A_294 = arith.constant 0 : i32
    %dma_start3A_295 = arith.constant 0 : i32
    %dma_start3A_296 = tpu.memref_slice %arg13[%dma_start3A_282, %dma_start3A_294, %dma_start3A_295] : memref<4x80x128xf32, #tpu.memory_space<vmem>> -> memref<1x80x128xf32, #tpu.memory_space<vmem>>
    %dma_start3A_297 = tpu.memref_squeeze %dma_start3A_296 : memref<1x80x128xf32, #tpu.memory_space<vmem>> -> memref<80x128xf32, #tpu.memory_space<vmem>>
    tpu.enqueue_dma source(%dma_start3A_297 : memref<80x128xf32, #tpu.memory_space<vmem>>) target(%dma_start3A_293 : memref<80x128xf32, #tpu.memory_space<vmem_shared>>) target_semaphore(%dma_start3A_291 : memref<!tpu.dma_semaphore, #tpu.memory_space<semaphore_mem>>)
    %mul3A_298 = arith.constant 640 : i32
    %mul3A_299 = arith.muli %arg1, %mul3A_298 : i32
    %add3A_300 = arith.constant 480 : i32
    %add3A_301 = arith.addi %mul3A_299, %add3A_300 : i32
    %dma_start3A_302 = arith.constant 0 : i32
    %dma_start3A_303 = arith.constant 0 : i32
    %dma_start3A_304 = tpu.memref_slice %arg10[%dma_start3A_303] : memref<112xf32, #tpu.memory_space<vmem>> -> memref<80xf32, #tpu.memory_space<vmem>>
    %dma_start3A_305 = tpu.memref_slice %arg7[%add3A_301] : memref<10240xf32, #tpu.memory_space<vmem_shared>> -> memref<80xf32, #tpu.memory_space<vmem_shared>>
    %dma_start3A_306 = tpu.memref_slice %arg9[%dma_start3A_302] : memref<2x!tpu.dma_semaphore, #tpu.memory_space<semaphore_mem>> -> memref<1x!tpu.dma_semaphore, #tpu.memory_space<semaphore_mem>>
    %dma_start3A_307 = tpu.memref_squeeze %dma_start3A_306 : memref<1x!tpu.dma_semaphore, #tpu.memory_space<semaphore_mem>> -> memref<!tpu.dma_semaphore, #tpu.memory_space<semaphore_mem>>
    %dma_start3A_308 = tpu.memref_slice %arg7[%add3A_301] : memref<10240xf32, #tpu.memory_space<vmem_shared>> -> memref<80xf32, #tpu.memory_space<vmem_shared>>
    %dma_start3A_309 = arith.constant 0 : i32
    %dma_start3A_310 = tpu.memref_slice %arg10[%dma_start3A_309] : memref<112xf32, #tpu.memory_space<vmem>> -> memref<80xf32, #tpu.memory_space<vmem>>
    tpu.enqueue_dma source(%dma_start3A_310 : memref<80xf32, #tpu.memory_space<vmem>>) target(%dma_start3A_308 : memref<80xf32, #tpu.memory_space<vmem_shared>>) target_semaphore(%dma_start3A_307 : memref<!tpu.dma_semaphore, #tpu.memory_space<semaphore_mem>>)
    %mul3A_311 = arith.constant 640 : i32
    %mul3A_312 = arith.muli %arg1, %mul3A_311 : i32
    %add3A_313 = arith.constant 560 : i32
    %add3A_314 = arith.addi %mul3A_312, %add3A_313 : i32
    %dma_start3A_315 = arith.constant 0 : i32
    %dma_start3A_316 = arith.constant 3 : i32
    %dma_start3A_317 = arith.constant 0 : i32
    %dma_start3A_318 = arith.constant 0 : i32
    %dma_start3A_319 = tpu.memref_slice %arg13[%dma_start3A_315, %dma_start3A_317, %dma_start3A_318] : memref<4x80x128xf32, #tpu.memory_space<vmem>> -> memref<1x80x128xf32, #tpu.memory_space<vmem>>
    %dma_start3A_320 = tpu.memref_squeeze %dma_start3A_319 : memref<1x80x128xf32, #tpu.memory_space<vmem>> -> memref<80x128xf32, #tpu.memory_space<vmem>>
    %dma_start3A_321 = arith.constant 0 : i32
    %dma_start3A_322 = tpu.memref_slice %arg6[%add3A_314, %dma_start3A_321] : memref<10240x128xf32, #tpu.memory_space<vmem_shared>> -> memref<80x128xf32, #tpu.memory_space<vmem_shared>>
    %dma_start3A_323 = tpu.memref_slice %arg15[%dma_start3A_316] : memref<4x!tpu.dma_semaphore, #tpu.memory_space<semaphore_mem>> -> memref<1x!tpu.dma_semaphore, #tpu.memory_space<semaphore_mem>>
    %dma_start3A_324 = tpu.memref_squeeze %dma_start3A_323 : memref<1x!tpu.dma_semaphore, #tpu.memory_space<semaphore_mem>> -> memref<!tpu.dma_semaphore, #tpu.memory_space<semaphore_mem>>
    %dma_start3A_325 = arith.constant 0 : i32
    %dma_start3A_326 = tpu.memref_slice %arg6[%add3A_314, %dma_start3A_325] : memref<10240x128xf32, #tpu.memory_space<vmem_shared>> -> memref<80x128xf32, #tpu.memory_space<vmem_shared>>
    %dma_start3A_327 = arith.constant 0 : i32
    %dma_start3A_328 = arith.constant 0 : i32
    %dma_start3A_329 = tpu.memref_slice %arg13[%dma_start3A_315, %dma_start3A_327, %dma_start3A_328] : memref<4x80x128xf32, #tpu.memory_space<vmem>> -> memref<1x80x128xf32, #tpu.memory_space<vmem>>
    %dma_start3A_330 = tpu.memref_squeeze %dma_start3A_329 : memref<1x80x128xf32, #tpu.memory_space<vmem>> -> memref<80x128xf32, #tpu.memory_space<vmem>>
    tpu.enqueue_dma source(%dma_start3A_330 : memref<80x128xf32, #tpu.memory_space<vmem>>) target(%dma_start3A_326 : memref<80x128xf32, #tpu.memory_space<vmem_shared>>) target_semaphore(%dma_start3A_324 : memref<!tpu.dma_semaphore, #tpu.memory_space<semaphore_mem>>)
    %mul3A_331 = arith.constant 640 : i32
    %mul3A_332 = arith.muli %arg1, %mul3A_331 : i32
    %add3A_333 = arith.constant 560 : i32
    %add3A_334 = arith.addi %mul3A_332, %add3A_333 : i32
    %dma_start3A_335 = arith.constant 1 : i32
    %dma_start3A_336 = arith.constant 0 : i32
    %dma_start3A_337 = tpu.memref_slice %arg10[%dma_start3A_336] : memref<112xf32, #tpu.memory_space<vmem>> -> memref<80xf32, #tpu.memory_space<vmem>>
    %dma_start3A_338 = tpu.memref_slice %arg7[%add3A_334] : memref<10240xf32, #tpu.memory_space<vmem_shared>> -> memref<80xf32, #tpu.memory_space<vmem_shared>>
    %dma_start3A_339 = tpu.memref_slice %arg9[%dma_start3A_335] : memref<2x!tpu.dma_semaphore, #tpu.memory_space<semaphore_mem>> -> memref<1x!tpu.dma_semaphore, #tpu.memory_space<semaphore_mem>>
    %dma_start3A_340 = tpu.memref_squeeze %dma_start3A_339 : memref<1x!tpu.dma_semaphore, #tpu.memory_space<semaphore_mem>> -> memref<!tpu.dma_semaphore, #tpu.memory_space<semaphore_mem>>
    %dma_start3A_341 = tpu.memref_slice %arg7[%add3A_334] : memref<10240xf32, #tpu.memory_space<vmem_shared>> -> memref<80xf32, #tpu.memory_space<vmem_shared>>
    %dma_start3A_342 = arith.constant 0 : i32
    %dma_start3A_343 = tpu.memref_slice %arg10[%dma_start3A_342] : memref<112xf32, #tpu.memory_space<vmem>> -> memref<80xf32, #tpu.memory_space<vmem>>
    tpu.enqueue_dma source(%dma_start3A_343 : memref<80xf32, #tpu.memory_space<vmem>>) target(%dma_start3A_341 : memref<80xf32, #tpu.memory_space<vmem_shared>>) target_semaphore(%dma_start3A_340 : memref<!tpu.dma_semaphore, #tpu.memory_space<semaphore_mem>>)
    %dma_wait3A = arith.constant 0 : i32
    %dma_wait3A_344 = arith.constant 0 : i32
    %dma_wait3A_345 = arith.constant 0 : i32
    %dma_wait3A_346 = arith.constant 0 : i32
    %dma_wait3A_347 = tpu.memref_slice %arg13[%dma_wait3A, %dma_wait3A_345, %dma_wait3A_346] : memref<4x80x128xf32, #tpu.memory_space<vmem>> -> memref<1x80x128xf32, #tpu.memory_space<vmem>>
    %dma_wait3A_348 = tpu.memref_squeeze %dma_wait3A_347 : memref<1x80x128xf32, #tpu.memory_space<vmem>> -> memref<80x128xf32, #tpu.memory_space<vmem>>
    %dma_wait3A_349 = arith.constant 0 : i32
    %dma_wait3A_350 = arith.constant 0 : i32
    %dma_wait3A_351 = tpu.memref_slice %arg6[%dma_wait3A_349, %dma_wait3A_350] : memref<10240x128xf32, #tpu.memory_space<vmem_shared>> -> memref<80x128xf32, #tpu.memory_space<vmem_shared>>
    %dma_wait3A_352 = tpu.memref_slice %arg15[%dma_wait3A_344] : memref<4x!tpu.dma_semaphore, #tpu.memory_space<semaphore_mem>> -> memref<1x!tpu.dma_semaphore, #tpu.memory_space<semaphore_mem>>
    %dma_wait3A_353 = tpu.memref_squeeze %dma_wait3A_352 : memref<1x!tpu.dma_semaphore, #tpu.memory_space<semaphore_mem>> -> memref<!tpu.dma_semaphore, #tpu.memory_space<semaphore_mem>>
    %dma_wait3A_354 = arith.constant 0 : i32
    %dma_wait3A_355 = arith.constant 0 : i32
    %dma_wait3A_356 = tpu.memref_slice %arg6[%dma_wait3A_354, %dma_wait3A_355] : memref<10240x128xf32, #tpu.memory_space<vmem_shared>> -> memref<80x128xf32, #tpu.memory_space<vmem_shared>>
    %dma_wait3A_357 = arith.constant 0 : i32
    %dma_wait3A_358 = arith.constant 0 : i32
    %dma_wait3A_359 = tpu.memref_slice %arg13[%dma_wait3A, %dma_wait3A_357, %dma_wait3A_358] : memref<4x80x128xf32, #tpu.memory_space<vmem>> -> memref<1x80x128xf32, #tpu.memory_space<vmem>>
    %dma_wait3A_360 = tpu.memref_squeeze %dma_wait3A_359 : memref<1x80x128xf32, #tpu.memory_space<vmem>> -> memref<80x128xf32, #tpu.memory_space<vmem>>
    tpu.wait_dma2 semaphore(%dma_wait3A_353 : memref<!tpu.dma_semaphore, #tpu.memory_space<semaphore_mem>>) src(%dma_wait3A_360 : memref<80x128xf32, #tpu.memory_space<vmem>>) dst(%dma_wait3A_356 : memref<80x128xf32, #tpu.memory_space<vmem_shared>>)
    %dma_wait3A_361 = arith.constant 0 : i32
    %dma_wait3A_362 = arith.constant 0 : i32
    %dma_wait3A_363 = tpu.memref_slice %arg10[%dma_wait3A_362] : memref<112xf32, #tpu.memory_space<vmem>> -> memref<80xf32, #tpu.memory_space<vmem>>
    %dma_wait3A_364 = arith.constant 0 : i32
    %dma_wait3A_365 = tpu.memref_slice %arg7[%dma_wait3A_364] : memref<10240xf32, #tpu.memory_space<vmem_shared>> -> memref<80xf32, #tpu.memory_space<vmem_shared>>
    %dma_wait3A_366 = tpu.memref_slice %arg9[%dma_wait3A_361] : memref<2x!tpu.dma_semaphore, #tpu.memory_space<semaphore_mem>> -> memref<1x!tpu.dma_semaphore, #tpu.memory_space<semaphore_mem>>
    %dma_wait3A_367 = tpu.memref_squeeze %dma_wait3A_366 : memref<1x!tpu.dma_semaphore, #tpu.memory_space<semaphore_mem>> -> memref<!tpu.dma_semaphore, #tpu.memory_space<semaphore_mem>>
    %dma_wait3A_368 = arith.constant 0 : i32
    %dma_wait3A_369 = tpu.memref_slice %arg7[%dma_wait3A_368] : memref<10240xf32, #tpu.memory_space<vmem_shared>> -> memref<80xf32, #tpu.memory_space<vmem_shared>>
    %dma_wait3A_370 = arith.constant 0 : i32
    %dma_wait3A_371 = tpu.memref_slice %arg10[%dma_wait3A_370] : memref<112xf32, #tpu.memory_space<vmem>> -> memref<80xf32, #tpu.memory_space<vmem>>
    tpu.wait_dma2 semaphore(%dma_wait3A_367 : memref<!tpu.dma_semaphore, #tpu.memory_space<semaphore_mem>>) src(%dma_wait3A_371 : memref<80xf32, #tpu.memory_space<vmem>>) dst(%dma_wait3A_369 : memref<80xf32, #tpu.memory_space<vmem_shared>>)
    %dma_wait3A_372 = arith.constant 0 : i32
    %dma_wait3A_373 = arith.constant 1 : i32
    %dma_wait3A_374 = arith.constant 0 : i32
    %dma_wait3A_375 = arith.constant 0 : i32
    %dma_wait3A_376 = tpu.memref_slice %arg13[%dma_wait3A_372, %dma_wait3A_374, %dma_wait3A_375] : memref<4x80x128xf32, #tpu.memory_space<vmem>> -> memref<1x80x128xf32, #tpu.memory_space<vmem>>
    %dma_wait3A_377 = tpu.memref_squeeze %dma_wait3A_376 : memref<1x80x128xf32, #tpu.memory_space<vmem>> -> memref<80x128xf32, #tpu.memory_space<vmem>>
    %dma_wait3A_378 = arith.constant 0 : i32
    %dma_wait3A_379 = arith.constant 0 : i32
    %dma_wait3A_380 = tpu.memref_slice %arg6[%dma_wait3A_378, %dma_wait3A_379] : memref<10240x128xf32, #tpu.memory_space<vmem_shared>> -> memref<80x128xf32, #tpu.memory_space<vmem_shared>>
    %dma_wait3A_381 = tpu.memref_slice %arg15[%dma_wait3A_373] : memref<4x!tpu.dma_semaphore, #tpu.memory_space<semaphore_mem>> -> memref<1x!tpu.dma_semaphore, #tpu.memory_space<semaphore_mem>>
    %dma_wait3A_382 = tpu.memref_squeeze %dma_wait3A_381 : memref<1x!tpu.dma_semaphore, #tpu.memory_space<semaphore_mem>> -> memref<!tpu.dma_semaphore, #tpu.memory_space<semaphore_mem>>
    %dma_wait3A_383 = arith.constant 0 : i32
    %dma_wait3A_384 = arith.constant 0 : i32
    %dma_wait3A_385 = tpu.memref_slice %arg6[%dma_wait3A_383, %dma_wait3A_384] : memref<10240x128xf32, #tpu.memory_space<vmem_shared>> -> memref<80x128xf32, #tpu.memory_space<vmem_shared>>
    %dma_wait3A_386 = arith.constant 0 : i32
    %dma_wait3A_387 = arith.constant 0 : i32
    %dma_wait3A_388 = tpu.memref_slice %arg13[%dma_wait3A_372, %dma_wait3A_386, %dma_wait3A_387] : memref<4x80x128xf32, #tpu.memory_space<vmem>> -> memref<1x80x128xf32, #tpu.memory_space<vmem>>
    %dma_wait3A_389 = tpu.memref_squeeze %dma_wait3A_388 : memref<1x80x128xf32, #tpu.memory_space<vmem>> -> memref<80x128xf32, #tpu.memory_space<vmem>>
    tpu.wait_dma2 semaphore(%dma_wait3A_382 : memref<!tpu.dma_semaphore, #tpu.memory_space<semaphore_mem>>) src(%dma_wait3A_389 : memref<80x128xf32, #tpu.memory_space<vmem>>) dst(%dma_wait3A_385 : memref<80x128xf32, #tpu.memory_space<vmem_shared>>)
    %dma_wait3A_390 = arith.constant 1 : i32
    %dma_wait3A_391 = arith.constant 0 : i32
    %dma_wait3A_392 = tpu.memref_slice %arg10[%dma_wait3A_391] : memref<112xf32, #tpu.memory_space<vmem>> -> memref<80xf32, #tpu.memory_space<vmem>>
    %dma_wait3A_393 = arith.constant 0 : i32
    %dma_wait3A_394 = tpu.memref_slice %arg7[%dma_wait3A_393] : memref<10240xf32, #tpu.memory_space<vmem_shared>> -> memref<80xf32, #tpu.memory_space<vmem_shared>>
    %dma_wait3A_395 = tpu.memref_slice %arg9[%dma_wait3A_390] : memref<2x!tpu.dma_semaphore, #tpu.memory_space<semaphore_mem>> -> memref<1x!tpu.dma_semaphore, #tpu.memory_space<semaphore_mem>>
    %dma_wait3A_396 = tpu.memref_squeeze %dma_wait3A_395 : memref<1x!tpu.dma_semaphore, #tpu.memory_space<semaphore_mem>> -> memref<!tpu.dma_semaphore, #tpu.memory_space<semaphore_mem>>
    %dma_wait3A_397 = arith.constant 0 : i32
    %dma_wait3A_398 = tpu.memref_slice %arg7[%dma_wait3A_397] : memref<10240xf32, #tpu.memory_space<vmem_shared>> -> memref<80xf32, #tpu.memory_space<vmem_shared>>
    %dma_wait3A_399 = arith.constant 0 : i32
    %dma_wait3A_400 = tpu.memref_slice %arg10[%dma_wait3A_399] : memref<112xf32, #tpu.memory_space<vmem>> -> memref<80xf32, #tpu.memory_space<vmem>>
    tpu.wait_dma2 semaphore(%dma_wait3A_396 : memref<!tpu.dma_semaphore, #tpu.memory_space<semaphore_mem>>) src(%dma_wait3A_400 : memref<80xf32, #tpu.memory_space<vmem>>) dst(%dma_wait3A_398 : memref<80xf32, #tpu.memory_space<vmem_shared>>)
    %dma_wait3A_401 = arith.constant 0 : i32
    %dma_wait3A_402 = arith.constant 2 : i32
    %dma_wait3A_403 = arith.constant 0 : i32
    %dma_wait3A_404 = arith.constant 0 : i32
    %dma_wait3A_405 = tpu.memref_slice %arg13[%dma_wait3A_401, %dma_wait3A_403, %dma_wait3A_404] : memref<4x80x128xf32, #tpu.memory_space<vmem>> -> memref<1x80x128xf32, #tpu.memory_space<vmem>>
    %dma_wait3A_406 = tpu.memref_squeeze %dma_wait3A_405 : memref<1x80x128xf32, #tpu.memory_space<vmem>> -> memref<80x128xf32, #tpu.memory_space<vmem>>
    %dma_wait3A_407 = arith.constant 0 : i32
    %dma_wait3A_408 = arith.constant 0 : i32
    %dma_wait3A_409 = tpu.memref_slice %arg6[%dma_wait3A_407, %dma_wait3A_408] : memref<10240x128xf32, #tpu.memory_space<vmem_shared>> -> memref<80x128xf32, #tpu.memory_space<vmem_shared>>
    %dma_wait3A_410 = tpu.memref_slice %arg15[%dma_wait3A_402] : memref<4x!tpu.dma_semaphore, #tpu.memory_space<semaphore_mem>> -> memref<1x!tpu.dma_semaphore, #tpu.memory_space<semaphore_mem>>
    %dma_wait3A_411 = tpu.memref_squeeze %dma_wait3A_410 : memref<1x!tpu.dma_semaphore, #tpu.memory_space<semaphore_mem>> -> memref<!tpu.dma_semaphore, #tpu.memory_space<semaphore_mem>>
    %dma_wait3A_412 = arith.constant 0 : i32
    %dma_wait3A_413 = arith.constant 0 : i32
    %dma_wait3A_414 = tpu.memref_slice %arg6[%dma_wait3A_412, %dma_wait3A_413] : memref<10240x128xf32, #tpu.memory_space<vmem_shared>> -> memref<80x128xf32, #tpu.memory_space<vmem_shared>>
    %dma_wait3A_415 = arith.constant 0 : i32
    %dma_wait3A_416 = arith.constant 0 : i32
    %dma_wait3A_417 = tpu.memref_slice %arg13[%dma_wait3A_401, %dma_wait3A_415, %dma_wait3A_416] : memref<4x80x128xf32, #tpu.memory_space<vmem>> -> memref<1x80x128xf32, #tpu.memory_space<vmem>>
    %dma_wait3A_418 = tpu.memref_squeeze %dma_wait3A_417 : memref<1x80x128xf32, #tpu.memory_space<vmem>> -> memref<80x128xf32, #tpu.memory_space<vmem>>
    tpu.wait_dma2 semaphore(%dma_wait3A_411 : memref<!tpu.dma_semaphore, #tpu.memory_space<semaphore_mem>>) src(%dma_wait3A_418 : memref<80x128xf32, #tpu.memory_space<vmem>>) dst(%dma_wait3A_414 : memref<80x128xf32, #tpu.memory_space<vmem_shared>>)
    %dma_wait3A_419 = arith.constant 0 : i32
    %dma_wait3A_420 = arith.constant 0 : i32
    %dma_wait3A_421 = tpu.memref_slice %arg10[%dma_wait3A_420] : memref<112xf32, #tpu.memory_space<vmem>> -> memref<80xf32, #tpu.memory_space<vmem>>
    %dma_wait3A_422 = arith.constant 0 : i32
    %dma_wait3A_423 = tpu.memref_slice %arg7[%dma_wait3A_422] : memref<10240xf32, #tpu.memory_space<vmem_shared>> -> memref<80xf32, #tpu.memory_space<vmem_shared>>
    %dma_wait3A_424 = tpu.memref_slice %arg9[%dma_wait3A_419] : memref<2x!tpu.dma_semaphore, #tpu.memory_space<semaphore_mem>> -> memref<1x!tpu.dma_semaphore, #tpu.memory_space<semaphore_mem>>
    %dma_wait3A_425 = tpu.memref_squeeze %dma_wait3A_424 : memref<1x!tpu.dma_semaphore, #tpu.memory_space<semaphore_mem>> -> memref<!tpu.dma_semaphore, #tpu.memory_space<semaphore_mem>>
    %dma_wait3A_426 = arith.constant 0 : i32
    %dma_wait3A_427 = tpu.memref_slice %arg7[%dma_wait3A_426] : memref<10240xf32, #tpu.memory_space<vmem_shared>> -> memref<80xf32, #tpu.memory_space<vmem_shared>>
    %dma_wait3A_428 = arith.constant 0 : i32
    %dma_wait3A_429 = tpu.memref_slice %arg10[%dma_wait3A_428] : memref<112xf32, #tpu.memory_space<vmem>> -> memref<80xf32, #tpu.memory_space<vmem>>
    tpu.wait_dma2 semaphore(%dma_wait3A_425 : memref<!tpu.dma_semaphore, #tpu.memory_space<semaphore_mem>>) src(%dma_wait3A_429 : memref<80xf32, #tpu.memory_space<vmem>>) dst(%dma_wait3A_427 : memref<80xf32, #tpu.memory_space<vmem_shared>>)
    %dma_wait3A_430 = arith.constant 0 : i32
    %dma_wait3A_431 = arith.constant 3 : i32
    %dma_wait3A_432 = arith.constant 0 : i32
    %dma_wait3A_433 = arith.constant 0 : i32
    %dma_wait3A_434 = tpu.memref_slice %arg13[%dma_wait3A_430, %dma_wait3A_432, %dma_wait3A_433] : memref<4x80x128xf32, #tpu.memory_space<vmem>> -> memref<1x80x128xf32, #tpu.memory_space<vmem>>
    %dma_wait3A_435 = tpu.memref_squeeze %dma_wait3A_434 : memref<1x80x128xf32, #tpu.memory_space<vmem>> -> memref<80x128xf32, #tpu.memory_space<vmem>>
    %dma_wait3A_436 = arith.constant 0 : i32
    %dma_wait3A_437 = arith.constant 0 : i32
    %dma_wait3A_438 = tpu.memref_slice %arg6[%dma_wait3A_436, %dma_wait3A_437] : memref<10240x128xf32, #tpu.memory_space<vmem_shared>> -> memref<80x128xf32, #tpu.memory_space<vmem_shared>>
    %dma_wait3A_439 = tpu.memref_slice %arg15[%dma_wait3A_431] : memref<4x!tpu.dma_semaphore, #tpu.memory_space<semaphore_mem>> -> memref<1x!tpu.dma_semaphore, #tpu.memory_space<semaphore_mem>>
    %dma_wait3A_440 = tpu.memref_squeeze %dma_wait3A_439 : memref<1x!tpu.dma_semaphore, #tpu.memory_space<semaphore_mem>> -> memref<!tpu.dma_semaphore, #tpu.memory_space<semaphore_mem>>
    %dma_wait3A_441 = arith.constant 0 : i32
    %dma_wait3A_442 = arith.constant 0 : i32
    %dma_wait3A_443 = tpu.memref_slice %arg6[%dma_wait3A_441, %dma_wait3A_442] : memref<10240x128xf32, #tpu.memory_space<vmem_shared>> -> memref<80x128xf32, #tpu.memory_space<vmem_shared>>
    %dma_wait3A_444 = arith.constant 0 : i32
    %dma_wait3A_445 = arith.constant 0 : i32
    %dma_wait3A_446 = tpu.memref_slice %arg13[%dma_wait3A_430, %dma_wait3A_444, %dma_wait3A_445] : memref<4x80x128xf32, #tpu.memory_space<vmem>> -> memref<1x80x128xf32, #tpu.memory_space<vmem>>
    %dma_wait3A_447 = tpu.memref_squeeze %dma_wait3A_446 : memref<1x80x128xf32, #tpu.memory_space<vmem>> -> memref<80x128xf32, #tpu.memory_space<vmem>>
    tpu.wait_dma2 semaphore(%dma_wait3A_440 : memref<!tpu.dma_semaphore, #tpu.memory_space<semaphore_mem>>) src(%dma_wait3A_447 : memref<80x128xf32, #tpu.memory_space<vmem>>) dst(%dma_wait3A_443 : memref<80x128xf32, #tpu.memory_space<vmem_shared>>)
    %dma_wait3A_448 = arith.constant 1 : i32
    %dma_wait3A_449 = arith.constant 0 : i32
    %dma_wait3A_450 = tpu.memref_slice %arg10[%dma_wait3A_449] : memref<112xf32, #tpu.memory_space<vmem>> -> memref<80xf32, #tpu.memory_space<vmem>>
    %dma_wait3A_451 = arith.constant 0 : i32
    %dma_wait3A_452 = tpu.memref_slice %arg7[%dma_wait3A_451] : memref<10240xf32, #tpu.memory_space<vmem_shared>> -> memref<80xf32, #tpu.memory_space<vmem_shared>>
    %dma_wait3A_453 = tpu.memref_slice %arg9[%dma_wait3A_448] : memref<2x!tpu.dma_semaphore, #tpu.memory_space<semaphore_mem>> -> memref<1x!tpu.dma_semaphore, #tpu.memory_space<semaphore_mem>>
    %dma_wait3A_454 = tpu.memref_squeeze %dma_wait3A_453 : memref<1x!tpu.dma_semaphore, #tpu.memory_space<semaphore_mem>> -> memref<!tpu.dma_semaphore, #tpu.memory_space<semaphore_mem>>
    %dma_wait3A_455 = arith.constant 0 : i32
    %dma_wait3A_456 = tpu.memref_slice %arg7[%dma_wait3A_455] : memref<10240xf32, #tpu.memory_space<vmem_shared>> -> memref<80xf32, #tpu.memory_space<vmem_shared>>
    %dma_wait3A_457 = arith.constant 0 : i32
    %dma_wait3A_458 = tpu.memref_slice %arg10[%dma_wait3A_457] : memref<112xf32, #tpu.memory_space<vmem>> -> memref<80xf32, #tpu.memory_space<vmem>>
    tpu.wait_dma2 semaphore(%dma_wait3A_454 : memref<!tpu.dma_semaphore, #tpu.memory_space<semaphore_mem>>) src(%dma_wait3A_458 : memref<80xf32, #tpu.memory_space<vmem>>) dst(%dma_wait3A_456 : memref<80xf32, #tpu.memory_space<vmem_shared>>)
    %dma_wait3A_459 = arith.constant 0 : i32
    %dma_wait3A_460 = arith.constant 0 : i32
    %dma_wait3A_461 = arith.constant 0 : i32
    %dma_wait3A_462 = arith.constant 0 : i32
    %dma_wait3A_463 = tpu.memref_slice %arg13[%dma_wait3A_459, %dma_wait3A_461, %dma_wait3A_462] : memref<4x80x128xf32, #tpu.memory_space<vmem>> -> memref<1x80x128xf32, #tpu.memory_space<vmem>>
    %dma_wait3A_464 = tpu.memref_squeeze %dma_wait3A_463 : memref<1x80x128xf32, #tpu.memory_space<vmem>> -> memref<80x128xf32, #tpu.memory_space<vmem>>
    %dma_wait3A_465 = arith.constant 0 : i32
    %dma_wait3A_466 = arith.constant 0 : i32
    %dma_wait3A_467 = tpu.memref_slice %arg6[%dma_wait3A_465, %dma_wait3A_466] : memref<10240x128xf32, #tpu.memory_space<vmem_shared>> -> memref<80x128xf32, #tpu.memory_space<vmem_shared>>
    %dma_wait3A_468 = tpu.memref_slice %arg15[%dma_wait3A_460] : memref<4x!tpu.dma_semaphore, #tpu.memory_space<semaphore_mem>> -> memref<1x!tpu.dma_semaphore, #tpu.memory_space<semaphore_mem>>
    %dma_wait3A_469 = tpu.memref_squeeze %dma_wait3A_468 : memref<1x!tpu.dma_semaphore, #tpu.memory_space<semaphore_mem>> -> memref<!tpu.dma_semaphore, #tpu.memory_space<semaphore_mem>>
    %dma_wait3A_470 = arith.constant 0 : i32
    %dma_wait3A_471 = arith.constant 0 : i32
    %dma_wait3A_472 = tpu.memref_slice %arg6[%dma_wait3A_470, %dma_wait3A_471] : memref<10240x128xf32, #tpu.memory_space<vmem_shared>> -> memref<80x128xf32, #tpu.memory_space<vmem_shared>>
    %dma_wait3A_473 = arith.constant 0 : i32
    %dma_wait3A_474 = arith.constant 0 : i32
    %dma_wait3A_475 = tpu.memref_slice %arg13[%dma_wait3A_459, %dma_wait3A_473, %dma_wait3A_474] : memref<4x80x128xf32, #tpu.memory_space<vmem>> -> memref<1x80x128xf32, #tpu.memory_space<vmem>>
    %dma_wait3A_476 = tpu.memref_squeeze %dma_wait3A_475 : memref<1x80x128xf32, #tpu.memory_space<vmem>> -> memref<80x128xf32, #tpu.memory_space<vmem>>
    tpu.wait_dma2 semaphore(%dma_wait3A_469 : memref<!tpu.dma_semaphore, #tpu.memory_space<semaphore_mem>>) src(%dma_wait3A_476 : memref<80x128xf32, #tpu.memory_space<vmem>>) dst(%dma_wait3A_472 : memref<80x128xf32, #tpu.memory_space<vmem_shared>>)
    %dma_wait3A_477 = arith.constant 0 : i32
    %dma_wait3A_478 = arith.constant 0 : i32
    %dma_wait3A_479 = tpu.memref_slice %arg10[%dma_wait3A_478] : memref<112xf32, #tpu.memory_space<vmem>> -> memref<80xf32, #tpu.memory_space<vmem>>
    %dma_wait3A_480 = arith.constant 0 : i32
    %dma_wait3A_481 = tpu.memref_slice %arg7[%dma_wait3A_480] : memref<10240xf32, #tpu.memory_space<vmem_shared>> -> memref<80xf32, #tpu.memory_space<vmem_shared>>
    %dma_wait3A_482 = tpu.memref_slice %arg9[%dma_wait3A_477] : memref<2x!tpu.dma_semaphore, #tpu.memory_space<semaphore_mem>> -> memref<1x!tpu.dma_semaphore, #tpu.memory_space<semaphore_mem>>
    %dma_wait3A_483 = tpu.memref_squeeze %dma_wait3A_482 : memref<1x!tpu.dma_semaphore, #tpu.memory_space<semaphore_mem>> -> memref<!tpu.dma_semaphore, #tpu.memory_space<semaphore_mem>>
    %dma_wait3A_484 = arith.constant 0 : i32
    %dma_wait3A_485 = tpu.memref_slice %arg7[%dma_wait3A_484] : memref<10240xf32, #tpu.memory_space<vmem_shared>> -> memref<80xf32, #tpu.memory_space<vmem_shared>>
    %dma_wait3A_486 = arith.constant 0 : i32
    %dma_wait3A_487 = tpu.memref_slice %arg10[%dma_wait3A_486] : memref<112xf32, #tpu.memory_space<vmem>> -> memref<80xf32, #tpu.memory_space<vmem>>
    tpu.wait_dma2 semaphore(%dma_wait3A_483 : memref<!tpu.dma_semaphore, #tpu.memory_space<semaphore_mem>>) src(%dma_wait3A_487 : memref<80xf32, #tpu.memory_space<vmem>>) dst(%dma_wait3A_485 : memref<80xf32, #tpu.memory_space<vmem_shared>>)
    %dma_wait3A_488 = arith.constant 0 : i32
    %dma_wait3A_489 = arith.constant 1 : i32
    %dma_wait3A_490 = arith.constant 0 : i32
    %dma_wait3A_491 = arith.constant 0 : i32
    %dma_wait3A_492 = tpu.memref_slice %arg13[%dma_wait3A_488, %dma_wait3A_490, %dma_wait3A_491] : memref<4x80x128xf32, #tpu.memory_space<vmem>> -> memref<1x80x128xf32, #tpu.memory_space<vmem>>
    %dma_wait3A_493 = tpu.memref_squeeze %dma_wait3A_492 : memref<1x80x128xf32, #tpu.memory_space<vmem>> -> memref<80x128xf32, #tpu.memory_space<vmem>>
    %dma_wait3A_494 = arith.constant 0 : i32
    %dma_wait3A_495 = arith.constant 0 : i32
    %dma_wait3A_496 = tpu.memref_slice %arg6[%dma_wait3A_494, %dma_wait3A_495] : memref<10240x128xf32, #tpu.memory_space<vmem_shared>> -> memref<80x128xf32, #tpu.memory_space<vmem_shared>>
    %dma_wait3A_497 = tpu.memref_slice %arg15[%dma_wait3A_489] : memref<4x!tpu.dma_semaphore, #tpu.memory_space<semaphore_mem>> -> memref<1x!tpu.dma_semaphore, #tpu.memory_space<semaphore_mem>>
    %dma_wait3A_498 = tpu.memref_squeeze %dma_wait3A_497 : memref<1x!tpu.dma_semaphore, #tpu.memory_space<semaphore_mem>> -> memref<!tpu.dma_semaphore, #tpu.memory_space<semaphore_mem>>
    %dma_wait3A_499 = arith.constant 0 : i32
    %dma_wait3A_500 = arith.constant 0 : i32
    %dma_wait3A_501 = tpu.memref_slice %arg6[%dma_wait3A_499, %dma_wait3A_500] : memref<10240x128xf32, #tpu.memory_space<vmem_shared>> -> memref<80x128xf32, #tpu.memory_space<vmem_shared>>
    %dma_wait3A_502 = arith.constant 0 : i32
    %dma_wait3A_503 = arith.constant 0 : i32
    %dma_wait3A_504 = tpu.memref_slice %arg13[%dma_wait3A_488, %dma_wait3A_502, %dma_wait3A_503] : memref<4x80x128xf32, #tpu.memory_space<vmem>> -> memref<1x80x128xf32, #tpu.memory_space<vmem>>
    %dma_wait3A_505 = tpu.memref_squeeze %dma_wait3A_504 : memref<1x80x128xf32, #tpu.memory_space<vmem>> -> memref<80x128xf32, #tpu.memory_space<vmem>>
    tpu.wait_dma2 semaphore(%dma_wait3A_498 : memref<!tpu.dma_semaphore, #tpu.memory_space<semaphore_mem>>) src(%dma_wait3A_505 : memref<80x128xf32, #tpu.memory_space<vmem>>) dst(%dma_wait3A_501 : memref<80x128xf32, #tpu.memory_space<vmem_shared>>)
    %dma_wait3A_506 = arith.constant 1 : i32
    %dma_wait3A_507 = arith.constant 0 : i32
    %dma_wait3A_508 = tpu.memref_slice %arg10[%dma_wait3A_507] : memref<112xf32, #tpu.memory_space<vmem>> -> memref<80xf32, #tpu.memory_space<vmem>>
    %dma_wait3A_509 = arith.constant 0 : i32
    %dma_wait3A_510 = tpu.memref_slice %arg7[%dma_wait3A_509] : memref<10240xf32, #tpu.memory_space<vmem_shared>> -> memref<80xf32, #tpu.memory_space<vmem_shared>>
    %dma_wait3A_511 = tpu.memref_slice %arg9[%dma_wait3A_506] : memref<2x!tpu.dma_semaphore, #tpu.memory_space<semaphore_mem>> -> memref<1x!tpu.dma_semaphore, #tpu.memory_space<semaphore_mem>>
    %dma_wait3A_512 = tpu.memref_squeeze %dma_wait3A_511 : memref<1x!tpu.dma_semaphore, #tpu.memory_space<semaphore_mem>> -> memref<!tpu.dma_semaphore, #tpu.memory_space<semaphore_mem>>
    %dma_wait3A_513 = arith.constant 0 : i32
    %dma_wait3A_514 = tpu.memref_slice %arg7[%dma_wait3A_513] : memref<10240xf32, #tpu.memory_space<vmem_shared>> -> memref<80xf32, #tpu.memory_space<vmem_shared>>
    %dma_wait3A_515 = arith.constant 0 : i32
    %dma_wait3A_516 = tpu.memref_slice %arg10[%dma_wait3A_515] : memref<112xf32, #tpu.memory_space<vmem>> -> memref<80xf32, #tpu.memory_space<vmem>>
    tpu.wait_dma2 semaphore(%dma_wait3A_512 : memref<!tpu.dma_semaphore, #tpu.memory_space<semaphore_mem>>) src(%dma_wait3A_516 : memref<80xf32, #tpu.memory_space<vmem>>) dst(%dma_wait3A_514 : memref<80xf32, #tpu.memory_space<vmem_shared>>)
    %dma_wait3A_517 = arith.constant 0 : i32
    %dma_wait3A_518 = arith.constant 2 : i32
    %dma_wait3A_519 = arith.constant 0 : i32
    %dma_wait3A_520 = arith.constant 0 : i32
    %dma_wait3A_521 = tpu.memref_slice %arg13[%dma_wait3A_517, %dma_wait3A_519, %dma_wait3A_520] : memref<4x80x128xf32, #tpu.memory_space<vmem>> -> memref<1x80x128xf32, #tpu.memory_space<vmem>>
    %dma_wait3A_522 = tpu.memref_squeeze %dma_wait3A_521 : memref<1x80x128xf32, #tpu.memory_space<vmem>> -> memref<80x128xf32, #tpu.memory_space<vmem>>
    %dma_wait3A_523 = arith.constant 0 : i32
    %dma_wait3A_524 = arith.constant 0 : i32
    %dma_wait3A_525 = tpu.memref_slice %arg6[%dma_wait3A_523, %dma_wait3A_524] : memref<10240x128xf32, #tpu.memory_space<vmem_shared>> -> memref<80x128xf32, #tpu.memory_space<vmem_shared>>
    %dma_wait3A_526 = tpu.memref_slice %arg15[%dma_wait3A_518] : memref<4x!tpu.dma_semaphore, #tpu.memory_space<semaphore_mem>> -> memref<1x!tpu.dma_semaphore, #tpu.memory_space<semaphore_mem>>
    %dma_wait3A_527 = tpu.memref_squeeze %dma_wait3A_526 : memref<1x!tpu.dma_semaphore, #tpu.memory_space<semaphore_mem>> -> memref<!tpu.dma_semaphore, #tpu.memory_space<semaphore_mem>>
    %dma_wait3A_528 = arith.constant 0 : i32
    %dma_wait3A_529 = arith.constant 0 : i32
    %dma_wait3A_530 = tpu.memref_slice %arg6[%dma_wait3A_528, %dma_wait3A_529] : memref<10240x128xf32, #tpu.memory_space<vmem_shared>> -> memref<80x128xf32, #tpu.memory_space<vmem_shared>>
    %dma_wait3A_531 = arith.constant 0 : i32
    %dma_wait3A_532 = arith.constant 0 : i32
    %dma_wait3A_533 = tpu.memref_slice %arg13[%dma_wait3A_517, %dma_wait3A_531, %dma_wait3A_532] : memref<4x80x128xf32, #tpu.memory_space<vmem>> -> memref<1x80x128xf32, #tpu.memory_space<vmem>>
    %dma_wait3A_534 = tpu.memref_squeeze %dma_wait3A_533 : memref<1x80x128xf32, #tpu.memory_space<vmem>> -> memref<80x128xf32, #tpu.memory_space<vmem>>
    tpu.wait_dma2 semaphore(%dma_wait3A_527 : memref<!tpu.dma_semaphore, #tpu.memory_space<semaphore_mem>>) src(%dma_wait3A_534 : memref<80x128xf32, #tpu.memory_space<vmem>>) dst(%dma_wait3A_530 : memref<80x128xf32, #tpu.memory_space<vmem_shared>>)
    %dma_wait3A_535 = arith.constant 0 : i32
    %dma_wait3A_536 = arith.constant 0 : i32
    %dma_wait3A_537 = tpu.memref_slice %arg10[%dma_wait3A_536] : memref<112xf32, #tpu.memory_space<vmem>> -> memref<80xf32, #tpu.memory_space<vmem>>
    %dma_wait3A_538 = arith.constant 0 : i32
    %dma_wait3A_539 = tpu.memref_slice %arg7[%dma_wait3A_538] : memref<10240xf32, #tpu.memory_space<vmem_shared>> -> memref<80xf32, #tpu.memory_space<vmem_shared>>
    %dma_wait3A_540 = tpu.memref_slice %arg9[%dma_wait3A_535] : memref<2x!tpu.dma_semaphore, #tpu.memory_space<semaphore_mem>> -> memref<1x!tpu.dma_semaphore, #tpu.memory_space<semaphore_mem>>
    %dma_wait3A_541 = tpu.memref_squeeze %dma_wait3A_540 : memref<1x!tpu.dma_semaphore, #tpu.memory_space<semaphore_mem>> -> memref<!tpu.dma_semaphore, #tpu.memory_space<semaphore_mem>>
    %dma_wait3A_542 = arith.constant 0 : i32
    %dma_wait3A_543 = tpu.memref_slice %arg7[%dma_wait3A_542] : memref<10240xf32, #tpu.memory_space<vmem_shared>> -> memref<80xf32, #tpu.memory_space<vmem_shared>>
    %dma_wait3A_544 = arith.constant 0 : i32
    %dma_wait3A_545 = tpu.memref_slice %arg10[%dma_wait3A_544] : memref<112xf32, #tpu.memory_space<vmem>> -> memref<80xf32, #tpu.memory_space<vmem>>
    tpu.wait_dma2 semaphore(%dma_wait3A_541 : memref<!tpu.dma_semaphore, #tpu.memory_space<semaphore_mem>>) src(%dma_wait3A_545 : memref<80xf32, #tpu.memory_space<vmem>>) dst(%dma_wait3A_543 : memref<80xf32, #tpu.memory_space<vmem_shared>>)
    %dma_wait3A_546 = arith.constant 0 : i32
    %dma_wait3A_547 = arith.constant 3 : i32
    %dma_wait3A_548 = arith.constant 0 : i32
    %dma_wait3A_549 = arith.constant 0 : i32
    %dma_wait3A_550 = tpu.memref_slice %arg13[%dma_wait3A_546, %dma_wait3A_548, %dma_wait3A_549] : memref<4x80x128xf32, #tpu.memory_space<vmem>> -> memref<1x80x128xf32, #tpu.memory_space<vmem>>
    %dma_wait3A_551 = tpu.memref_squeeze %dma_wait3A_550 : memref<1x80x128xf32, #tpu.memory_space<vmem>> -> memref<80x128xf32, #tpu.memory_space<vmem>>
    %dma_wait3A_552 = arith.constant 0 : i32
    %dma_wait3A_553 = arith.constant 0 : i32
    %dma_wait3A_554 = tpu.memref_slice %arg6[%dma_wait3A_552, %dma_wait3A_553] : memref<10240x128xf32, #tpu.memory_space<vmem_shared>> -> memref<80x128xf32, #tpu.memory_space<vmem_shared>>
    %dma_wait3A_555 = tpu.memref_slice %arg15[%dma_wait3A_547] : memref<4x!tpu.dma_semaphore, #tpu.memory_space<semaphore_mem>> -> memref<1x!tpu.dma_semaphore, #tpu.memory_space<semaphore_mem>>
    %dma_wait3A_556 = tpu.memref_squeeze %dma_wait3A_555 : memref<1x!tpu.dma_semaphore, #tpu.memory_space<semaphore_mem>> -> memref<!tpu.dma_semaphore, #tpu.memory_space<semaphore_mem>>
    %dma_wait3A_557 = arith.constant 0 : i32
    %dma_wait3A_558 = arith.constant 0 : i32
    %dma_wait3A_559 = tpu.memref_slice %arg6[%dma_wait3A_557, %dma_wait3A_558] : memref<10240x128xf32, #tpu.memory_space<vmem_shared>> -> memref<80x128xf32, #tpu.memory_space<vmem_shared>>
    %dma_wait3A_560 = arith.constant 0 : i32
    %dma_wait3A_561 = arith.constant 0 : i32
    %dma_wait3A_562 = tpu.memref_slice %arg13[%dma_wait3A_546, %dma_wait3A_560, %dma_wait3A_561] : memref<4x80x128xf32, #tpu.memory_space<vmem>> -> memref<1x80x128xf32, #tpu.memory_space<vmem>>
    %dma_wait3A_563 = tpu.memref_squeeze %dma_wait3A_562 : memref<1x80x128xf32, #tpu.memory_space<vmem>> -> memref<80x128xf32, #tpu.memory_space<vmem>>
    tpu.wait_dma2 semaphore(%dma_wait3A_556 : memref<!tpu.dma_semaphore, #tpu.memory_space<semaphore_mem>>) src(%dma_wait3A_563 : memref<80x128xf32, #tpu.memory_space<vmem>>) dst(%dma_wait3A_559 : memref<80x128xf32, #tpu.memory_space<vmem_shared>>)
    %dma_wait3A_564 = arith.constant 1 : i32
    %dma_wait3A_565 = arith.constant 0 : i32
    %dma_wait3A_566 = tpu.memref_slice %arg10[%dma_wait3A_565] : memref<112xf32, #tpu.memory_space<vmem>> -> memref<80xf32, #tpu.memory_space<vmem>>
    %dma_wait3A_567 = arith.constant 0 : i32
    %dma_wait3A_568 = tpu.memref_slice %arg7[%dma_wait3A_567] : memref<10240xf32, #tpu.memory_space<vmem_shared>> -> memref<80xf32, #tpu.memory_space<vmem_shared>>
    %dma_wait3A_569 = tpu.memref_slice %arg9[%dma_wait3A_564] : memref<2x!tpu.dma_semaphore, #tpu.memory_space<semaphore_mem>> -> memref<1x!tpu.dma_semaphore, #tpu.memory_space<semaphore_mem>>
    %dma_wait3A_570 = tpu.memref_squeeze %dma_wait3A_569 : memref<1x!tpu.dma_semaphore, #tpu.memory_space<semaphore_mem>> -> memref<!tpu.dma_semaphore, #tpu.memory_space<semaphore_mem>>
    %dma_wait3A_571 = arith.constant 0 : i32
    %dma_wait3A_572 = tpu.memref_slice %arg7[%dma_wait3A_571] : memref<10240xf32, #tpu.memory_space<vmem_shared>> -> memref<80xf32, #tpu.memory_space<vmem_shared>>
    %dma_wait3A_573 = arith.constant 0 : i32
    %dma_wait3A_574 = tpu.memref_slice %arg10[%dma_wait3A_573] : memref<112xf32, #tpu.memory_space<vmem>> -> memref<80xf32, #tpu.memory_space<vmem>>
    tpu.wait_dma2 semaphore(%dma_wait3A_570 : memref<!tpu.dma_semaphore, #tpu.memory_space<semaphore_mem>>) src(%dma_wait3A_574 : memref<80xf32, #tpu.memory_space<vmem>>) dst(%dma_wait3A_572 : memref<80xf32, #tpu.memory_space<vmem_shared>>)
    %broadcast_in_dim3A_575 = arith.constant 1.000000e+00 : f32
    %broadcast_in_dim3A_576 = vector.broadcast %broadcast_in_dim3A_575 : f32 to vector<16xf32>
    %swap3A_577 = arith.constant 0 : index
    %swap3A_578 = tpu.vector_load %arg10[%swap3A_577] {strides = array<i32>} : memref<112xf32, #tpu.memory_space<vmem>>, vector<16xf32>,
    %swap3A_579 = vector.shape_cast %swap3A_578 : vector<16xf32> to vector<16xf32>
    %swap3A_580 = vector.shape_cast %broadcast_in_dim3A_576 : vector<16xf32> to vector<16xf32>
    tpu.vector_store %arg10[%swap3A_577], %swap3A_580 {strides = array<i32>} : memref<112xf32, #tpu.memory_space<vmem>>, vector<16xf32>,
    %swap3A_581 = arith.constant 16 : index
    %swap3A_582 = tpu.vector_load %arg10[%swap3A_581] {strides = array<i32>} : memref<112xf32, #tpu.memory_space<vmem>>, vector<16xf32>,
    %swap3A_583 = vector.shape_cast %swap3A_582 : vector<16xf32> to vector<16xf32>
    %swap3A_584 = vector.shape_cast %broadcast_in_dim3A_576 : vector<16xf32> to vector<16xf32>
    tpu.vector_store %arg10[%swap3A_581], %swap3A_584 {strides = array<i32>} : memref<112xf32, #tpu.memory_space<vmem>>, vector<16xf32>,
    %swap3A_585 = arith.constant 32 : index
    %swap3A_586 = tpu.vector_load %arg10[%swap3A_585] {strides = array<i32>} : memref<112xf32, #tpu.memory_space<vmem>>, vector<16xf32>,
    %swap3A_587 = vector.shape_cast %swap3A_586 : vector<16xf32> to vector<16xf32>
    %swap3A_588 = vector.shape_cast %broadcast_in_dim3A_576 : vector<16xf32> to vector<16xf32>
    tpu.vector_store %arg10[%swap3A_585], %swap3A_588 {strides = array<i32>} : memref<112xf32, #tpu.memory_space<vmem>>, vector<16xf32>,
    %swap3A_589 = arith.constant 48 : index
    %swap3A_590 = tpu.vector_load %arg10[%swap3A_589] {strides = array<i32>} : memref<112xf32, #tpu.memory_space<vmem>>, vector<16xf32>,
    %swap3A_591 = vector.shape_cast %swap3A_590 : vector<16xf32> to vector<16xf32>
    %swap3A_592 = vector.shape_cast %broadcast_in_dim3A_576 : vector<16xf32> to vector<16xf32>
    tpu.vector_store %arg10[%swap3A_589], %swap3A_592 {strides = array<i32>} : memref<112xf32, #tpu.memory_space<vmem>>, vector<16xf32>,
    %swap3A_593 = arith.constant 64 : index
    %swap3A_594 = tpu.vector_load %arg10[%swap3A_593] {strides = array<i32>} : memref<112xf32, #tpu.memory_space<vmem>>, vector<16xf32>,
    %swap3A_595 = vector.shape_cast %swap3A_594 : vector<16xf32> to vector<16xf32>
    %swap3A_596 = vector.shape_cast %broadcast_in_dim3A_576 : vector<16xf32> to vector<16xf32>
    tpu.vector_store %arg10[%swap3A_593], %swap3A_596 {strides = array<i32>} : memref<112xf32, #tpu.memory_space<vmem>>, vector<16xf32>,
    %swap3A_597 = arith.constant 80 : index
    %swap3A_598 = tpu.vector_load %arg10[%swap3A_597] {strides = array<i32>} : memref<112xf32, #tpu.memory_space<vmem>>, vector<16xf32>,
    %swap3A_599 = vector.shape_cast %swap3A_598 : vector<16xf32> to vector<16xf32>
    %swap3A_600 = vector.shape_cast %broadcast_in_dim3A_576 : vector<16xf32> to vector<16xf32>
    tpu.vector_store %arg10[%swap3A_597], %swap3A_600 {strides = array<i32>} : memref<112xf32, #tpu.memory_space<vmem>>, vector<16xf32>,
    %swap3A_601 = arith.constant 96 : index
    %swap3A_602 = tpu.vector_load %arg10[%swap3A_601] {strides = array<i32>} : memref<112xf32, #tpu.memory_space<vmem>>, vector<16xf32>,
    %swap3A_603 = vector.shape_cast %swap3A_602 : vector<16xf32> to vector<16xf32>
    %swap3A_604 = vector.shape_cast %broadcast_in_dim3A_576 : vector<16xf32> to vector<16xf32>
    tpu.vector_store %arg10[%swap3A_601], %swap3A_604 {strides = array<i32>} : memref<112xf32, #tpu.memory_space<vmem>>, vector<16xf32>,
    %dma_wait3A_605 = arith.constant 0 : i32
    %dma_wait3A_606 = arith.constant 0 : i32
    %dma_wait3A_607 = tpu.memref_slice %arg14[%dma_wait3A_606] : memref<800xi32, #tpu.memory_space<vmem>> -> memref<400xi32, #tpu.memory_space<vmem>>
    %dma_wait3A_608 = arith.constant 0 : i32
    %dma_wait3A_609 = tpu.memref_slice %arg3[%dma_wait3A_608] : memref<640000xi32, #tpu.memory_space<hbm>> -> memref<400xi32, #tpu.memory_space<hbm>>
    %dma_wait3A_610 = tpu.memref_slice %arg12[%dma_wait3A_605] : memref<2x!tpu.dma_semaphore, #tpu.memory_space<semaphore_mem>> -> memref<1x!tpu.dma_semaphore, #tpu.memory_space<semaphore_mem>>
    %dma_wait3A_611 = tpu.memref_squeeze %dma_wait3A_610 : memref<1x!tpu.dma_semaphore, #tpu.memory_space<semaphore_mem>> -> memref<!tpu.dma_semaphore, #tpu.memory_space<semaphore_mem>>
    %dma_wait3A_612 = arith.constant 0 : i32
    %dma_wait3A_613 = tpu.memref_slice %arg14[%dma_wait3A_612] : memref<800xi32, #tpu.memory_space<vmem>> -> memref<400xi32, #tpu.memory_space<vmem>>
    %dma_wait3A_614 = arith.constant 0 : i32
    %dma_wait3A_615 = tpu.memref_slice %arg3[%dma_wait3A_614] : memref<640000xi32, #tpu.memory_space<hbm>> -> memref<400xi32, #tpu.memory_space<hbm>>
    tpu.wait_dma2 semaphore(%dma_wait3A_611 : memref<!tpu.dma_semaphore, #tpu.memory_space<semaphore_mem>>) src(%dma_wait3A_615 : memref<400xi32, #tpu.memory_space<hbm>>) dst(%dma_wait3A_613 : memref<400xi32, #tpu.memory_space<vmem>>)
    %dma_wait3A_616 = arith.constant 0 : i32
    %dma_wait3A_617 = arith.constant 0 : i32
    %dma_wait3A_618 = tpu.memref_slice %arg14[%dma_wait3A_617] : memref<800xi32, #tpu.memory_space<vmem>> -> memref<400xi32, #tpu.memory_space<vmem>>
    %dma_wait3A_619 = arith.constant 0 : i32
    %dma_wait3A_620 = tpu.memref_slice %arg3[%dma_wait3A_619] : memref<640000xi32, #tpu.memory_space<hbm>> -> memref<400xi32, #tpu.memory_space<hbm>>
    %dma_wait3A_621 = tpu.memref_slice %arg12[%dma_wait3A_616] : memref<2x!tpu.dma_semaphore, #tpu.memory_space<semaphore_mem>> -> memref<1x!tpu.dma_semaphore, #tpu.memory_space<semaphore_mem>>
    %dma_wait3A_622 = tpu.memref_squeeze %dma_wait3A_621 : memref<1x!tpu.dma_semaphore, #tpu.memory_space<semaphore_mem>> -> memref<!tpu.dma_semaphore, #tpu.memory_space<semaphore_mem>>
    %dma_wait3A_623 = arith.constant 0 : i32
    %dma_wait3A_624 = tpu.memref_slice %arg14[%dma_wait3A_623] : memref<800xi32, #tpu.memory_space<vmem>> -> memref<400xi32, #tpu.memory_space<vmem>>
    %dma_wait3A_625 = arith.constant 0 : i32
    %dma_wait3A_626 = tpu.memref_slice %arg3[%dma_wait3A_625] : memref<640000xi32, #tpu.memory_space<hbm>> -> memref<400xi32, #tpu.memory_space<hbm>>
    tpu.wait_dma2 semaphore(%dma_wait3A_622 : memref<!tpu.dma_semaphore, #tpu.memory_space<semaphore_mem>>) src(%dma_wait3A_626 : memref<400xi32, #tpu.memory_space<hbm>>) dst(%dma_wait3A_624 : memref<400xi32, #tpu.memory_space<vmem>>)
    %dma_start3A_627 = arith.constant 0 : i32
    %dma_start3A_628 = arith.constant 0 : i32
    %dma_start3A_629 = arith.constant 0 : i32
    %dma_start3A_630 = arith.constant 0 : i32
    %dma_start3A_631 = tpu.memref_slice %arg13[%dma_start3A_627, %dma_start3A_629, %dma_start3A_630] : memref<4x80x128xf32, #tpu.memory_space<vmem>> -> memref<1x80x128xf32, #tpu.memory_space<vmem>>
    %dma_start3A_632 = tpu.memref_squeeze %dma_start3A_631 : memref<1x80x128xf32, #tpu.memory_space<vmem>> -> memref<80x128xf32, #tpu.memory_space<vmem>>
    %dma_start3A_633 = arith.constant 0 : i32
    %dma_start3A_634 = tpu.memref_slice %arg14[%dma_start3A_633] : memref<800xi32, #tpu.memory_space<vmem>> -> memref<80xi32, #tpu.memory_space<vmem>>
    %dma_start3A_635 = arith.constant 0 : i32
    %dma_start3A_636 = arith.constant 0 : i32
    %dma_start3A_637 = tpu.memref_slice %arg2[%dma_start3A_635, %dma_start3A_636] : memref<10000x128xf32, #tpu.memory_space<hbm>> -> memref<10000x128xf32, #tpu.memory_space<hbm>>
    %dma_start3A_638 = tpu.memref_slice %arg11[%dma_start3A_628] : memref<4x!tpu.dma_semaphore, #tpu.memory_space<semaphore_mem>> -> memref<1x!tpu.dma_semaphore, #tpu.memory_space<semaphore_mem>>
    %dma_start3A_639 = tpu.memref_squeeze %dma_start3A_638 : memref<1x!tpu.dma_semaphore, #tpu.memory_space<semaphore_mem>> -> memref<!tpu.dma_semaphore, #tpu.memory_space<semaphore_mem>>
    tpu.enqueue_indirect_dma source(%dma_start3A_637 : memref<10000x128xf32, #tpu.memory_space<hbm>>) target(%dma_start3A_632 : memref<80x128xf32, #tpu.memory_space<vmem>>) offsets(%dma_start3A_634 : memref<80xi32, #tpu.memory_space<vmem>>) semaphore(%dma_start3A_639 : memref<!tpu.dma_semaphore, #tpu.memory_space<semaphore_mem>>)
    %dma_start3A_640 = arith.constant 1 : i32
    %dma_start3A_641 = arith.constant 1 : i32
    %dma_start3A_642 = arith.constant 0 : i32
    %dma_start3A_643 = arith.constant 0 : i32
    %dma_start3A_644 = tpu.memref_slice %arg13[%dma_start3A_640, %dma_start3A_642, %dma_start3A_643] : memref<4x80x128xf32, #tpu.memory_space<vmem>> -> memref<1x80x128xf32, #tpu.memory_space<vmem>>
    %dma_start3A_645 = tpu.memref_squeeze %dma_start3A_644 : memref<1x80x128xf32, #tpu.memory_space<vmem>> -> memref<80x128xf32, #tpu.memory_space<vmem>>
    %dma_start3A_646 = arith.constant 80 : i32
    %dma_start3A_647 = tpu.memref_slice %arg14[%dma_start3A_646] : memref<800xi32, #tpu.memory_space<vmem>> -> memref<80xi32, #tpu.memory_space<vmem>>
    %dma_start3A_648 = arith.constant 0 : i32
    %dma_start3A_649 = arith.constant 0 : i32
    %dma_start3A_650 = tpu.memref_slice %arg2[%dma_start3A_648, %dma_start3A_649] : memref<10000x128xf32, #tpu.memory_space<hbm>> -> memref<10000x128xf32, #tpu.memory_space<hbm>>
    %dma_start3A_651 = tpu.memref_slice %arg11[%dma_start3A_641] : memref<4x!tpu.dma_semaphore, #tpu.memory_space<semaphore_mem>> -> memref<1x!tpu.dma_semaphore, #tpu.memory_space<semaphore_mem>>
    %dma_start3A_652 = tpu.memref_squeeze %dma_start3A_651 : memref<1x!tpu.dma_semaphore, #tpu.memory_space<semaphore_mem>> -> memref<!tpu.dma_semaphore, #tpu.memory_space<semaphore_mem>>
    tpu.enqueue_indirect_dma source(%dma_start3A_650 : memref<10000x128xf32, #tpu.memory_space<hbm>>) target(%dma_start3A_645 : memref<80x128xf32, #tpu.memory_space<vmem>>) offsets(%dma_start3A_647 : memref<80xi32, #tpu.memory_space<vmem>>) semaphore(%dma_start3A_652 : memref<!tpu.dma_semaphore, #tpu.memory_space<semaphore_mem>>)
    %dma_start3A_653 = arith.constant 2 : i32
    %dma_start3A_654 = arith.constant 2 : i32
    %dma_start3A_655 = arith.constant 0 : i32
    %dma_start3A_656 = arith.constant 0 : i32
    %dma_start3A_657 = tpu.memref_slice %arg13[%dma_start3A_653, %dma_start3A_655, %dma_start3A_656] : memref<4x80x128xf32, #tpu.memory_space<vmem>> -> memref<1x80x128xf32, #tpu.memory_space<vmem>>
    %dma_start3A_658 = tpu.memref_squeeze %dma_start3A_657 : memref<1x80x128xf32, #tpu.memory_space<vmem>> -> memref<80x128xf32, #tpu.memory_space<vmem>>
    %dma_start3A_659 = arith.constant 160 : i32
    %dma_start3A_660 = tpu.memref_slice %arg14[%dma_start3A_659] : memref<800xi32, #tpu.memory_space<vmem>> -> memref<80xi32, #tpu.memory_space<vmem>>
    %dma_start3A_661 = arith.constant 0 : i32
    %dma_start3A_662 = arith.constant 0 : i32
    %dma_start3A_663 = tpu.memref_slice %arg2[%dma_start3A_661, %dma_start3A_662] : memref<10000x128xf32, #tpu.memory_space<hbm>> -> memref<10000x128xf32, #tpu.memory_space<hbm>>
    %dma_start3A_664 = tpu.memref_slice %arg11[%dma_start3A_654] : memref<4x!tpu.dma_semaphore, #tpu.memory_space<semaphore_mem>> -> memref<1x!tpu.dma_semaphore, #tpu.memory_space<semaphore_mem>>
    %dma_start3A_665 = tpu.memref_squeeze %dma_start3A_664 : memref<1x!tpu.dma_semaphore, #tpu.memory_space<semaphore_mem>> -> memref<!tpu.dma_semaphore, #tpu.memory_space<semaphore_mem>>
    tpu.enqueue_indirect_dma source(%dma_start3A_663 : memref<10000x128xf32, #tpu.memory_space<hbm>>) target(%dma_start3A_658 : memref<80x128xf32, #tpu.memory_space<vmem>>) offsets(%dma_start3A_660 : memref<80xi32, #tpu.memory_space<vmem>>) semaphore(%dma_start3A_665 : memref<!tpu.dma_semaphore, #tpu.memory_space<semaphore_mem>>)
    %barrier3A = arith.constant 0 : index
    tpu.barrier barrier_id(%barrier3A)
    %scan3A_666 = arith.constant 0 : i32
    %scan3A_667 = arith.constant 125 : i32
    %scan3A_668 = arith.addi %scan3A_666, %scan3A_667 : i32
    %scan3A_669 = arith.constant 1 : i32
    scf.for %scan3A_702 = %scan3A_666 to %scan3A_668 step %scan3A_669  : i32 {
      %mul3A_703 = arith.constant 1 : i32
      %mul3A_704 = arith.muli %scan3A_702, %mul3A_703 : i32
      %add3A_705 = arith.constant 0 : i32
      %add3A_706 = arith.addi %add3A_705, %mul3A_704 : i32
      %ge3A = arith.constant 1 : i32
      %ge3A_707 = arith.cmpi sge, %add3A_706, %ge3A : i32
      %convert_element_type3A = arith.extui %ge3A_707 : i1 to i32
      %cond3A = arith.constant 0 : i32
      %cond3A_708 = arith.cmpi ne, %convert_element_type3A, %cond3A : i32
      scf.if %cond3A_708 {
        %sub3A_987 = arith.constant 1 : i32
        %sub3A_988 = arith.subi %add3A_706, %sub3A_987 : i32
        %jit3A_989 = arith.constant 4 : i32
        %eq3A_990 = arith.constant 0 : i32
        %eq3A_991 = arith.cmpi eq, %jit3A_989, %eq3A_990 : i32
        %jit3A_992 = arith.constant 1 : i32
        %select_n3A_993 = arith.select %eq3A_991, %jit3A_992, %jit3A_989 : i32
        %rem3A_994 = arith.remsi %sub3A_988, %select_n3A_993 : i32
        %ne3A_995 = arith.constant 0 : i32
        %ne3A_996 = arith.cmpi ne, %rem3A_994, %ne3A_995 : i32
        %lt3A_997 = arith.constant 0 : i32
        %lt3A_998 = arith.cmpi slt, %rem3A_994, %lt3A_997 : i32
        %lt3A_999 = arith.constant 0 : i32
        %lt3A_1000 = arith.cmpi slt, %select_n3A_993, %lt3A_999 : i32
        %ne3A_1001 = arith.xori %lt3A_998, %lt3A_1000 : i1
        %and3A_1002 = arith.andi %ne3A_1001, %ne3A_996 : i1
        %add3A_1003 = arith.addi %rem3A_994, %select_n3A_993 : i32
        %select_n3A_1004 = arith.select %and3A_1002, %add3A_1003, %rem3A_994 : i32
        %dma_wait3A_1005 = arith.constant 0 : i32
        %dma_wait3A_1006 = arith.constant 0 : i32
        %dma_wait3A_1007 = tpu.memref_slice %arg13[%select_n3A_1004, %dma_wait3A_1005, %dma_wait3A_1006] : memref<4x80x128xf32, #tpu.memory_space<vmem>> -> memref<1x80x128xf32, #tpu.memory_space<vmem>>
        %dma_wait3A_1008 = tpu.memref_squeeze %dma_wait3A_1007 : memref<1x80x128xf32, #tpu.memory_space<vmem>> -> memref<80x128xf32, #tpu.memory_space<vmem>>
        %dma_wait3A_1009 = arith.constant 0 : i32
        %dma_wait3A_1010 = tpu.memref_slice %arg8[%dma_wait3A_1009] : memref<800xi32, #tpu.memory_space<vmem>> -> memref<80xi32, #tpu.memory_space<vmem>>
        %dma_wait3A_1011 = arith.constant 0 : i32
        %dma_wait3A_1012 = arith.constant 0 : i32
        %dma_wait3A_1013 = tpu.memref_slice %arg6[%dma_wait3A_1011, %dma_wait3A_1012] : memref<10240x128xf32, #tpu.memory_space<vmem_shared>> -> memref<10240x128xf32, #tpu.memory_space<vmem_shared>>
        %dma_wait3A_1014 = tpu.memref_slice %arg15[%select_n3A_1004] : memref<4x!tpu.dma_semaphore, #tpu.memory_space<semaphore_mem>> -> memref<1x!tpu.dma_semaphore, #tpu.memory_space<semaphore_mem>>
        %dma_wait3A_1015 = tpu.memref_squeeze %dma_wait3A_1014 : memref<1x!tpu.dma_semaphore, #tpu.memory_space<semaphore_mem>> -> memref<!tpu.dma_semaphore, #tpu.memory_space<semaphore_mem>>
        tpu.wait_indirect_dma semaphore(%dma_wait3A_1015 : memref<!tpu.dma_semaphore, #tpu.memory_space<semaphore_mem>>) src(%dma_wait3A_1008 : memref<80x128xf32, #tpu.memory_space<vmem>>) dst(%dma_wait3A_1013 : memref<10240x128xf32, #tpu.memory_space<vmem_shared>>)
      } else {
      }
      %ge3A_709 = arith.constant 1 : i32
      %ge3A_710 = arith.cmpi sge, %add3A_706, %ge3A_709 : i32
      %convert_element_type3A_711 = arith.extui %ge3A_710 : i1 to i32
      %cond3A_712 = arith.constant 0 : i32
      %cond3A_713 = arith.cmpi ne, %convert_element_type3A_711, %cond3A_712 : i32
      scf.if %cond3A_713 {
        %sub3A_987 = arith.constant 1 : i32
        %sub3A_988 = arith.subi %add3A_706, %sub3A_987 : i32
        %jit3A_989 = arith.constant 2 : i32
        %eq3A_990 = arith.constant 0 : i32
        %eq3A_991 = arith.cmpi eq, %jit3A_989, %eq3A_990 : i32
        %jit3A_992 = arith.constant 1 : i32
        %select_n3A_993 = arith.select %eq3A_991, %jit3A_992, %jit3A_989 : i32
        %rem3A_994 = arith.remsi %sub3A_988, %select_n3A_993 : i32
        %ne3A_995 = arith.constant 0 : i32
        %ne3A_996 = arith.cmpi ne, %rem3A_994, %ne3A_995 : i32
        %lt3A_997 = arith.constant 0 : i32
        %lt3A_998 = arith.cmpi slt, %rem3A_994, %lt3A_997 : i32
        %lt3A_999 = arith.constant 0 : i32
        %lt3A_1000 = arith.cmpi slt, %select_n3A_993, %lt3A_999 : i32
        %ne3A_1001 = arith.xori %lt3A_998, %lt3A_1000 : i1
        %and3A_1002 = arith.andi %ne3A_1001, %ne3A_996 : i1
        %add3A_1003 = arith.addi %rem3A_994, %select_n3A_993 : i32
        %select_n3A_1004 = arith.select %and3A_1002, %add3A_1003, %rem3A_994 : i32
        %dma_wait3A_1005 = arith.constant 0 : i32
        %dma_wait3A_1006 = tpu.memref_slice %arg10[%dma_wait3A_1005] : memref<112xf32, #tpu.memory_space<vmem>> -> memref<80xf32, #tpu.memory_space<vmem>>
        %dma_wait3A_1007 = arith.constant 0 : i32
        %dma_wait3A_1008 = tpu.memref_slice %arg8[%dma_wait3A_1007] : memref<800xi32, #tpu.memory_space<vmem>> -> memref<80xi32, #tpu.memory_space<vmem>>
        %dma_wait3A_1009 = arith.constant 0 : i32
        %dma_wait3A_1010 = tpu.memref_slice %arg7[%dma_wait3A_1009] : memref<10240xf32, #tpu.memory_space<vmem_shared>> -> memref<10240xf32, #tpu.memory_space<vmem_shared>>
        %dma_wait3A_1011 = tpu.memref_slice %arg9[%select_n3A_1004] : memref<2x!tpu.dma_semaphore, #tpu.memory_space<semaphore_mem>> -> memref<1x!tpu.dma_semaphore, #tpu.memory_space<semaphore_mem>>
        %dma_wait3A_1012 = tpu.memref_squeeze %dma_wait3A_1011 : memref<1x!tpu.dma_semaphore, #tpu.memory_space<semaphore_mem>> -> memref<!tpu.dma_semaphore, #tpu.memory_space<semaphore_mem>>
        tpu.wait_indirect_dma semaphore(%dma_wait3A_1012 : memref<!tpu.dma_semaphore, #tpu.memory_space<semaphore_mem>>) src(%dma_wait3A_1006 : memref<80xf32, #tpu.memory_space<vmem>>) dst(%dma_wait3A_1010 : memref<10240xf32, #tpu.memory_space<vmem_shared>>)
      } else {
      }
      %jit3A = arith.constant 5 : i32
      %div3A = arith.divsi %add3A_706, %jit3A : i32
      %sign3A = arith.constant 0 : i32
      %sign3A_714 = arith.cmpi sgt, %add3A_706, %sign3A : i32
      %sign3A_715 = arith.extui %sign3A_714 : i1 to i32
      %sign3A_716 = arith.constant 0 : i32
      %sign3A_717 = arith.cmpi slt, %add3A_706, %sign3A_716 : i32
      %sign3A_718 = arith.extui %sign3A_717 : i1 to i32
      %sign3A_719 = arith.subi %sign3A_715, %sign3A_718 : i32
      %sign3A_720 = arith.constant 0 : i32
      %sign3A_721 = arith.cmpi sgt, %jit3A, %sign3A_720 : i32
      %sign3A_722 = arith.extui %sign3A_721 : i1 to i32
      %sign3A_723 = arith.constant 0 : i32
      %sign3A_724 = arith.cmpi slt, %jit3A, %sign3A_723 : i32
      %sign3A_725 = arith.extui %sign3A_724 : i1 to i32
      %sign3A_726 = arith.subi %sign3A_722, %sign3A_725 : i32
      %ne3A = arith.cmpi ne, %sign3A_719, %sign3A_726 : i32
      %rem3A = arith.remsi %add3A_706, %jit3A : i32
      %ne3A_727 = arith.constant 0 : i32
      %ne3A_728 = arith.cmpi ne, %rem3A, %ne3A_727 : i32
      %and3A = arith.andi %ne3A, %ne3A_728 : i1
      %sub3A = arith.constant 1 : i32
      %sub3A_729 = arith.subi %div3A, %sub3A : i32
      %select_n3A = arith.select %and3A, %sub3A_729, %div3A : i32
      %jit3A_730 = arith.constant 5 : i32
      %eq3A = arith.constant 0 : i32
      %eq3A_731 = arith.cmpi eq, %jit3A_730, %eq3A : i32
      %jit3A_732 = arith.constant 1 : i32
      %select_n3A_733 = arith.select %eq3A_731, %jit3A_732, %jit3A_730 : i32
      %rem3A_734 = arith.remsi %add3A_706, %select_n3A_733 : i32
      %ne3A_735 = arith.constant 0 : i32
      %ne3A_736 = arith.cmpi ne, %rem3A_734, %ne3A_735 : i32
      %lt3A = arith.constant 0 : i32
      %lt3A_737 = arith.cmpi slt, %rem3A_734, %lt3A : i32
      %lt3A_738 = arith.constant 0 : i32
      %lt3A_739 = arith.cmpi slt, %select_n3A_733, %lt3A_738 : i32
      %ne3A_740 = arith.xori %lt3A_737, %lt3A_739 : i1
      %and3A_741 = arith.andi %ne3A_740, %ne3A_736 : i1
      %add3A_742 = arith.addi %rem3A_734, %select_n3A_733 : i32
      %select_n3A_743 = arith.select %and3A_741, %add3A_742, %rem3A_734 : i32
      %eq3A_744 = arith.constant 0 : i32
      %eq3A_745 = arith.cmpi eq, %select_n3A_743, %eq3A_744 : i32
      %gt3A = arith.constant 0 : i32
      %gt3A_746 = arith.cmpi sgt, %add3A_706, %gt3A : i32
      %and3A_747 = arith.andi %eq3A_745, %gt3A_746 : i1
      %add3A_748 = arith.constant 1 : i32
      %add3A_749 = arith.addi %select_n3A, %add3A_748 : i32
      %lt3A_750 = arith.constant 25 : i32
      %lt3A_751 = arith.cmpi slt, %add3A_749, %lt3A_750 : i32
      %and3A_752 = arith.andi %and3A_747, %lt3A_751 : i1
      %convert_element_type3A_753 = arith.extui %and3A_752 : i1 to i32
      %cond3A_754 = arith.constant 0 : i32
      %cond3A_755 = arith.cmpi ne, %convert_element_type3A_753, %cond3A_754 : i32
      scf.if %cond3A_755 {
        %add3A_987 = arith.constant 1 : i32
        %add3A_988 = arith.addi %select_n3A, %add3A_987 : i32
        %add3A_989 = arith.constant 1 : i32
        %add3A_990 = arith.addi %select_n3A, %add3A_989 : i32
        %jit3A_991 = arith.constant 2 : i32
        %eq3A_992 = arith.constant 0 : i32
        %eq3A_993 = arith.cmpi eq, %jit3A_991, %eq3A_992 : i32
        %jit3A_994 = arith.constant 1 : i32
        %select_n3A_995 = arith.select %eq3A_993, %jit3A_994, %jit3A_991 : i32
        %rem3A_996 = arith.remsi %add3A_990, %select_n3A_995 : i32
        %ne3A_997 = arith.constant 0 : i32
        %ne3A_998 = arith.cmpi ne, %rem3A_996, %ne3A_997 : i32
        %lt3A_999 = arith.constant 0 : i32
        %lt3A_1000 = arith.cmpi slt, %rem3A_996, %lt3A_999 : i32
        %lt3A_1001 = arith.constant 0 : i32
        %lt3A_1002 = arith.cmpi slt, %select_n3A_995, %lt3A_1001 : i32
        %ne3A_1003 = arith.xori %lt3A_1000, %lt3A_1002 : i1
        %and3A_1004 = arith.andi %ne3A_1003, %ne3A_998 : i1
        %add3A_1005 = arith.addi %rem3A_996, %select_n3A_995 : i32
        %select_n3A_1006 = arith.select %and3A_1004, %add3A_1005, %rem3A_996 : i32
        %mul3A_1007 = arith.constant 10000 : i32
        %mul3A_1008 = arith.muli %add3A, %mul3A_1007 : i32
        %mul3A_1009 = arith.constant 400 : i32
        %mul3A_1010 = arith.muli %add3A_988, %mul3A_1009 : i32
        %add3A_1011 = arith.addi %mul3A_1008, %mul3A_1010 : i32
        %mul3A_1012 = arith.constant 400 : i32
        %mul3A_1013 = arith.muli %select_n3A_1006, %mul3A_1012 : i32
        %dma_start3A_1014 = tpu.memref_slice %arg14[%mul3A_1013] : memref<800xi32, #tpu.memory_space<vmem>> -> memref<400xi32, #tpu.memory_space<vmem>>
        %dma_start3A_1015 = tpu.memref_slice %arg3[%add3A_1011] : memref<640000xi32, #tpu.memory_space<hbm>> -> memref<400xi32, #tpu.memory_space<hbm>>
        %dma_start3A_1016 = tpu.memref_slice %arg12[%select_n3A_1006] : memref<2x!tpu.dma_semaphore, #tpu.memory_space<semaphore_mem>> -> memref<1x!tpu.dma_semaphore, #tpu.memory_space<semaphore_mem>>
        %dma_start3A_1017 = tpu.memref_squeeze %dma_start3A_1016 : memref<1x!tpu.dma_semaphore, #tpu.memory_space<semaphore_mem>> -> memref<!tpu.dma_semaphore, #tpu.memory_space<semaphore_mem>>
        %dma_start3A_1018 = tpu.memref_slice %arg14[%mul3A_1013] : memref<800xi32, #tpu.memory_space<vmem>> -> memref<400xi32, #tpu.memory_space<vmem>>
        %dma_start3A_1019 = tpu.memref_slice %arg3[%add3A_1011] : memref<640000xi32, #tpu.memory_space<hbm>> -> memref<400xi32, #tpu.memory_space<hbm>>
        tpu.enqueue_dma source(%dma_start3A_1019 : memref<400xi32, #tpu.memory_space<hbm>>) target(%dma_start3A_1018 : memref<400xi32, #tpu.memory_space<vmem>>) target_semaphore(%dma_start3A_1017 : memref<!tpu.dma_semaphore, #tpu.memory_space<semaphore_mem>>)
        %add3A_1020 = arith.constant 320000 : i32
        %add3A_1021 = arith.addi %add3A_1020, %add3A_1011 : i32
        %dma_start3A_1022 = tpu.memref_slice %arg8[%mul3A_1013] : memref<800xi32, #tpu.memory_space<vmem>> -> memref<400xi32, #tpu.memory_space<vmem>>
        %dma_start3A_1023 = tpu.memref_slice %arg3[%add3A_1021] : memref<640000xi32, #tpu.memory_space<hbm>> -> memref<400xi32, #tpu.memory_space<hbm>>
        %dma_start3A_1024 = tpu.memref_slice %arg12[%select_n3A_1006] : memref<2x!tpu.dma_semaphore, #tpu.memory_space<semaphore_mem>> -> memref<1x!tpu.dma_semaphore, #tpu.memory_space<semaphore_mem>>
        %dma_start3A_1025 = tpu.memref_squeeze %dma_start3A_1024 : memref<1x!tpu.dma_semaphore, #tpu.memory_space<semaphore_mem>> -> memref<!tpu.dma_semaphore, #tpu.memory_space<semaphore_mem>>
        %dma_start3A_1026 = tpu.memref_slice %arg8[%mul3A_1013] : memref<800xi32, #tpu.memory_space<vmem>> -> memref<400xi32, #tpu.memory_space<vmem>>
        %dma_start3A_1027 = tpu.memref_slice %arg3[%add3A_1021] : memref<640000xi32, #tpu.memory_space<hbm>> -> memref<400xi32, #tpu.memory_space<hbm>>
        tpu.enqueue_dma source(%dma_start3A_1027 : memref<400xi32, #tpu.memory_space<hbm>>) target(%dma_start3A_1026 : memref<400xi32, #tpu.memory_space<vmem>>) target_semaphore(%dma_start3A_1025 : memref<!tpu.dma_semaphore, #tpu.memory_space<semaphore_mem>>)
      } else {
      }
      %jit3A_756 = arith.constant 5 : i32
      %eq3A_757 = arith.constant 0 : i32
      %eq3A_758 = arith.cmpi eq, %jit3A_756, %eq3A_757 : i32
      %jit3A_759 = arith.constant 1 : i32
      %select_n3A_760 = arith.select %eq3A_758, %jit3A_759, %jit3A_756 : i32
      %rem3A_761 = arith.remsi %add3A_706, %select_n3A_760 : i32
      %ne3A_762 = arith.constant 0 : i32
      %ne3A_763 = arith.cmpi ne, %rem3A_761, %ne3A_762 : i32
      %lt3A_764 = arith.constant 0 : i32
      %lt3A_765 = arith.cmpi slt, %rem3A_761, %lt3A_764 : i32
      %lt3A_766 = arith.constant 0 : i32
      %lt3A_767 = arith.cmpi slt, %select_n3A_760, %lt3A_766 : i32
      %ne3A_768 = arith.xori %lt3A_765, %lt3A_767 : i1
      %and3A_769 = arith.andi %ne3A_768, %ne3A_763 : i1
      %add3A_770 = arith.addi %rem3A_761, %select_n3A_760 : i32
      %select_n3A_771 = arith.select %and3A_769, %add3A_770, %rem3A_761 : i32
      %eq3A_772 = arith.constant 2 : i32
      %eq3A_773 = arith.cmpi eq, %select_n3A_771, %eq3A_772 : i32
      %add3A_774 = arith.constant 3 : i32
      %add3A_775 = arith.addi %add3A_706, %add3A_774 : i32
      %lt3A_776 = arith.constant 125 : i32
      %lt3A_777 = arith.cmpi slt, %add3A_775, %lt3A_776 : i32
      %and3A_778 = arith.andi %eq3A_773, %lt3A_777 : i1
      %convert_element_type3A_779 = arith.extui %and3A_778 : i1 to i32
      %cond3A_780 = arith.constant 0 : i32
      %cond3A_781 = arith.cmpi ne, %convert_element_type3A_779, %cond3A_780 : i32
      scf.if %cond3A_781 {
        %add3A_987 = arith.constant 1 : i32
        %add3A_988 = arith.addi %select_n3A, %add3A_987 : i32
        %jit3A_989 = arith.constant 2 : i32
        %eq3A_990 = arith.constant 0 : i32
        %eq3A_991 = arith.cmpi eq, %jit3A_989, %eq3A_990 : i32
        %jit3A_992 = arith.constant 1 : i32
        %select_n3A_993 = arith.select %eq3A_991, %jit3A_992, %jit3A_989 : i32
        %rem3A_994 = arith.remsi %add3A_988, %select_n3A_993 : i32
        %ne3A_995 = arith.constant 0 : i32
        %ne3A_996 = arith.cmpi ne, %rem3A_994, %ne3A_995 : i32
        %lt3A_997 = arith.constant 0 : i32
        %lt3A_998 = arith.cmpi slt, %rem3A_994, %lt3A_997 : i32
        %lt3A_999 = arith.constant 0 : i32
        %lt3A_1000 = arith.cmpi slt, %select_n3A_993, %lt3A_999 : i32
        %ne3A_1001 = arith.xori %lt3A_998, %lt3A_1000 : i1
        %and3A_1002 = arith.andi %ne3A_1001, %ne3A_996 : i1
        %add3A_1003 = arith.addi %rem3A_994, %select_n3A_993 : i32
        %select_n3A_1004 = arith.select %and3A_1002, %add3A_1003, %rem3A_994 : i32
        %dma_wait3A_1005 = arith.constant 0 : i32
        %dma_wait3A_1006 = tpu.memref_slice %arg14[%dma_wait3A_1005] : memref<800xi32, #tpu.memory_space<vmem>> -> memref<400xi32, #tpu.memory_space<vmem>>
        %dma_wait3A_1007 = arith.constant 0 : i32
        %dma_wait3A_1008 = tpu.memref_slice %arg3[%dma_wait3A_1007] : memref<640000xi32, #tpu.memory_space<hbm>> -> memref<400xi32, #tpu.memory_space<hbm>>
        %dma_wait3A_1009 = tpu.memref_slice %arg12[%select_n3A_1004] : memref<2x!tpu.dma_semaphore, #tpu.memory_space<semaphore_mem>> -> memref<1x!tpu.dma_semaphore, #tpu.memory_space<semaphore_mem>>
        %dma_wait3A_1010 = tpu.memref_squeeze %dma_wait3A_1009 : memref<1x!tpu.dma_semaphore, #tpu.memory_space<semaphore_mem>> -> memref<!tpu.dma_semaphore, #tpu.memory_space<semaphore_mem>>
        %dma_wait3A_1011 = arith.constant 0 : i32
        %dma_wait3A_1012 = tpu.memref_slice %arg14[%dma_wait3A_1011] : memref<800xi32, #tpu.memory_space<vmem>> -> memref<400xi32, #tpu.memory_space<vmem>>
        %dma_wait3A_1013 = arith.constant 0 : i32
        %dma_wait3A_1014 = tpu.memref_slice %arg3[%dma_wait3A_1013] : memref<640000xi32, #tpu.memory_space<hbm>> -> memref<400xi32, #tpu.memory_space<hbm>>
        tpu.wait_dma2 semaphore(%dma_wait3A_1010 : memref<!tpu.dma_semaphore, #tpu.memory_space<semaphore_mem>>) src(%dma_wait3A_1014 : memref<400xi32, #tpu.memory_space<hbm>>) dst(%dma_wait3A_1012 : memref<400xi32, #tpu.memory_space<vmem>>)
        %dma_wait3A_1015 = arith.constant 0 : i32
        %dma_wait3A_1016 = tpu.memref_slice %arg14[%dma_wait3A_1015] : memref<800xi32, #tpu.memory_space<vmem>> -> memref<400xi32, #tpu.memory_space<vmem>>
        %dma_wait3A_1017 = arith.constant 0 : i32
        %dma_wait3A_1018 = tpu.memref_slice %arg3[%dma_wait3A_1017] : memref<640000xi32, #tpu.memory_space<hbm>> -> memref<400xi32, #tpu.memory_space<hbm>>
        %dma_wait3A_1019 = tpu.memref_slice %arg12[%select_n3A_1004] : memref<2x!tpu.dma_semaphore, #tpu.memory_space<semaphore_mem>> -> memref<1x!tpu.dma_semaphore, #tpu.memory_space<semaphore_mem>>
        %dma_wait3A_1020 = tpu.memref_squeeze %dma_wait3A_1019 : memref<1x!tpu.dma_semaphore, #tpu.memory_space<semaphore_mem>> -> memref<!tpu.dma_semaphore, #tpu.memory_space<semaphore_mem>>
        %dma_wait3A_1021 = arith.constant 0 : i32
        %dma_wait3A_1022 = tpu.memref_slice %arg14[%dma_wait3A_1021] : memref<800xi32, #tpu.memory_space<vmem>> -> memref<400xi32, #tpu.memory_space<vmem>>
        %dma_wait3A_1023 = arith.constant 0 : i32
        %dma_wait3A_1024 = tpu.memref_slice %arg3[%dma_wait3A_1023] : memref<640000xi32, #tpu.memory_space<hbm>> -> memref<400xi32, #tpu.memory_space<hbm>>
        tpu.wait_dma2 semaphore(%dma_wait3A_1020 : memref<!tpu.dma_semaphore, #tpu.memory_space<semaphore_mem>>) src(%dma_wait3A_1024 : memref<400xi32, #tpu.memory_space<hbm>>) dst(%dma_wait3A_1022 : memref<400xi32, #tpu.memory_space<vmem>>)
      } else {
      }
      %add3A_782 = arith.constant 3 : i32
      %add3A_783 = arith.addi %add3A_706, %add3A_782 : i32
      %lt3A_784 = arith.constant 125 : i32
      %lt3A_785 = arith.cmpi slt, %add3A_783, %lt3A_784 : i32
      %convert_element_type3A_786 = arith.extui %lt3A_785 : i1 to i32
      %cond3A_787 = arith.constant 0 : i32
      %cond3A_788 = arith.cmpi ne, %convert_element_type3A_786, %cond3A_787 : i32
      scf.if %cond3A_788 {
        %add3A_987 = arith.constant 3 : i32
        %add3A_988 = arith.addi %add3A_706, %add3A_987 : i32
        %jit3A_989 = arith.constant 5 : i32
        %div3A_990 = arith.divsi %add3A_988, %jit3A_989 : i32
        %sign3A_991 = arith.constant 0 : i32
        %sign3A_992 = arith.cmpi sgt, %add3A_988, %sign3A_991 : i32
        %sign3A_993 = arith.extui %sign3A_992 : i1 to i32
        %sign3A_994 = arith.constant 0 : i32
        %sign3A_995 = arith.cmpi slt, %add3A_988, %sign3A_994 : i32
        %sign3A_996 = arith.extui %sign3A_995 : i1 to i32
        %sign3A_997 = arith.subi %sign3A_993, %sign3A_996 : i32
        %sign3A_998 = arith.constant 0 : i32
        %sign3A_999 = arith.cmpi sgt, %jit3A_989, %sign3A_998 : i32
        %sign3A_1000 = arith.extui %sign3A_999 : i1 to i32
        %sign3A_1001 = arith.constant 0 : i32
        %sign3A_1002 = arith.cmpi slt, %jit3A_989, %sign3A_1001 : i32
        %sign3A_1003 = arith.extui %sign3A_1002 : i1 to i32
        %sign3A_1004 = arith.subi %sign3A_1000, %sign3A_1003 : i32
        %ne3A_1005 = arith.cmpi ne, %sign3A_997, %sign3A_1004 : i32
        %rem3A_1006 = arith.remsi %add3A_988, %jit3A_989 : i32
        %ne3A_1007 = arith.constant 0 : i32
        %ne3A_1008 = arith.cmpi ne, %rem3A_1006, %ne3A_1007 : i32
        %and3A_1009 = arith.andi %ne3A_1005, %ne3A_1008 : i1
        %sub3A_1010 = arith.constant 1 : i32
        %sub3A_1011 = arith.subi %div3A_990, %sub3A_1010 : i32
        %select_n3A_1012 = arith.select %and3A_1009, %sub3A_1011, %div3A_990 : i32
        %jit3A_1013 = arith.constant 2 : i32
        %eq3A_1014 = arith.constant 0 : i32
        %eq3A_1015 = arith.cmpi eq, %jit3A_1013, %eq3A_1014 : i32
        %jit3A_1016 = arith.constant 1 : i32
        %select_n3A_1017 = arith.select %eq3A_1015, %jit3A_1016, %jit3A_1013 : i32
        %rem3A_1018 = arith.remsi %select_n3A_1012, %select_n3A_1017 : i32
        %ne3A_1019 = arith.constant 0 : i32
        %ne3A_1020 = arith.cmpi ne, %rem3A_1018, %ne3A_1019 : i32
        %lt3A_1021 = arith.constant 0 : i32
        %lt3A_1022 = arith.cmpi slt, %rem3A_1018, %lt3A_1021 : i32
        %lt3A_1023 = arith.constant 0 : i32
        %lt3A_1024 = arith.cmpi slt, %select_n3A_1017, %lt3A_1023 : i32
        %ne3A_1025 = arith.xori %lt3A_1022, %lt3A_1024 : i1
        %and3A_1026 = arith.andi %ne3A_1025, %ne3A_1020 : i1
        %add3A_1027 = arith.addi %rem3A_1018, %select_n3A_1017 : i32
        %select_n3A_1028 = arith.select %and3A_1026, %add3A_1027, %rem3A_1018 : i32
        %jit3A_1029 = arith.constant 5 : i32
        %eq3A_1030 = arith.constant 0 : i32
        %eq3A_1031 = arith.cmpi eq, %jit3A_1029, %eq3A_1030 : i32
        %jit3A_1032 = arith.constant 1 : i32
        %select_n3A_1033 = arith.select %eq3A_1031, %jit3A_1032, %jit3A_1029 : i32
        %rem3A_1034 = arith.remsi %add3A_988, %select_n3A_1033 : i32
        %ne3A_1035 = arith.constant 0 : i32
        %ne3A_1036 = arith.cmpi ne, %rem3A_1034, %ne3A_1035 : i32
        %lt3A_1037 = arith.constant 0 : i32
        %lt3A_1038 = arith.cmpi slt, %rem3A_1034, %lt3A_1037 : i32
        %lt3A_1039 = arith.constant 0 : i32
        %lt3A_1040 = arith.cmpi slt, %select_n3A_1033, %lt3A_1039 : i32
        %ne3A_1041 = arith.xori %lt3A_1038, %lt3A_1040 : i1
        %and3A_1042 = arith.andi %ne3A_1041, %ne3A_1036 : i1
        %add3A_1043 = arith.addi %rem3A_1034, %select_n3A_1033 : i32
        %select_n3A_1044 = arith.select %and3A_1042, %add3A_1043, %rem3A_1034 : i32
        %jit3A_1045 = arith.constant 4 : i32
        %eq3A_1046 = arith.constant 0 : i32
        %eq3A_1047 = arith.cmpi eq, %jit3A_1045, %eq3A_1046 : i32
        %jit3A_1048 = arith.constant 1 : i32
        %select_n3A_1049 = arith.select %eq3A_1047, %jit3A_1048, %jit3A_1045 : i32
        %rem3A_1050 = arith.remsi %add3A_988, %select_n3A_1049 : i32
        %ne3A_1051 = arith.constant 0 : i32
        %ne3A_1052 = arith.cmpi ne, %rem3A_1050, %ne3A_1051 : i32
        %lt3A_1053 = arith.constant 0 : i32
        %lt3A_1054 = arith.cmpi slt, %rem3A_1050, %lt3A_1053 : i32
        %lt3A_1055 = arith.constant 0 : i32
        %lt3A_1056 = arith.cmpi slt, %select_n3A_1049, %lt3A_1055 : i32
        %ne3A_1057 = arith.xori %lt3A_1054, %lt3A_1056 : i1
        %and3A_1058 = arith.andi %ne3A_1057, %ne3A_1052 : i1
        %add3A_1059 = arith.addi %rem3A_1050, %select_n3A_1049 : i32
        %select_n3A_1060 = arith.select %and3A_1058, %add3A_1059, %rem3A_1050 : i32
        %mul3A_1061 = arith.constant 400 : i32
        %mul3A_1062 = arith.muli %select_n3A_1028, %mul3A_1061 : i32
        %mul3A_1063 = arith.constant 80 : i32
        %mul3A_1064 = arith.muli %select_n3A_1044, %mul3A_1063 : i32
        %add3A_1065 = arith.addi %mul3A_1062, %mul3A_1064 : i32
        %dma_start3A_1066 = arith.constant 0 : i32
        %dma_start3A_1067 = arith.constant 0 : i32
        %dma_start3A_1068 = tpu.memref_slice %arg13[%select_n3A_1060, %dma_start3A_1066, %dma_start3A_1067] : memref<4x80x128xf32, #tpu.memory_space<vmem>> -> memref<1x80x128xf32, #tpu.memory_space<vmem>>
        %dma_start3A_1069 = tpu.memref_squeeze %dma_start3A_1068 : memref<1x80x128xf32, #tpu.memory_space<vmem>> -> memref<80x128xf32, #tpu.memory_space<vmem>>
        %dma_start3A_1070 = tpu.memref_slice %arg14[%add3A_1065] : memref<800xi32, #tpu.memory_space<vmem>> -> memref<80xi32, #tpu.memory_space<vmem>>
        %dma_start3A_1071 = arith.constant 0 : i32
        %dma_start3A_1072 = arith.constant 0 : i32
        %dma_start3A_1073 = tpu.memref_slice %arg2[%dma_start3A_1071, %dma_start3A_1072] : memref<10000x128xf32, #tpu.memory_space<hbm>> -> memref<10000x128xf32, #tpu.memory_space<hbm>>
        %dma_start3A_1074 = tpu.memref_slice %arg11[%select_n3A_1060] : memref<4x!tpu.dma_semaphore, #tpu.memory_space<semaphore_mem>> -> memref<1x!tpu.dma_semaphore, #tpu.memory_space<semaphore_mem>>
        %dma_start3A_1075 = tpu.memref_squeeze %dma_start3A_1074 : memref<1x!tpu.dma_semaphore, #tpu.memory_space<semaphore_mem>> -> memref<!tpu.dma_semaphore, #tpu.memory_space<semaphore_mem>>
        tpu.enqueue_indirect_dma source(%dma_start3A_1073 : memref<10000x128xf32, #tpu.memory_space<hbm>>) target(%dma_start3A_1069 : memref<80x128xf32, #tpu.memory_space<vmem>>) offsets(%dma_start3A_1070 : memref<80xi32, #tpu.memory_space<vmem>>) semaphore(%dma_start3A_1075 : memref<!tpu.dma_semaphore, #tpu.memory_space<semaphore_mem>>)
      } else {
      }
      %jit3A_789 = arith.constant 4 : i32
      %eq3A_790 = arith.constant 0 : i32
      %eq3A_791 = arith.cmpi eq, %jit3A_789, %eq3A_790 : i32
      %jit3A_792 = arith.constant 1 : i32
      %select_n3A_793 = arith.select %eq3A_791, %jit3A_792, %jit3A_789 : i32
      %rem3A_794 = arith.remsi %add3A_706, %select_n3A_793 : i32
      %ne3A_795 = arith.constant 0 : i32
      %ne3A_796 = arith.cmpi ne, %rem3A_794, %ne3A_795 : i32
      %lt3A_797 = arith.constant 0 : i32
      %lt3A_798 = arith.cmpi slt, %rem3A_794, %lt3A_797 : i32
      %lt3A_799 = arith.constant 0 : i32
      %lt3A_800 = arith.cmpi slt, %select_n3A_793, %lt3A_799 : i32
      %ne3A_801 = arith.xori %lt3A_798, %lt3A_800 : i1
      %and3A_802 = arith.andi %ne3A_801, %ne3A_796 : i1
      %add3A_803 = arith.addi %rem3A_794, %select_n3A_793 : i32
      %select_n3A_804 = arith.select %and3A_802, %add3A_803, %rem3A_794 : i32
      %dma_wait3A_805 = arith.constant 0 : i32
      %dma_wait3A_806 = arith.constant 0 : i32
      %dma_wait3A_807 = tpu.memref_slice %arg13[%select_n3A_804, %dma_wait3A_805, %dma_wait3A_806] : memref<4x80x128xf32, #tpu.memory_space<vmem>> -> memref<1x80x128xf32, #tpu.memory_space<vmem>>
      %dma_wait3A_808 = tpu.memref_squeeze %dma_wait3A_807 : memref<1x80x128xf32, #tpu.memory_space<vmem>> -> memref<80x128xf32, #tpu.memory_space<vmem>>
      %dma_wait3A_809 = arith.constant 0 : i32
      %dma_wait3A_810 = tpu.memref_slice %arg14[%dma_wait3A_809] : memref<800xi32, #tpu.memory_space<vmem>> -> memref<80xi32, #tpu.memory_space<vmem>>
      %dma_wait3A_811 = arith.constant 0 : i32
      %dma_wait3A_812 = arith.constant 0 : i32
      %dma_wait3A_813 = tpu.memref_slice %arg2[%dma_wait3A_811, %dma_wait3A_812] : memref<10000x128xf32, #tpu.memory_space<hbm>> -> memref<10000x128xf32, #tpu.memory_space<hbm>>
      %dma_wait3A_814 = tpu.memref_slice %arg11[%select_n3A_804] : memref<4x!tpu.dma_semaphore, #tpu.memory_space<semaphore_mem>> -> memref<1x!tpu.dma_semaphore, #tpu.memory_space<semaphore_mem>>
      %dma_wait3A_815 = tpu.memref_squeeze %dma_wait3A_814 : memref<1x!tpu.dma_semaphore, #tpu.memory_space<semaphore_mem>> -> memref<!tpu.dma_semaphore, #tpu.memory_space<semaphore_mem>>
      tpu.wait_indirect_dma semaphore(%dma_wait3A_815 : memref<!tpu.dma_semaphore, #tpu.memory_space<semaphore_mem>>) src(%dma_wait3A_813 : memref<10000x128xf32, #tpu.memory_space<hbm>>) dst(%dma_wait3A_808 : memref<80x128xf32, #tpu.memory_space<vmem>>)
      %jit3A_816 = arith.constant 4 : i32
      %eq3A_817 = arith.constant 0 : i32
      %eq3A_818 = arith.cmpi eq, %jit3A_816, %eq3A_817 : i32
      %jit3A_819 = arith.constant 1 : i32
      %select_n3A_820 = arith.select %eq3A_818, %jit3A_819, %jit3A_816 : i32
      %rem3A_821 = arith.remsi %add3A_706, %select_n3A_820 : i32
      %ne3A_822 = arith.constant 0 : i32
      %ne3A_823 = arith.cmpi ne, %rem3A_821, %ne3A_822 : i32
      %lt3A_824 = arith.constant 0 : i32
      %lt3A_825 = arith.cmpi slt, %rem3A_821, %lt3A_824 : i32
      %lt3A_826 = arith.constant 0 : i32
      %lt3A_827 = arith.cmpi slt, %select_n3A_820, %lt3A_826 : i32
      %ne3A_828 = arith.xori %lt3A_825, %lt3A_827 : i1
      %and3A_829 = arith.andi %ne3A_828, %ne3A_823 : i1
      %add3A_830 = arith.addi %rem3A_821, %select_n3A_820 : i32
      %select_n3A_831 = arith.select %and3A_829, %add3A_830, %rem3A_821 : i32
      %jit3A_832 = arith.constant 5 : i32
      %div3A_833 = arith.divsi %add3A_706, %jit3A_832 : i32
      %sign3A_834 = arith.constant 0 : i32
      %sign3A_835 = arith.cmpi sgt, %add3A_706, %sign3A_834 : i32
      %sign3A_836 = arith.extui %sign3A_835 : i1 to i32
      %sign3A_837 = arith.constant 0 : i32
      %sign3A_838 = arith.cmpi slt, %add3A_706, %sign3A_837 : i32
      %sign3A_839 = arith.extui %sign3A_838 : i1 to i32
      %sign3A_840 = arith.subi %sign3A_836, %sign3A_839 : i32
      %sign3A_841 = arith.constant 0 : i32
      %sign3A_842 = arith.cmpi sgt, %jit3A_832, %sign3A_841 : i32
      %sign3A_843 = arith.extui %sign3A_842 : i1 to i32
      %sign3A_844 = arith.constant 0 : i32
      %sign3A_845 = arith.cmpi slt, %jit3A_832, %sign3A_844 : i32
      %sign3A_846 = arith.extui %sign3A_845 : i1 to i32
      %sign3A_847 = arith.subi %sign3A_843, %sign3A_846 : i32
      %ne3A_848 = arith.cmpi ne, %sign3A_840, %sign3A_847 : i32
      %rem3A_849 = arith.remsi %add3A_706, %jit3A_832 : i32
      %ne3A_850 = arith.constant 0 : i32
      %ne3A_851 = arith.cmpi ne, %rem3A_849, %ne3A_850 : i32
      %and3A_852 = arith.andi %ne3A_848, %ne3A_851 : i1
      %sub3A_853 = arith.constant 1 : i32
      %sub3A_854 = arith.subi %div3A_833, %sub3A_853 : i32
      %select_n3A_855 = arith.select %and3A_852, %sub3A_854, %div3A_833 : i32
      %jit3A_856 = arith.constant 2 : i32
      %eq3A_857 = arith.constant 0 : i32
      %eq3A_858 = arith.cmpi eq, %jit3A_856, %eq3A_857 : i32
      %jit3A_859 = arith.constant 1 : i32
      %select_n3A_860 = arith.select %eq3A_858, %jit3A_859, %jit3A_856 : i32
      %rem3A_861 = arith.remsi %select_n3A_855, %select_n3A_860 : i32
      %ne3A_862 = arith.constant 0 : i32
      %ne3A_863 = arith.cmpi ne, %rem3A_861, %ne3A_862 : i32
      %lt3A_864 = arith.constant 0 : i32
      %lt3A_865 = arith.cmpi slt, %rem3A_861, %lt3A_864 : i32
      %lt3A_866 = arith.constant 0 : i32
      %lt3A_867 = arith.cmpi slt, %select_n3A_860, %lt3A_866 : i32
      %ne3A_868 = arith.xori %lt3A_865, %lt3A_867 : i1
      %and3A_869 = arith.andi %ne3A_868, %ne3A_863 : i1
      %add3A_870 = arith.addi %rem3A_861, %select_n3A_860 : i32
      %select_n3A_871 = arith.select %and3A_869, %add3A_870, %rem3A_861 : i32
      %jit3A_872 = arith.constant 5 : i32
      %eq3A_873 = arith.constant 0 : i32
      %eq3A_874 = arith.cmpi eq, %jit3A_872, %eq3A_873 : i32
      %jit3A_875 = arith.constant 1 : i32
      %select_n3A_876 = arith.select %eq3A_874, %jit3A_875, %jit3A_872 : i32
      %rem3A_877 = arith.remsi %add3A_706, %select_n3A_876 : i32
      %ne3A_878 = arith.constant 0 : i32
      %ne3A_879 = arith.cmpi ne, %rem3A_877, %ne3A_878 : i32
      %lt3A_880 = arith.constant 0 : i32
      %lt3A_881 = arith.cmpi slt, %rem3A_877, %lt3A_880 : i32
      %lt3A_882 = arith.constant 0 : i32
      %lt3A_883 = arith.cmpi slt, %select_n3A_876, %lt3A_882 : i32
      %ne3A_884 = arith.xori %lt3A_881, %lt3A_883 : i1
      %and3A_885 = arith.andi %ne3A_884, %ne3A_879 : i1
      %add3A_886 = arith.addi %rem3A_877, %select_n3A_876 : i32
      %select_n3A_887 = arith.select %and3A_885, %add3A_886, %rem3A_877 : i32
      %mul3A_888 = arith.constant 400 : i32
      %mul3A_889 = arith.muli %select_n3A_871, %mul3A_888 : i32
      %mul3A_890 = arith.constant 80 : i32
      %mul3A_891 = arith.muli %select_n3A_887, %mul3A_890 : i32
      %add3A_892 = arith.addi %mul3A_889, %mul3A_891 : i32
      %dma_start3A_893 = arith.constant 0 : i32
      %dma_start3A_894 = arith.constant 0 : i32
      %dma_start3A_895 = tpu.memref_slice %arg13[%select_n3A_831, %dma_start3A_893, %dma_start3A_894] : memref<4x80x128xf32, #tpu.memory_space<vmem>> -> memref<1x80x128xf32, #tpu.memory_space<vmem>>
      %dma_start3A_896 = tpu.memref_squeeze %dma_start3A_895 : memref<1x80x128xf32, #tpu.memory_space<vmem>> -> memref<80x128xf32, #tpu.memory_space<vmem>>
      %dma_start3A_897 = tpu.memref_slice %arg8[%add3A_892] : memref<800xi32, #tpu.memory_space<vmem>> -> memref<80xi32, #tpu.memory_space<vmem>>
      %dma_start3A_898 = arith.constant 0 : i32
      %dma_start3A_899 = arith.constant 0 : i32
      %dma_start3A_900 = tpu.memref_slice %arg6[%dma_start3A_898, %dma_start3A_899] : memref<10240x128xf32, #tpu.memory_space<vmem_shared>> -> memref<10240x128xf32, #tpu.memory_space<vmem_shared>>
      %dma_start3A_901 = tpu.memref_slice %arg15[%select_n3A_831] : memref<4x!tpu.dma_semaphore, #tpu.memory_space<semaphore_mem>> -> memref<1x!tpu.dma_semaphore, #tpu.memory_space<semaphore_mem>>
      %dma_start3A_902 = tpu.memref_squeeze %dma_start3A_901 : memref<1x!tpu.dma_semaphore, #tpu.memory_space<semaphore_mem>> -> memref<!tpu.dma_semaphore, #tpu.memory_space<semaphore_mem>>
      tpu.enqueue_indirect_dma source(%dma_start3A_896 : memref<80x128xf32, #tpu.memory_space<vmem>>) target(%dma_start3A_900 : memref<10240x128xf32, #tpu.memory_space<vmem_shared>>) offsets(%dma_start3A_897 : memref<80xi32, #tpu.memory_space<vmem>>) semaphore(%dma_start3A_902 : memref<!tpu.dma_semaphore, #tpu.memory_space<semaphore_mem>>) {add = true}
      %jit3A_903 = arith.constant 5 : i32
      %div3A_904 = arith.divsi %add3A_706, %jit3A_903 : i32
      %sign3A_905 = arith.constant 0 : i32
      %sign3A_906 = arith.cmpi sgt, %add3A_706, %sign3A_905 : i32
      %sign3A_907 = arith.extui %sign3A_906 : i1 to i32
      %sign3A_908 = arith.constant 0 : i32
      %sign3A_909 = arith.cmpi slt, %add3A_706, %sign3A_908 : i32
      %sign3A_910 = arith.extui %sign3A_909 : i1 to i32
      %sign3A_911 = arith.subi %sign3A_907, %sign3A_910 : i32
      %sign3A_912 = arith.constant 0 : i32
      %sign3A_913 = arith.cmpi sgt, %jit3A_903, %sign3A_912 : i32
      %sign3A_914 = arith.extui %sign3A_913 : i1 to i32
      %sign3A_915 = arith.constant 0 : i32
      %sign3A_916 = arith.cmpi slt, %jit3A_903, %sign3A_915 : i32
      %sign3A_917 = arith.extui %sign3A_916 : i1 to i32
      %sign3A_918 = arith.subi %sign3A_914, %sign3A_917 : i32
      %ne3A_919 = arith.cmpi ne, %sign3A_911, %sign3A_918 : i32
      %rem3A_920 = arith.remsi %add3A_706, %jit3A_903 : i32
      %ne3A_921 = arith.constant 0 : i32
      %ne3A_922 = arith.cmpi ne, %rem3A_920, %ne3A_921 : i32
      %and3A_923 = arith.andi %ne3A_919, %ne3A_922 : i1
      %sub3A_924 = arith.constant 1 : i32
      %sub3A_925 = arith.subi %div3A_904, %sub3A_924 : i32
      %select_n3A_926 = arith.select %and3A_923, %sub3A_925, %div3A_904 : i32
      %jit3A_927 = arith.constant 2 : i32
      %eq3A_928 = arith.constant 0 : i32
      %eq3A_929 = arith.cmpi eq, %jit3A_927, %eq3A_928 : i32
      %jit3A_930 = arith.constant 1 : i32
      %select_n3A_931 = arith.select %eq3A_929, %jit3A_930, %jit3A_927 : i32
      %rem3A_932 = arith.remsi %select_n3A_926, %select_n3A_931 : i32
      %ne3A_933 = arith.constant 0 : i32
      %ne3A_934 = arith.cmpi ne, %rem3A_932, %ne3A_933 : i32
      %lt3A_935 = arith.constant 0 : i32
      %lt3A_936 = arith.cmpi slt, %rem3A_932, %lt3A_935 : i32
      %lt3A_937 = arith.constant 0 : i32
      %lt3A_938 = arith.cmpi slt, %select_n3A_931, %lt3A_937 : i32
      %ne3A_939 = arith.xori %lt3A_936, %lt3A_938 : i1
      %and3A_940 = arith.andi %ne3A_939, %ne3A_934 : i1
      %add3A_941 = arith.addi %rem3A_932, %select_n3A_931 : i32
      %select_n3A_942 = arith.select %and3A_940, %add3A_941, %rem3A_932 : i32
      %jit3A_943 = arith.constant 5 : i32
      %eq3A_944 = arith.constant 0 : i32
      %eq3A_945 = arith.cmpi eq, %jit3A_943, %eq3A_944 : i32
      %jit3A_946 = arith.constant 1 : i32
      %select_n3A_947 = arith.select %eq3A_945, %jit3A_946, %jit3A_943 : i32
      %rem3A_948 = arith.remsi %add3A_706, %select_n3A_947 : i32
      %ne3A_949 = arith.constant 0 : i32
      %ne3A_950 = arith.cmpi ne, %rem3A_948, %ne3A_949 : i32
      %lt3A_951 = arith.constant 0 : i32
      %lt3A_952 = arith.cmpi slt, %rem3A_948, %lt3A_951 : i32
      %lt3A_953 = arith.constant 0 : i32
      %lt3A_954 = arith.cmpi slt, %select_n3A_947, %lt3A_953 : i32
      %ne3A_955 = arith.xori %lt3A_952, %lt3A_954 : i1
      %and3A_956 = arith.andi %ne3A_955, %ne3A_950 : i1
      %add3A_957 = arith.addi %rem3A_948, %select_n3A_947 : i32
      %select_n3A_958 = arith.select %and3A_956, %add3A_957, %rem3A_948 : i32
      %mul3A_959 = arith.constant 400 : i32
      %mul3A_960 = arith.muli %select_n3A_942, %mul3A_959 : i32
      %mul3A_961 = arith.constant 80 : i32
      %mul3A_962 = arith.muli %select_n3A_958, %mul3A_961 : i32
      %add3A_963 = arith.addi %mul3A_960, %mul3A_962 : i32
      %jit3A_964 = arith.constant 2 : i32
      %eq3A_965 = arith.constant 0 : i32
      %eq3A_966 = arith.cmpi eq, %jit3A_964, %eq3A_965 : i32
      %jit3A_967 = arith.constant 1 : i32
      %select_n3A_968 = arith.select %eq3A_966, %jit3A_967, %jit3A_964 : i32
      %rem3A_969 = arith.remsi %add3A_706, %select_n3A_968 : i32
      %ne3A_970 = arith.constant 0 : i32
      %ne3A_971 = arith.cmpi ne, %rem3A_969, %ne3A_970 : i32
      %lt3A_972 = arith.constant 0 : i32
      %lt3A_973 = arith.cmpi slt, %rem3A_969, %lt3A_972 : i32
      %lt3A_974 = arith.constant 0 : i32
      %lt3A_975 = arith.cmpi slt, %select_n3A_968, %lt3A_974 : i32
      %ne3A_976 = arith.xori %lt3A_973, %lt3A_975 : i1
      %and3A_977 = arith.andi %ne3A_976, %ne3A_971 : i1
      %add3A_978 = arith.addi %rem3A_969, %select_n3A_968 : i32
      %select_n3A_979 = arith.select %and3A_977, %add3A_978, %rem3A_969 : i32
      %dma_start3A_980 = arith.constant 0 : i32
      %dma_start3A_981 = tpu.memref_slice %arg10[%dma_start3A_980] : memref<112xf32, #tpu.memory_space<vmem>> -> memref<80xf32, #tpu.memory_space<vmem>>
      %dma_start3A_982 = tpu.memref_slice %arg8[%add3A_963] : memref<800xi32, #tpu.memory_space<vmem>> -> memref<80xi32, #tpu.memory_space<vmem>>
      %dma_start3A_983 = arith.constant 0 : i32
      %dma_start3A_984 = tpu.memref_slice %arg7[%dma_start3A_983] : memref<10240xf32, #tpu.memory_space<vmem_shared>> -> memref<10240xf32, #tpu.memory_space<vmem_shared>>
      %dma_start3A_985 = tpu.memref_slice %arg9[%select_n3A_979] : memref<2x!tpu.dma_semaphore, #tpu.memory_space<semaphore_mem>> -> memref<1x!tpu.dma_semaphore, #tpu.memory_space<semaphore_mem>>
      %dma_start3A_986 = tpu.memref_squeeze %dma_start3A_985 : memref<1x!tpu.dma_semaphore, #tpu.memory_space<semaphore_mem>> -> memref<!tpu.dma_semaphore, #tpu.memory_space<semaphore_mem>>
      tpu.enqueue_indirect_dma source(%dma_start3A_981 : memref<80xf32, #tpu.memory_space<vmem>>) target(%dma_start3A_984 : memref<10240xf32, #tpu.memory_space<vmem_shared>>) offsets(%dma_start3A_982 : memref<80xi32, #tpu.memory_space<vmem>>) semaphore(%dma_start3A_986 : memref<!tpu.dma_semaphore, #tpu.memory_space<semaphore_mem>>) {add = true}
    }
    %scan3A_670 = arith.constant 125 : i32
    %dma_wait3A_671 = arith.constant 0 : i32
    %dma_wait3A_672 = arith.constant 0 : i32
    %dma_wait3A_673 = arith.constant 0 : i32
    %dma_wait3A_674 = arith.constant 0 : i32
    %dma_wait3A_675 = tpu.memref_slice %arg13[%dma_wait3A_671, %dma_wait3A_673, %dma_wait3A_674] : memref<4x80x128xf32, #tpu.memory_space<vmem>> -> memref<1x80x128xf32, #tpu.memory_space<vmem>>
    %dma_wait3A_676 = tpu.memref_squeeze %dma_wait3A_675 : memref<1x80x128xf32, #tpu.memory_space<vmem>> -> memref<80x128xf32, #tpu.memory_space<vmem>>
    %dma_wait3A_677 = arith.constant 0 : i32
    %dma_wait3A_678 = tpu.memref_slice %arg8[%dma_wait3A_677] : memref<800xi32, #tpu.memory_space<vmem>> -> memref<80xi32, #tpu.memory_space<vmem>>
    %dma_wait3A_679 = arith.constant 0 : i32
    %dma_wait3A_680 = arith.constant 0 : i32
    %dma_wait3A_681 = tpu.memref_slice %arg6[%dma_wait3A_679, %dma_wait3A_680] : memref<10240x128xf32, #tpu.memory_space<vmem_shared>> -> memref<10240x128xf32, #tpu.memory_space<vmem_shared>>
    %dma_wait3A_682 = tpu.memref_slice %arg15[%dma_wait3A_672] : memref<4x!tpu.dma_semaphore, #tpu.memory_space<semaphore_mem>> -> memref<1x!tpu.dma_semaphore, #tpu.memory_space<semaphore_mem>>
    %dma_wait3A_683 = tpu.memref_squeeze %dma_wait3A_682 : memref<1x!tpu.dma_semaphore, #tpu.memory_space<semaphore_mem>> -> memref<!tpu.dma_semaphore, #tpu.memory_space<semaphore_mem>>
    tpu.wait_indirect_dma semaphore(%dma_wait3A_683 : memref<!tpu.dma_semaphore, #tpu.memory_space<semaphore_mem>>) src(%dma_wait3A_676 : memref<80x128xf32, #tpu.memory_space<vmem>>) dst(%dma_wait3A_681 : memref<10240x128xf32, #tpu.memory_space<vmem_shared>>)
    %dma_wait3A_684 = arith.constant 0 : i32
    %dma_wait3A_685 = arith.constant 0 : i32
    %dma_wait3A_686 = tpu.memref_slice %arg10[%dma_wait3A_685] : memref<112xf32, #tpu.memory_space<vmem>> -> memref<80xf32, #tpu.memory_space<vmem>>
    %dma_wait3A_687 = arith.constant 0 : i32
    %dma_wait3A_688 = tpu.memref_slice %arg8[%dma_wait3A_687] : memref<800xi32, #tpu.memory_space<vmem>> -> memref<80xi32, #tpu.memory_space<vmem>>
    %dma_wait3A_689 = arith.constant 0 : i32
    %dma_wait3A_690 = tpu.memref_slice %arg7[%dma_wait3A_689] : memref<10240xf32, #tpu.memory_space<vmem_shared>> -> memref<10240xf32, #tpu.memory_space<vmem_shared>>
    %dma_wait3A_691 = tpu.memref_slice %arg9[%dma_wait3A_684] : memref<2x!tpu.dma_semaphore, #tpu.memory_space<semaphore_mem>> -> memref<1x!tpu.dma_semaphore, #tpu.memory_space<semaphore_mem>>
    %dma_wait3A_692 = tpu.memref_squeeze %dma_wait3A_691 : memref<1x!tpu.dma_semaphore, #tpu.memory_space<semaphore_mem>> -> memref<!tpu.dma_semaphore, #tpu.memory_space<semaphore_mem>>
    tpu.wait_indirect_dma semaphore(%dma_wait3A_692 : memref<!tpu.dma_semaphore, #tpu.memory_space<semaphore_mem>>) src(%dma_wait3A_686 : memref<80xf32, #tpu.memory_space<vmem>>) dst(%dma_wait3A_690 : memref<10240xf32, #tpu.memory_space<vmem_shared>>)
    %barrier3A_693 = arith.constant 0 : index
    tpu.barrier barrier_id(%barrier3A_693)
    %mul3A_694 = arith.constant 640 : i32
    %mul3A_695 = arith.muli %arg1, %mul3A_694 : i32
    %mul3A_696 = arith.constant 640 : i32
    %mul3A_697 = arith.muli %arg1, %mul3A_696 : i32
    "tpu.region"() ({
      %run_scoped3A_702 = tpu.sem_alloc : memref<!tpu.dma_semaphore, #tpu.memory_space<semaphore_mem>>
      %dma_start3A_703 = arith.constant 0 : i32
      %dma_start3A_704 = tpu.memref_slice %arg4[%arg0, %mul3A_697, %dma_start3A_703] : memref<2x10240x128xf32, #tpu.memory_space<hbm>> -> memref<1x640x128xf32, #tpu.memory_space<hbm>>
      %dma_start3A_705 = tpu.memref_squeeze %dma_start3A_704 : memref<1x640x128xf32, #tpu.memory_space<hbm>> -> memref<640x128xf32, #tpu.memory_space<hbm>>
      %dma_start3A_706 = arith.constant 0 : i32
      %dma_start3A_707 = tpu.memref_slice %arg6[%mul3A_695, %dma_start3A_706] : memref<10240x128xf32, #tpu.memory_space<vmem_shared>> -> memref<640x128xf32, #tpu.memory_space<vmem_shared>>
      tpu.enqueue_dma source(%dma_start3A_707 : memref<640x128xf32, #tpu.memory_space<vmem_shared>>) target(%dma_start3A_705 : memref<640x128xf32, #tpu.memory_space<hbm>>) target_semaphore(%run_scoped3A_702 : memref<!tpu.dma_semaphore, #tpu.memory_space<semaphore_mem>>)
      %dma_wait3A_708 = arith.constant 0 : i32
      %dma_wait3A_709 = tpu.memref_slice %arg4[%arg0, %mul3A_697, %dma_wait3A_708] : memref<2x10240x128xf32, #tpu.memory_space<hbm>> -> memref<1x640x128xf32, #tpu.memory_space<hbm>>
      %dma_wait3A_710 = tpu.memref_squeeze %dma_wait3A_709 : memref<1x640x128xf32, #tpu.memory_space<hbm>> -> memref<640x128xf32, #tpu.memory_space<hbm>>
      %dma_wait3A_711 = arith.constant 0 : i32
      %dma_wait3A_712 = tpu.memref_slice %arg6[%mul3A_695, %dma_wait3A_711] : memref<10240x128xf32, #tpu.memory_space<vmem_shared>> -> memref<640x128xf32, #tpu.memory_space<vmem_shared>>
      tpu.wait_dma2 semaphore(%run_scoped3A_702 : memref<!tpu.dma_semaphore, #tpu.memory_space<semaphore_mem>>) src(%dma_wait3A_712 : memref<640x128xf32, #tpu.memory_space<vmem_shared>>) dst(%dma_wait3A_710 : memref<640x128xf32, #tpu.memory_space<hbm>>)
      tpu.yield
    }) : () -> ()
    %mul3A_698 = arith.constant 640 : i32
    %mul3A_699 = arith.muli %arg1, %mul3A_698 : i32
    %mul3A_700 = arith.constant 640 : i32
    %mul3A_701 = arith.muli %arg1, %mul3A_700 : i32
    %run_scoped3A = arith.constant 0 : i32
    "tpu.region"() ({
      %run_scoped3A_702 = tpu.sem_alloc : memref<!tpu.dma_semaphore, #tpu.memory_space<semaphore_mem>>
      %dma_start3A_703 = tpu.memref_slice %arg5[%arg0, %run_scoped3A, %mul3A_701] : memref<2x1x10240xf32, #tpu.memory_space<hbm>> -> memref<1x1x640xf32, #tpu.memory_space<hbm>>
      %dma_start3A_704 = tpu.memref_squeeze %dma_start3A_703 : memref<1x1x640xf32, #tpu.memory_space<hbm>> -> memref<640xf32, #tpu.memory_space<hbm>>
      %dma_start3A_705 = tpu.memref_slice %arg7[%mul3A_699] : memref<10240xf32, #tpu.memory_space<vmem_shared>> -> memref<640xf32, #tpu.memory_space<vmem_shared>>
      tpu.enqueue_dma source(%dma_start3A_705 : memref<640xf32, #tpu.memory_space<vmem_shared>>) target(%dma_start3A_704 : memref<640xf32, #tpu.memory_space<hbm>>) target_semaphore(%run_scoped3A_702 : memref<!tpu.dma_semaphore, #tpu.memory_space<semaphore_mem>>)
      %dma_wait3A_706 = tpu.memref_slice %arg5[%arg0, %run_scoped3A, %mul3A_701] : memref<2x1x10240xf32, #tpu.memory_space<hbm>> -> memref<1x1x640xf32, #tpu.memory_space<hbm>>
      %dma_wait3A_707 = tpu.memref_squeeze %dma_wait3A_706 : memref<1x1x640xf32, #tpu.memory_space<hbm>> -> memref<640xf32, #tpu.memory_space<hbm>>
      %dma_wait3A_708 = tpu.memref_slice %arg7[%mul3A_699] : memref<10240xf32, #tpu.memory_space<vmem_shared>> -> memref<640xf32, #tpu.memory_space<vmem_shared>>
      tpu.wait_dma2 semaphore(%run_scoped3A_702 : memref<!tpu.dma_semaphore, #tpu.memory_space<semaphore_mem>>) src(%dma_wait3A_708 : memref<640xf32, #tpu.memory_space<vmem_shared>>) dst(%dma_wait3A_707 : memref<640xf32, #tpu.memory_space<hbm>>)
      tpu.yield
    }) : () -> ()
    return
  }
}

module attributes {stable_mosaic.version = 14 : i64} {
  func.func @_tc_body(%arg0: i32, %arg1: memref<2x2048x128xf32, #tpu.memory_space<vmem>>, %arg2: memref<2x1x2048xf32, #tpu.memory_space<vmem>>, %arg3: memref<2048x128xf32, #tpu.memory_space<vmem>>, %arg4: memref<128x128xf32, #tpu.memory_space<vmem>>, %arg5: memref<128xf32, #tpu.memory_space<vmem>>, %arg6: memref<2048x128xf32, #tpu.memory_space<vmem>>) attributes {dimension_semantics = [#tpu.dimension_semantics<arbitrary>], iteration_bounds = array<i64: 5>, scalar_prefetch = 0 : i64, scratch_operands = 0 : i64, tpu.core_type = #tpu.core_type<tc>, window_params = [{transform_indices = @transform_0, window_bounds = array<i64: 2, 2048, 128>}, {transform_indices = @transform_1, window_bounds = array<i64: 2, 1, 2048>}, {transform_indices = @transform_2, window_bounds = array<i64: 2048, 128>}, {pipeline_mode = #tpu.pipeline_mode<synchronous>, transform_indices = @transform_3, window_bounds = array<i64: 128, 128>}, {pipeline_mode = #tpu.pipeline_mode<synchronous>, transform_indices = @transform_4, window_bounds = array<i64: 128>}, {transform_indices = @transform_5, window_bounds = array<i64: 2048, 128>}]} {
    %get3A = arith.constant 0 : index
    %get3A_0 = arith.constant 0 : index
    %get3A_1 = arith.constant 0 : index
    %get3A_2 = vector.load %arg1[%get3A, %get3A_0, %get3A_1] : memref<2x2048x128xf32, #tpu.memory_space<vmem>>, vector<1x2048x128xf32>
    %get3A_3 = vector.shape_cast %get3A_2 : vector<1x2048x128xf32> to vector<2048x128xf32>
    %get3A_4 = arith.constant 1 : index
    %get3A_5 = arith.constant 0 : index
    %get3A_6 = arith.constant 0 : index
    %get3A_7 = vector.load %arg1[%get3A_4, %get3A_5, %get3A_6] : memref<2x2048x128xf32, #tpu.memory_space<vmem>>, vector<1x2048x128xf32>
    %get3A_8 = vector.shape_cast %get3A_7 : vector<1x2048x128xf32> to vector<2048x128xf32>
    %add3A = arith.addf %get3A_3, %get3A_8 : vector<2048x128xf32>
    %get3A_9 = arith.constant 0 : index
    %get3A_10 = arith.constant 0 : index
    %get3A_11 = vector.load %arg3[%get3A_9, %get3A_10] : memref<2048x128xf32, #tpu.memory_space<vmem>>, vector<2048x128xf32>
    %add3A_12 = arith.addf %add3A, %get3A_11 : vector<2048x128xf32>
    %get3A_13 = arith.constant 0 : index
    %get3A_14 = arith.constant 0 : index
    %get3A_15 = arith.constant 0 : index
    %get3A_16 = vector.load %arg2[%get3A_13, %get3A_14, %get3A_15] : memref<2x1x2048xf32, #tpu.memory_space<vmem>>, vector<1x1x2048xf32>
    %get3A_17 = vector.shape_cast %get3A_16 : vector<1x1x2048xf32> to vector<2048xf32>
    %get3A_18 = arith.constant 1 : index
    %get3A_19 = arith.constant 0 : index
    %get3A_20 = arith.constant 0 : index
    %get3A_21 = vector.load %arg2[%get3A_18, %get3A_19, %get3A_20] : memref<2x1x2048xf32, #tpu.memory_space<vmem>>, vector<1x1x2048xf32>
    %get3A_22 = vector.shape_cast %get3A_21 : vector<1x1x2048xf32> to vector<2048xf32>
    %add3A_23 = arith.addf %get3A_17, %get3A_22 : vector<2048xf32>
    %add3A_24 = arith.constant 1.000000e+00 : f32
    %add3A_25 = vector.broadcast %add3A_24 : f32 to vector<2048xf32>
    %add3A_26 = arith.addf %add3A_23, %add3A_25 : vector<2048xf32>
    %div3A = arith.constant 1.000000e+00 : f32
    %div3A_27 = vector.broadcast %div3A : f32 to vector<2048xf32>
    %div3A_28 = arith.divf %div3A_27, %add3A_26 : vector<2048xf32>
    %broadcast_in_dim3A = vector.shape_cast %div3A_28 : vector<2048xf32> to vector<2048x1xf32>
    %mul3A = vector.broadcast %broadcast_in_dim3A : vector<2048x1xf32> to vector<2048x128xf32>
    %mul3A_29 = arith.mulf %add3A_12, %mul3A : vector<2048x128xf32>
    %get3A_30 = arith.constant 0 : index
    %get3A_31 = arith.constant 0 : index
    %get3A_32 = vector.load %arg4[%get3A_30, %get3A_31] : memref<128x128xf32, #tpu.memory_space<vmem>>, vector<128x128xf32>
    %dot_general3A = arith.constant dense<0.000000e+00> : vector<2048x128xf32>
    %dot_general3A_33 = tpu.matmul %mul3A_29, %get3A_32, %dot_general3A {dimension_numbers = #tpu.dot_dimension_numbers<[1], [0], [0], [1], [0, 0, 1, 1], [], []>, transpose_lhs_hint = false} : vector<2048x128xf32>, vector<128x128xf32>, vector<2048x128xf32> -> vector<2048x128xf32>
    %get3A_34 = arith.constant 0 : index
    %get3A_35 = vector.load %arg5[%get3A_34] : memref<128xf32, #tpu.memory_space<vmem>>, vector<128xf32>
    %broadcast_in_dim3A_36 = vector.shape_cast %get3A_35 : vector<128xf32> to vector<1x128xf32>
    %add3A_37 = vector.broadcast %broadcast_in_dim3A_36 : vector<1x128xf32> to vector<2048x128xf32>
    %add3A_38 = arith.addf %dot_general3A_33, %add3A_37 : vector<2048x128xf32>
    %gt3A = arith.constant 0.000000e+00 : f32
    %gt3A_39 = vector.broadcast %gt3A : f32 to vector<2048x128xf32>
    %gt3A_40 = arith.cmpf ogt, %add3A_38, %gt3A_39 : vector<2048x128xf32>
    %min3A = arith.constant 0.000000e+00 : f32
    %min3A_41 = vector.broadcast %min3A : f32 to vector<2048x128xf32>
    %min3A_42 = arith.minimumf %add3A_38, %min3A_41 : vector<2048x128xf32>
    %exp3A = math.exp %min3A_42 : vector<2048x128xf32>
    %sub3A = arith.constant 1.000000e+00 : f32
    %sub3A_43 = vector.broadcast %sub3A : f32 to vector<2048x128xf32>
    %sub3A_44 = arith.subf %exp3A, %sub3A_43 : vector<2048x128xf32>
    %select_n3A = arith.select %gt3A_40, %add3A_38, %sub3A_44 : vector<2048x128xi1>, vector<2048x128xf32>
    %swap3A = arith.constant 0 : index
    %swap3A_45 = arith.constant 0 : index
    %swap3A_46 = vector.load %arg6[%swap3A, %swap3A_45] : memref<2048x128xf32, #tpu.memory_space<vmem>>, vector<2048x128xf32>
    tpu.vector_store %arg6[%swap3A, %swap3A_45], %select_n3A {strides = array<i32>} : memref<2048x128xf32, #tpu.memory_space<vmem>>, vector<2048x128xf32>,
    return
  }
  func.func @transform_0(%arg0: i32) -> (i32, i32, i32) {
    %c0_i32 = arith.constant 0 : i32
    %c0_i32_0 = arith.constant 0 : i32
    %c0_i32_1 = arith.constant 0 : i32
    return %c0_i32, %arg0, %c0_i32_0 : i32, i32, i32
  }
  func.func @transform_1(%arg0: i32) -> (i32, i32, i32) {
    %c0_i32 = arith.constant 0 : i32
    %c0_i32_0 = arith.constant 0 : i32
    %c0_i32_1 = arith.constant 0 : i32
    return %c0_i32, %c0_i32_0, %arg0 : i32, i32, i32
  }
  func.func @transform_2(%arg0: i32) -> (i32, i32) {
    %c0_i32 = arith.constant 0 : i32
    %c0_i32_0 = arith.constant 0 : i32
    return %arg0, %c0_i32 : i32, i32
  }
  func.func @transform_3(%arg0: i32) -> (i32, i32) {
    %c0_i32 = arith.constant 0 : i32
    %c0_i32_0 = arith.constant 0 : i32
    %c0_i32_1 = arith.constant 0 : i32
    return %c0_i32, %c0_i32_0 : i32, i32
  }
  func.func @transform_4(%arg0: i32) -> i32 {
    %c0_i32 = arith.constant 0 : i32
    %c0_i32_0 = arith.constant 0 : i32
    return %c0_i32 : i32
  }
  func.func @transform_5(%arg0: i32) -> (i32, i32) {
    %c0_i32 = arith.constant 0 : i32
    %c0_i32_0 = arith.constant 0 : i32
    return %arg0, %c0_i32 : i32, i32
  }
}

module attributes {stable_mosaic.version = 14 : i64} {
  func.func @_tc_body(%arg0: i32, %arg1: memref<2x2048x128xf32, #tpu.memory_space<vmem>>, %arg2: memref<2x1x2048xf32, #tpu.memory_space<vmem>>, %arg3: memref<2048x128xf32, #tpu.memory_space<vmem>>, %arg4: memref<128x128xf32, #tpu.memory_space<vmem>>, %arg5: memref<128xf32, #tpu.memory_space<vmem>>, %arg6: memref<2048x128xf32, #tpu.memory_space<vmem>>) attributes {dimension_semantics = [#tpu.dimension_semantics<arbitrary>], iteration_bounds = array<i64: 5>, scalar_prefetch = 0 : i64, scratch_operands = 0 : i64, tpu.core_type = #tpu.core_type<tc>, window_params = [{transform_indices = @transform_0, window_bounds = array<i64: 2, 2048, 128>}, {transform_indices = @transform_1, window_bounds = array<i64: 2, 1, 2048>}, {transform_indices = @transform_2, window_bounds = array<i64: 2048, 128>}, {pipeline_mode = #tpu.pipeline_mode<synchronous>, transform_indices = @transform_3, window_bounds = array<i64: 128, 128>}, {pipeline_mode = #tpu.pipeline_mode<synchronous>, transform_indices = @transform_4, window_bounds = array<i64: 128>}, {transform_indices = @transform_5, window_bounds = array<i64: 2048, 128>}]} {
    %get3A = arith.constant 0 : index
    %get3A_0 = arith.constant 0 : index
    %get3A_1 = arith.constant 0 : index
    %get3A_2 = vector.load %arg1[%get3A, %get3A_0, %get3A_1] : memref<2x2048x128xf32, #tpu.memory_space<vmem>>, vector<1x2048x128xf32>
    %get3A_3 = vector.shape_cast %get3A_2 : vector<1x2048x128xf32> to vector<2048x128xf32>
    %get3A_4 = arith.constant 1 : index
    %get3A_5 = arith.constant 0 : index
    %get3A_6 = arith.constant 0 : index
    %get3A_7 = vector.load %arg1[%get3A_4, %get3A_5, %get3A_6] : memref<2x2048x128xf32, #tpu.memory_space<vmem>>, vector<1x2048x128xf32>
    %get3A_8 = vector.shape_cast %get3A_7 : vector<1x2048x128xf32> to vector<2048x128xf32>
    %add3A = arith.addf %get3A_3, %get3A_8 : vector<2048x128xf32>
    %get3A_9 = arith.constant 0 : index
    %get3A_10 = arith.constant 0 : index
    %get3A_11 = vector.load %arg3[%get3A_9, %get3A_10] : memref<2048x128xf32, #tpu.memory_space<vmem>>, vector<2048x128xf32>
    %add3A_12 = arith.addf %add3A, %get3A_11 : vector<2048x128xf32>
    %get3A_13 = arith.constant 0 : index
    %get3A_14 = arith.constant 0 : index
    %get3A_15 = arith.constant 0 : index
    %get3A_16 = vector.load %arg2[%get3A_13, %get3A_14, %get3A_15] : memref<2x1x2048xf32, #tpu.memory_space<vmem>>, vector<1x1x2048xf32>
    %get3A_17 = vector.shape_cast %get3A_16 : vector<1x1x2048xf32> to vector<2048xf32>
    %get3A_18 = arith.constant 1 : index
    %get3A_19 = arith.constant 0 : index
    %get3A_20 = arith.constant 0 : index
    %get3A_21 = vector.load %arg2[%get3A_18, %get3A_19, %get3A_20] : memref<2x1x2048xf32, #tpu.memory_space<vmem>>, vector<1x1x2048xf32>
    %get3A_22 = vector.shape_cast %get3A_21 : vector<1x1x2048xf32> to vector<2048xf32>
    %add3A_23 = arith.addf %get3A_17, %get3A_22 : vector<2048xf32>
    %add3A_24 = arith.constant 1.000000e+00 : f32
    %add3A_25 = vector.broadcast %add3A_24 : f32 to vector<2048xf32>
    %add3A_26 = arith.addf %add3A_23, %add3A_25 : vector<2048xf32>
    %div3A = arith.constant 1.000000e+00 : f32
    %div3A_27 = vector.broadcast %div3A : f32 to vector<2048xf32>
    %div3A_28 = arith.divf %div3A_27, %add3A_26 : vector<2048xf32>
    %broadcast_in_dim3A = vector.shape_cast %div3A_28 : vector<2048xf32> to vector<2048x1xf32>
    %mul3A = vector.broadcast %broadcast_in_dim3A : vector<2048x1xf32> to vector<2048x128xf32>
    %mul3A_29 = arith.mulf %add3A_12, %mul3A : vector<2048x128xf32>
    %get3A_30 = arith.constant 0 : index
    %get3A_31 = arith.constant 0 : index
    %get3A_32 = vector.load %arg4[%get3A_30, %get3A_31] : memref<128x128xf32, #tpu.memory_space<vmem>>, vector<128x128xf32>
    %dot_general3A = arith.constant dense<0.000000e+00> : vector<2048x128xf32>
    %dot_general3A_33 = tpu.matmul %mul3A_29, %get3A_32, %dot_general3A {dimension_numbers = #tpu.dot_dimension_numbers<[1], [0], [0], [1], [0, 0, 1, 1], [], []>, transpose_lhs_hint = false} : vector<2048x128xf32>, vector<128x128xf32>, vector<2048x128xf32> -> vector<2048x128xf32>
    %get3A_34 = arith.constant 0 : index
    %get3A_35 = vector.load %arg5[%get3A_34] : memref<128xf32, #tpu.memory_space<vmem>>, vector<128xf32>
    %broadcast_in_dim3A_36 = vector.shape_cast %get3A_35 : vector<128xf32> to vector<1x128xf32>
    %add3A_37 = vector.broadcast %broadcast_in_dim3A_36 : vector<1x128xf32> to vector<2048x128xf32>
    %add3A_38 = arith.addf %dot_general3A_33, %add3A_37 : vector<2048x128xf32>
    %gt3A = arith.constant 0.000000e+00 : f32
    %gt3A_39 = vector.broadcast %gt3A : f32 to vector<2048x128xf32>
    %gt3A_40 = arith.cmpf ogt, %add3A_38, %gt3A_39 : vector<2048x128xf32>
    %min3A = arith.constant 0.000000e+00 : f32
    %min3A_41 = vector.broadcast %min3A : f32 to vector<2048x128xf32>
    %min3A_42 = arith.minimumf %add3A_38, %min3A_41 : vector<2048x128xf32>
    %exp3A = math.exp %min3A_42 : vector<2048x128xf32>
    %sub3A = arith.constant 1.000000e+00 : f32
    %sub3A_43 = vector.broadcast %sub3A : f32 to vector<2048x128xf32>
    %sub3A_44 = arith.subf %exp3A, %sub3A_43 : vector<2048x128xf32>
    %select_n3A = arith.select %gt3A_40, %add3A_38, %sub3A_44 : vector<2048x128xi1>, vector<2048x128xf32>
    %swap3A = arith.constant 0 : index
    %swap3A_45 = arith.constant 0 : index
    %swap3A_46 = vector.load %arg6[%swap3A, %swap3A_45] : memref<2048x128xf32, #tpu.memory_space<vmem>>, vector<2048x128xf32>
    tpu.vector_store %arg6[%swap3A, %swap3A_45], %select_n3A {strides = array<i32>} : memref<2048x128xf32, #tpu.memory_space<vmem>>, vector<2048x128xf32>,
    return
  }
  func.func @transform_0(%arg0: i32) -> (i32, i32, i32) {
    %c0_i32 = arith.constant 0 : i32
    %c0_i32_0 = arith.constant 0 : i32
    %c0_i32_1 = arith.constant 0 : i32
    return %c0_i32, %arg0, %c0_i32_0 : i32, i32, i32
  }
  func.func @transform_1(%arg0: i32) -> (i32, i32, i32) {
    %c0_i32 = arith.constant 0 : i32
    %c0_i32_0 = arith.constant 0 : i32
    %c0_i32_1 = arith.constant 0 : i32
    return %c0_i32, %c0_i32_0, %arg0 : i32, i32, i32
  }
  func.func @transform_2(%arg0: i32) -> (i32, i32) {
    %c0_i32 = arith.constant 0 : i32
    %c0_i32_0 = arith.constant 0 : i32
    return %arg0, %c0_i32 : i32, i32
  }
  func.func @transform_3(%arg0: i32) -> (i32, i32) {
    %c0_i32 = arith.constant 0 : i32
    %c0_i32_0 = arith.constant 0 : i32
    %c0_i32_1 = arith.constant 0 : i32
    return %c0_i32, %c0_i32_0 : i32, i32
  }
  func.func @transform_4(%arg0: i32) -> i32 {
    %c0_i32 = arith.constant 0 : i32
    %c0_i32_0 = arith.constant 0 : i32
    return %c0_i32 : i32
  }
  func.func @transform_5(%arg0: i32) -> (i32, i32) {
    %c0_i32 = arith.constant 0 : i32
    %c0_i32_0 = arith.constant 0 : i32
    return %arg0, %c0_i32 : i32, i32
  }
}

</mosaic_0001>

<sc_bundles>
// kernel: kernel.6.cloned.1.call-start
scs
__scs_entry_jumppad:
0x0: {  	(pc) =	sbr.rel $0x88, $3  }
0x1: {  	(tag) =	ssettag $0x0;
	lr =	simm.s32 $0x1  }
0x2: {  	[smem:$0x3F9B] =	sst lr;
	_ =	strace $0xD0000000  }
0x3: {  	_ = 	snop  }
0x4: {  	_ = 	snop  }
0x5: {  	_ = 	snop  }
0x6: {  	_ = 	snop  }
0x7: {  	_ = 	snop  }
__scs_overlays_trampoline_lowered:
0x8: {  	[smem:$0x3FAA] =	sst s0  }
0x9: {  	[smem:$0x3FAB] =	sst s1  }
0xa: {  	[smem:$0x3FAC] =	sst s2  }
0xb: {  	[smem:$0x3FAD] =	sst s3  }
0xc: {  	[smem:$0x3FAE] =	sst s4  }
0xd: {  	[smem:$0x3FAF] =	sst s5  }
0xe: {  	[smem:$0x3FB0] =	sst s6  }
0xf: {  	[smem:$0x3FB1] =	sst s7  }
0x10: {  	[smem:$0x3FB2] =	sst s8  }
0x11: {  	[smem:$0x3FB3] =	sst s9;
	s0 =	simm.s32 @!p0 $0x0  }
0x12: {  	s1 =	sld [smem:$0x3F99];
	s0 =	simm.s32 @p0 $0x1  }
0x13: {  	[smem:$0x3FB4] =	sst s0;
	s0 =	simm.s32 @!p1 $0x0  }
0x14: {  	s2 =	sld [smem:$0x3F98];
	s0 =	simm.s32 @p1 $0x1  }
0x15: {  	[smem:$0x3FB5] =	sst s0;
	s0 =	simm.s32 @!p2 $0x0  }
0x16: {  	s3 =	sld [smem:$0x3FDB];
	s0 =	simm.s32 @p2 $0x1  }
0x17: {  	s4 =	simm.s32 $0x1BF5;
	[smem:$0x3FB7] =	sst s0  }
0x18: {  	s0 =	sld [smem:$0x3F9A];
	_ =	swait.ge [sflag:s4], $0x0  }
0x19: {  	s7 =	sld [smem:$0x3F9B]  }
0x1a: {  	s8 =	sadd.s32 $0xFFFFE003, lr  }
0x1b: {  	s9 =	sadd.s32 $0xFFFFFEF7, lr;
	s5 =	simm.s32 $0xFFFFFFFF;
	p2 =	slt.u32 s8, $0xFFFFF086  }
0x1c: {  	p1 =	slt.u32 s9, $0xF7A;
	s5 =	simm.s32 @!p2 $0x0  }
0x1d: {  	s5 =	simm.s32 @p1 $0x1;
	p0 =	seq.s32 s7, s2  }
0x1e: {  	s7 =	smul.u32 @!p0 $0xF7A, s2;
	p2 =	seq.s32 @!p0 s5, $0x0  }
0x1f: {  	s9 =	smul.u32 $0xF7A, s1;
	s8 =	simm.s32 @!p0 $0x1BF5;
	p2 =	por !p2, p0  }
0x20: {  	[sflag:s8] =	ssyncset.s32 @!p0 $0xFFFFF086;
	s6 =	sadd.s32 @!p0 s3, s7;
	s7 =	simm.s32 @!p0 $0x108  }
0x21: {  	s3 =	sadd.s32 s3, s9;
	s6 =	sadd.s32 @!p0 $0x88, s6;
	s7 =	simm.s32 @p2 $0x1082  }
0x22: {  	[simem:s7], [sflag:s8] =	dma.local @!p0 [hbm:s6], $0xF7A  }
0x23: {  	s9 =	sor.u32 $0xD0000000, s2;
	s6 =	simm.s32 $0x108;
	_ =	swait.ge @!p0 [sflag:s8], $0x0  }
0x24: {  	s3 =	sadd.s32 $0x88, s3;
	s6 =	simm.s32 @!p1 $0x1082;
	[sflag:s4] =	ssyncset.s32 $0xFFFFF086  }
0x25: {  	[simem:s6], [sflag:s4] =	dma.local [hbm:s3], $0xF7A  }
0x26: {  	[smem:$0x3F9B] =	sst s1;
	(tag) =	ssettag s2;
	_ =	strace s9  }
0x27: {  	s1 =	sld [smem:$0x3FAB]  }
0x28: {  	s2 =	sld [smem:$0x3FAC]  }
0x29: {  	s4 =	sld [smem:$0x3FAE]  }
0x2a: {  	p0 =	seq.s32 s5, $0x0;
	s5 =	sld [smem:$0x3FAF]  }
0x2b: {  	s6 =	sld [smem:$0x3FB0]  }
0x2c: {  	s7 =	sld [smem:$0x3FB1]  }
0x2d: {  	s3 =	simm.s32 $0x108;
	s8 =	sld [smem:$0x3FB2]  }
0x2e: {  	s3 =	simm.s32 @!p0 $0x1082;
	s9 =	sld [smem:$0x3FB3]  }
0x2f: {  	lr =	sadd.s32 s0, s3;
	s0 =	sld [smem:$0x3FAA]  }
0x30: {  	s3 =	sld [smem:$0x3FAD]  }
0x31: {  	[smem:$0x3FB6] =	sst s10  }
0x32: {  	s10 =	sld [smem:$0x3FB4];
	_ =	sdelay $0x3  }
0x33: {  	p0 =	seq.s32 s10, $0x1;
	s10 =	sld [smem:$0x3FB6];
	_ =	sdelay $0x3  }
0x34: {  	[smem:$0x3FB6] =	sst s10  }
0x35: {  	s10 =	sld [smem:$0x3FB5];
	_ =	sdelay $0x3  }
0x36: {  	p1 =	seq.s32 s10, $0x1;
	s10 =	sld [smem:$0x3FB6];
	_ =	sdelay $0x3  }
0x37: {  	[smem:$0x3FB6] =	sst s10  }
0x38: {  	s10 =	sld [smem:$0x3FB7]  }
0x39: {  	_ = 	snop;
	(pc) =	sbr.ind lr, $3  }
0x3a: {  	_ = 	snop  }
0x3b: {  	_ = 	snop  }
0x3c: {  	p2 =	seq.s32 s10, $0x1;
	s10 =	sld [smem:$0x3FB6]  }
0x3d: {  	_ =	shalt  }
0x3e: {  	_ =	shalt  }
0x3f: {  	_ =	shalt  }
0x40: {  	_ =	shalt  }
0x41: {  	_ =	shalt  }
0x42: {  	_ =	shalt  }
0x43: {  	_ =	shalt  }
0x44: {  	_ =	shalt  }
0x45: {  	_ =	shalt  }
0x46: {  	_ =	shalt  }
0x47: {  	_ =	shalt  }
0x48: {  	_ =	shalt  }
0x49: {  	_ =	shalt  }
0x4a: {  	_ =	shalt  }
0x4b: {  	_ =	shalt  }
0x4c: {  	_ =	shalt  }
0x4d: {  	_ =	shalt  }
0x4e: {  	_ =	shalt  }
0x4f: {  	_ =	shalt  }
0x50: {  	_ =	shalt  }
0x51: {  	_ =	shalt  }
0x52: {  	_ =	shalt  }
0x53: {  	_ =	shalt  }
0x54: {  	_ =	shalt  }
0x55: {  	_ =	shalt  }
0x56: {  	_ =	shalt  }
0x57: {  	_ =	shalt  }
0x58: {  	_ =	shalt  }
0x59: {  	_ =	shalt  }
0x5a: {  	_ =	shalt  }
0x5b: {  	_ =	shalt  }
0x5c: {  	_ =	shalt  }
0x5d: {  	_ =	shalt  }
0x5e: {  	_ =	shalt  }
0x5f: {  	_ =	shalt  }
0x60: {  	_ =	shalt  }
0x61: {  	_ =	shalt  }
0x62: {  	_ =	shalt  }
0x63: {  	_ =	shalt  }
0x64: {  	_ =	shalt  }
0x65: {  	_ =	shalt  }
0x66: {  	_ =	shalt  }
0x67: {  	_ =	shalt  }
0x68: {  	_ =	shalt  }
0x69: {  	_ =	shalt  }
0x6a: {  	_ =	shalt  }
0x6b: {  	_ =	shalt  }
0x6c: {  	_ =	shalt  }
0x6d: {  	_ =	shalt  }
0x6e: {  	_ =	shalt  }
0x6f: {  	_ =	shalt  }
0x70: {  	_ =	shalt  }
0x71: {  	_ =	shalt  }
0x72: {  	_ =	shalt  }
0x73: {  	_ =	shalt  }
0x74: {  	_ =	shalt  }
0x75: {  	_ =	shalt  }
0x76: {  	_ =	shalt  }
0x77: {  	_ =	shalt  }
0x78: {  	_ =	shalt  }
0x79: {  	_ =	shalt  }
0x7a: {  	_ =	shalt  }
0x7b: {  	_ =	shalt  }
0x7c: {  	_ =	shalt  }
0x7d: {  	_ =	shalt  }
0x7e: {  	_ =	shalt  }
0x7f: {  	_ =	shalt  }
0x80: {  	_ =	shalt  }
0x81: {  	_ =	shalt  }
0x82: {  	_ =	shalt  }
0x83: {  	_ =	shalt  }
0x84: {  	_ =	shalt  }
0x85: {  	_ =	shalt  }
0x86: {  	_ =	shalt  }
0x87: {  	_ =	shalt  }
.Lfunc_end0:
.L_simem_size_0:
called_computation_lowered:
.L_overlay_start_0:
0x88: {  	s2 =	sld [smem:$0x3FD9]  }
0x89: {  	s3 =	sld [smem:$0x3FFE];
	_ =	sdelay $0x1  }
0x8a: {  	s1 =	srdreg.scid  }
0x8b: {  	s0 =	sand.u32 $0x1, s1  }
0x8c: {  	s17 =	sshll.u32 s0, $0xA;
	s2 =	sadd.s32 s3, s2  }
0x8d: {  	s2 =	sadd.s32 s2, s17  }
0x8e: {  	[smem:$0x3FC2] =	sst s2  }
0x8f: {  	_ = 	snop  }
0x90: {  	s2 =	sld [smem:$0x3FC9];
	(tm) =	ssettm $0x1  }
0x91: {  	s18 =	sld [smem:$0x3FFB];
	_ =	sdelay $0x3  }
0x92: {  	_ =	strace s18  }
0x93: {  	s3 =	sld [smem:$0x3FFC];
	_ =	sdelay $0x3  }
0x94: {  	_ =	strace s3  }
0x95: {  	s3 =	sld [smem:$0x3FFD];
	_ =	sdelay $0x3  }
0x96: {  	_ =	strace s3  }
0x97: {  	_ =	strace $0x8FFFFFFF  }
0x98: {  	s19 =	sld [smem:$0x3FDB];
	_ =	sdelay $0x1  }
0x99: {  	s4 =	simm.s32 $_scs_section_size  }
0x9a: {  	s5 =	simm.s32 $_size__tile_overlayer_lowered;
	s6 =	simm.s32 $_tile_overlayer_lowered  }
0x9b: {  	s22 =	simm.s32 $0x1BFF;
	s21 =	sshll.u32 s6, $0x1;
	s3 =	sadd.s32 s4, s19  }
0x9c: {  	s7 =	simm.s32 $0x0;
	s20 =	sshll.u32 s5, $0x1;
	s5 =	sadd.s32 s21, s3  }
0x9d: {  	[timem:s7], [sflag:s22] =	dma.local [hbm:s5], s20  }
0x9e: {  	_ =	swait.ge [sflag:s22], s20  }
0x9f: {  	s4 =	ssub.s32 $0x0, s20;
	[sflag:s22] =	ssyncset.done $0x0  }
0xa0: {  	[sflag:s22] =	ssyncadd.s32 s4;
	_ =	sdelay $0x1  }
0xa1: {  	s23 =	simm.s32 $0x1B8B  }
0xa2: {  	_ =	swait.ge [sflag:s23], $0x1  }
0xa3: {  	[sflag:s23] =	ssyncset.done $0x0  }
0xa4: {  	s25 =	simm.s32 $0x1B8E;
	s24 =	sld [smem:$0x3FFE];
	[sflag:s23] =	ssyncadd.s32 $0xFFFFFFFF  }
0xa5: {  	s26 =	simm.s32 $execute0_lowered;
	[smem:$0x3FD2] =	sst s25  }
0xa6: {  	s5 =	sshll.u32 s26, $0x1;
	_ =	strace $0x80000046;
	[dreg:$0x1] =	wrdreg $0xFFFFFFFF  }
0xa7: {  	s28 =	simm.s32 $_size_execute0_lowered;
	s3 =	sadd.s32 s3, s5;
	[dreg:$0x0] =	wrdreg $0x0  }
0xa8: {  	s5 =	sshll.u32 s28, $0x1;
	[dreg:$0x2] =	wrdreg s3  }
0xa9: {  	[dreg:$0x3] =	wrdreg s5  }
0xaa: {  	[dreg:$0x4] =	wrdreg $0xC0  }
0xab: {  	_ =	task [dreg:s7], $0x5FFFF  }
0xac: {  	[dreg:$0x1] =	wrdreg $0xFFFFFFFF  }
0xad: {  	[dreg:$0x0] =	wrdreg $0x60  }
0xae: {  	[dreg:$0x2] =	wrdreg s2  }
0xaf: {  	[dreg:$0x3] =	wrdreg s24  }
0xb0: {  	[dreg:$0x4] =	wrdreg $0x0  }
0xb1: {  	[dreg:$0x5] =	wrdreg $0x140000  }
0xb2: {  	[dreg:$0x6] =	wrdreg $0x9  }
0xb3: {  	_ =	task.clear_ibuf [dreg:s7], $0x7FFFF;
	_ =	strace $0x90000046  }
0xb4: {  	s29 =	simm.s32 $0x9;
	_ =	strace $0x80000048  }
0xb5: {  	_ =	swait.ge [sflag:s29], $0x1  }
0xb6: {  	[sflag:s29] =	ssyncadd.s32 $0xFFFFFFFF  }
0xb7: {  	_ =	strace $0x90000048  }
0xb8: {  	_ =	sfence  }
0xb9: {  	s30 =	sld [smem:$0x0];
	_ =	sdelay $0x2  }
0xba: {  	s31 =	sshll.u32 s1, $0xD;
	s1 =	sshrl.u32 s1, $0x2  }
0xbb: {  	s3 =	sand.u32 $0x4000, s31;
	s1 =	sadd.s32 s1, s30  }
0xbc: {  	s0 =	sor.u32 s3, s0;
	s1 =	sshll.u32 s1, $0x11  }
0xbd: {  	s0 =	sor.u32 s1, s0  }
0xbe: {  	s0 =	sadd.s32 $0x8F2B, s0  }
0xbf: {  	[sflag:s0] =	ssyncadd.remote.s32 $0x1  }
0xc0: {  	_ =	sfence.sel $0xFFFF  }
0xc1: {  	[dreg:$0x0] =	wrdreg $0xFFFFFFFF;
	(pc) =	sbr.abs _section_cstart, $3  }
0xc2: {  	[dreg:$0x1] =	wrdreg $0xFFFFFFFF  }
0xc3: {  	_ =	task.clear_ibuf [dreg:s7], $0x2FFFF;
	_ =	strace $0x9FFFFFFF  }
0xc4: {  	(tm) =	ssettm $0x7FFFFFFF  }
0xc5: {  	_ =	shalt  }
tec
execute0_lowered:
.L_overlay_start_1:
0x0: {  	(tag) =	ssettag $0x1  }
0x1: {  	s0 =	rddreg [dreg:$0x0]  }
0x2: {  	s1 =	rddreg [dreg:$0x1]  }
0x3: {  	s3 =	rddreg [dreg:$0x2];
	s12 =	stileid.u32  }
0x4: {  	s2 =	srdreg.scid;
	s8 =	smul.u32 $0x14000, s12  }
0x5: {  	s4 =	rddreg [dreg:$0x3];
	s5 =	simm.s32 $0x0;
	s11 =	smul.u32 $0x280, s12  }
0x6: {  	s2 =	sand.u32 $0x1, s2;
	[smem:$0x7FF] =	sst s5;
	s18 =	smul.u32 $0x50000, s12  }
0x7: {  	s6 =	sadd.s32 $0x2800, s1;
	s7 =	smul.u32 $0x140000, s2;
	_ =	strace $0x80000047  }
0x8: {  	s9 =	smul.u32 $0x2800, s2;
	s10 =	sshll.u32 s2, $0x4;
	s2 =	ssub.s32 $0x2, s2  }
0x9: {  	s15 =	sor.u32 s12, s10;
	s19 =	sshrl.u32 s2, $0x1;
	s21 =	sor.u32 $0x50, s11  }
0xa: {  	s10 =	sadd.s32 s11, s4;
	s14 =	sadd.s32 $0xA0, s11;
	s26 =	sadd.s32 $0x140, s11  }
0xb: {  	s7 =	sadd.s32 s8, s7;
	s9 =	sadd.s32 s11, s9;
	s2 =	ssub.s32 s2, s19  }
0xc: {  	s13 =	sshll.u32 s21, $0x7;
	s22 =	sshll.u32 s14, $0x7;
	s8 =	sadd.s32 s21, s4  }
0xd: {  	s25 =	sadd.s32 s14, s4;
	s19 =	sadd.s32 $0x1E0, s11;
	s16 =	sshrl.u32 s7, $0x3  }
0xe: {  	s7 =	smul.u32 $0x2710, s15;
	s17 =	sshrl.u32 s9, $0x3;
	s9 =	sshrl.u32 s18, $0x2  }
0xf: {  	s13 =	sadd.s32 s13, s3;
	s15 =	sadd.s32 $0xF0, s11;
	[dreg:$0x6] =	wrdreg s8  }
0x10: {  	s23 =	sadd.s32 s22, s3;
	[dreg:$0x8] =	wrdreg s25;
	s21 =	sshll.u32 s19, $0x7  }
0x11: {  	s12 =	sadd.s32 s16, s1;
	s1 =	sadd.s32 s17, s1;
	[dreg:$0x5] =	wrdreg s13  }
0x12: {  	s9 =	sadd.s32 s9, s3;
	[dreg:$0x7] =	wrdreg s23;
	s24 =	sshll.u32 s15, $0x7  }
0x13: {  	s14 =	sadd.s32 s15, s4;
	s15 =	sshll.u32 s26, $0x7;
	s17 =	sadd.s32 $0x190, s11  }
0x14: {  	s11 =	sadd.s32 $0x230, s11;
	s20 =	sshrl.u32 s7, $0x3;
	s8 =	sadd.s32 s24, s3  }
0x15: {  	[dreg:$0xa] =	wrdreg s14;
	s13 =	sadd.s32 s15, s3;
	s18 =	sshll.u32 s17, $0x7  }
0x16: {  	s22 =	sshll.u32 s11, $0x7;
	s24 =	sadd.s32 s11, s4;
	[dreg:$0x9] =	wrdreg s8  }
0x17: {  	s25 =	sadd.s32 $0x16200, s12;
	s1 =	sadd.s32 $0x66200, s1;
	[dreg:$0xb] =	wrdreg s13  }
0x18: {  	s11 =	simm.s32 $0x14600;
	s12 =	simm.s32 $0x9;
	[dreg:$0x12] =	wrdreg s24  }
0x19: {  	s14 =	simm.s32 $0xA;
	s15 =	simm.s32 $0x2;
	[dreg:$0x13] =	wrdreg s25  }
0x1a: {  	s16 =	sadd.s32 s6, s20;
	s8 =	sadd.s32 s26, s4;
	[dreg:$0x14] =	wrdreg s1  }
0x1b: {  	s20 =	sadd.s32 s17, s4;
	s13 =	sadd.s32 s21, s3;
	[dreg:$0xc] =	wrdreg s8  }
0x1c: {  	s23 =	sadd.s32 s22, s3;
	s26 =	smax.u32 s2, $0x1;
	[dreg:$0xe] =	wrdreg s20  }
0x1d: {  	s2 =	simm.s32 $0x14680;
	s17 =	simm.s32 $0xC;
	[dreg:$0xf] =	wrdreg s13  }
0x1e: {  	s21 =	simm.s32 $0x0;
	s8 =	sadd.s32 s18, s3;
	[dreg:$0x11] =	wrdreg s23  }
.Ltmp0:
0x1f: {  	[dreg:$0x15] =	wrdreg s26;
	s29 =	sadd.s32 $0x9C40, s16;
	(pc) =	sbr.rel .LBB2_1-.Ltmp0, $4  }
0x20: {  	s30 =	sadd.s32 $0x32, s16;
	s28 =	smov.u32 s16;
	s31 =	sadd.s32 $0x9C72, s16  }
0x21: {  	s23 =	simm.s32 $0x1E680;
	s13 =	simm.s32 $0x1;
	s16 =	simm.s32 $0xB  }
0x22: {  	s18 =	simm.s32 $0x7;
	[dreg:$0xd] =	wrdreg s8;
	s8 =	sadd.s32 s19, s4  }
0x23: {  	v0 =	vimm.f32 $0.0e+00;
	v1 =	vimm.f32 $1.000000000e+00;
	s20 =	simm.s32 $0xD;
	s19 =	simm.s32 $0x50;
	[dreg:$0x10] =	wrdreg s8  }
.LBB2_11:
0x24: {  	_ =	swait.ge [sflag:s12], $0x2800  }
0x25: {  	[sflag:s12] =	ssyncset.done $0x0  }
0x26: {  	[sflag:s12] =	ssyncadd.s32 $0xFFFFD800  }
0x27: {  	_ =	swait.ge [sflag:s13], $0x50  }
0x28: {  	[sflag:s13] =	ssyncset.done $0x0  }
0x29: {  	s1 =	stileid.u32;
	[sflag:s13] =	ssyncadd.s32 $0xFFFFFFB0  }
0x2a: {  	s1 =	sshll.u32 s1, $0x6;
	[bflag:$0x0] =	sbarrier.arrive $0xFFFF  }
0x2b: {  	s8 =	sshrl.u32 s9, $0x3;
	s1 =	sor.u32 $0x1C0D, s1;
	s22 =	rddreg [dreg:$0x13]  }
0x2c: {  	[hbm:s22], [sflag:s1] =	dma.local [spmem:s8], $0x2800  }
0x2d: {  	_ =	swait.ge [sflag:s20], $0x2800  }
0x2e: {  	[sflag:s20] =	ssyncset.done $0x0  }
0x2f: {  	s24 =	sshrl.u32 s10, $0x3;
	s25 =	rddreg [dreg:$0x14];
	[sflag:s20] =	ssyncadd.s32 $0xFFFFD800  }
0x30: {  	[hbm:s25], [sflag:s1] =	dma.local [spmem:s24], $0x50  }
0x31: {  	_ =	swait.ge [sflag:s20], $0x50  }
0x32: {  	s21 =	sadd.s32 $0x1, s21;
	s26 =	rddreg [dreg:$0x15]  }
0x33: {  	p0 =	sne.s32 s21, s26  }
.Ltmp1:
0x34: {  	_ = 	snop;
	(pc) =	sbr.rel @!p0 .LBB2_12-.Ltmp1, $3  }
0x35: {  	_ =	sdelay $0x1  }
0x36: {  	[sflag:s20] =	ssyncset.done $0x0  }
0x37: {  	s23 =	simm.s32 $0x1E680;
	[sflag:s20] =	ssyncadd.s32 $0xFFFFFFB0  }
.LBB2_1:
0x38: {  	[tilespmem:$0x14600] =	vst v0  }
0x39: {  	[tilespmem:$0x14610] =	vst v0  }
0x3a: {  	[tilespmem:$0x14620] =	vst v0  }
0x3b: {  	[tilespmem:$0x14630] =	vst v0  }
0x3c: {  	[tilespmem:$0x14640] =	vst v0  }
0x3d: {  	[tilespmem:$0x14650] =	vst v0  }
0x3e: {  	[tilespmem:$0x14660] =	vst v0  }
0x3f: {  	[tilespmem:s23], [sflag:$0x7] =	stream.linear.gather [hbm4b:s28+s5], $0x190, $0x38;
	[tilespmem:$0x1EA00] =	vst v63  }
0x40: {  	s1 =	simm.s32 $0x14280  }
0x41: {  	[tilespmem:s1], [sflag:$0x7] =	stream.linear.gather [hbm4b:s29+s5], $0x190, $0x38;
	[tilespmem:$0x1EA00] =	vst v63  }
0x42: {  	s25 =	simm.s32 $0x1E810  }
0x43: {  	[tilespmem:s25], [sflag:$0x8] =	stream.linear.gather [hbm4b:s30+s5], $0x190, $0x38;
	[tilespmem:$0x1EA00] =	vst v63  }
0x44: {  	s26 =	simm.s32 $0x14410;
	s8 =	simm.s32 $0x0;
	s22 =	simm.s32 $0x200  }
0x45: {  	[tilespmem:s26], [sflag:$0x8] =	stream.linear.gather [hbm4b:s31+s5], $0x190, $0x38;
	[tilespmem:$0x1EA00] =	vst v63  }
.LBB2_2:
0x46: {  	p0 =	sne.s32 s22, $0x9E00;
	[tilespmem:s8+$0x146F0] =	vst v0  }
0x47: {  	[tilespmem:s8+$0x14680] =	vst v0  }
0x48: {  	[tilespmem:s8+$0x14690] =	vst v0  }
.Ltmp2:
0x49: {  	[tilespmem:s8+$0x146A0] =	vst v0;
	(pc) =	sbr.rel @p0 .LBB2_2-.Ltmp2, $4  }
0x4a: {  	[tilespmem:s8+$0x146B0] =	vst v0  }
0x4b: {  	[tilespmem:s8+$0x146C0] =	vst v0  }
0x4c: {  	[tilespmem:s8+$0x146D0] =	vst v0  }
0x4d: {  	[tilespmem:s8+$0x146E0] =	vst v0;
	s8 =	sshra.s32 s22, $0x2;
	s22 =	sadd.s32 $0x200, s22  }
0x4e: {  	[tilespmem:s8+$0x146F0] =	vst v0  }
0x4f: {  	[tilespmem:s8+$0x14680] =	vst v0  }
0x50: {  	[tilespmem:s8+$0x14690] =	vst v0  }
0x51: {  	[tilespmem:s8+$0x146A0] =	vst v0  }
0x52: {  	[tilespmem:s8+$0x146B0] =	vst v0  }
0x53: {  	[tilespmem:s8+$0x146C0] =	vst v0  }
0x54: {  	[tilespmem:s8+$0x146D0] =	vst v0  }
0x55: {  	[tilespmem:s8+$0x146E0] =	vst v0  }
0x56: {  	[spmem:s9] =	stream.linear.scatter [tilespmem:s2], [sflag:$0x9], $0x2800, $0x38;
	[tilespmem:$0x1EA00] =	vst v63  }
0x57: {  	_ = 	snop  }
0x58: {  	[spmem:s10] =	stream.linear.scatter [tilespmem:s11], [sflag:$0x1], $0x50, $0x38;
	[tilespmem:$0x1EA00] =	vst v63  }
0x59: {  	s1 =	rddreg [dreg:$0x5]  }
0x5a: {  	[spmem:s1] =	stream.linear.scatter [tilespmem:s2], [sflag:$0xA], $0x2800, $0x38;
	[tilespmem:$0x1EA00] =	vst v63  }
0x5b: {  	s26 =	rddreg [dreg:$0x6]  }
0x5c: {  	[spmem:s26] =	stream.linear.scatter [tilespmem:s11], [sflag:$0x2], $0x50, $0x38;
	[tilespmem:$0x1EA00] =	vst v63  }
0x5d: {  	s8 =	rddreg [dreg:$0x7]  }
0x5e: {  	[spmem:s8] =	stream.linear.scatter [tilespmem:s2], [sflag:$0xB], $0x2800, $0x38;
	[tilespmem:$0x1EA00] =	vst v63  }
0x5f: {  	s22 =	rddreg [dreg:$0x8]  }
0x60: {  	[spmem:s22] =	stream.linear.scatter [tilespmem:s11], [sflag:$0x1], $0x50, $0x38;
	[tilespmem:$0x1EA00] =	vst v63  }
0x61: {  	s24 =	rddreg [dreg:$0x9]  }
0x62: {  	[spmem:s24] =	stream.linear.scatter [tilespmem:s2], [sflag:$0xC], $0x2800, $0x38;
	[tilespmem:$0x1EA00] =	vst v63  }
0x63: {  	s25 =	rddreg [dreg:$0xa]  }
0x64: {  	[spmem:s25] =	stream.linear.scatter [tilespmem:s11], [sflag:$0x2], $0x50, $0x38;
	[tilespmem:$0x1EA00] =	vst v63  }
0x65: {  	s26 =	rddreg [dreg:$0xb]  }
0x66: {  	[spmem:s26] =	stream.linear.scatter [tilespmem:s2], [sflag:$0x9], $0x2800, $0x38;
	[tilespmem:$0x1EA00] =	vst v63  }
0x67: {  	s8 =	rddreg [dreg:$0xc]  }
0x68: {  	[spmem:s8] =	stream.linear.scatter [tilespmem:s11], [sflag:$0x1], $0x50, $0x38;
	[tilespmem:$0x1EA00] =	vst v63  }
0x69: {  	s22 =	rddreg [dreg:$0xd]  }
0x6a: {  	[spmem:s22] =	stream.linear.scatter [tilespmem:s2], [sflag:$0xA], $0x2800, $0x38;
	[tilespmem:$0x1EA00] =	vst v63  }
0x6b: {  	s24 =	rddreg [dreg:$0xe]  }
0x6c: {  	[spmem:s24] =	stream.linear.scatter [tilespmem:s11], [sflag:$0x2], $0x50, $0x38;
	[tilespmem:$0x1EA00] =	vst v63  }
0x6d: {  	s25 =	rddreg [dreg:$0xf]  }
0x6e: {  	[spmem:s25] =	stream.linear.scatter [tilespmem:s2], [sflag:$0xB], $0x2800, $0x38;
	[tilespmem:$0x1EA00] =	vst v63  }
0x6f: {  	s26 =	rddreg [dreg:$0x10]  }
0x70: {  	[spmem:s26] =	stream.linear.scatter [tilespmem:s11], [sflag:$0x1], $0x50, $0x38;
	[tilespmem:$0x1EA00] =	vst v63  }
0x71: {  	s8 =	rddreg [dreg:$0x11]  }
0x72: {  	[spmem:s8] =	stream.linear.scatter [tilespmem:s2], [sflag:$0xC], $0x2800, $0x38;
	[tilespmem:$0x1EA00] =	vst v63  }
0x73: {  	s22 =	rddreg [dreg:$0x12]  }
0x74: {  	[spmem:s22] =	stream.linear.scatter [tilespmem:s11], [sflag:$0x2], $0x50, $0x38;
	[tilespmem:$0x1EA00] =	vst v63  }
0x75: {  	_ =	swait.ge [sflag:s12], $0x2800  }
0x76: {  	[sflag:s12] =	ssyncset.done $0x0  }
0x77: {  	[sflag:s12] =	ssyncadd.s32 $0xFFFFD800  }
0x78: {  	_ =	swait.ge [sflag:s13], $0x50  }
0x79: {  	[sflag:s13] =	ssyncset.done $0x0  }
0x7a: {  	[sflag:s13] =	ssyncadd.s32 $0xFFFFFFB0  }
0x7b: {  	_ =	swait.ge [sflag:s14], $0x2800  }
0x7c: {  	[sflag:s14] =	ssyncset.done $0x0  }
0x7d: {  	[sflag:s14] =	ssyncadd.s32 $0xFFFFD800  }
0x7e: {  	_ =	swait.ge [sflag:s15], $0x50  }
0x7f: {  	[sflag:s15] =	ssyncset.done $0x0  }
0x80: {  	[sflag:s15] =	ssyncadd.s32 $0xFFFFFFB0  }
0x81: {  	_ =	swait.ge [sflag:s16], $0x2800  }
0x82: {  	[sflag:s16] =	ssyncset.done $0x0  }
0x83: {  	[sflag:s16] =	ssyncadd.s32 $0xFFFFD800  }
0x84: {  	_ =	swait.ge [sflag:s13], $0x50  }
0x85: {  	[sflag:s13] =	ssyncset.done $0x0  }
0x86: {  	[sflag:s13] =	ssyncadd.s32 $0xFFFFFFB0  }
0x87: {  	_ =	swait.ge [sflag:s17], $0x2800  }
0x88: {  	[sflag:s17] =	ssyncset.done $0x0  }
0x89: {  	[sflag:s17] =	ssyncadd.s32 $0xFFFFD800  }
0x8a: {  	_ =	swait.ge [sflag:s15], $0x50  }
0x8b: {  	[sflag:s15] =	ssyncset.done $0x0  }
0x8c: {  	[sflag:s15] =	ssyncadd.s32 $0xFFFFFFB0  }
0x8d: {  	_ =	swait.ge [sflag:s12], $0x2800  }
0x8e: {  	[sflag:s12] =	ssyncset.done $0x0  }
0x8f: {  	[sflag:s12] =	ssyncadd.s32 $0xFFFFD800  }
0x90: {  	_ =	swait.ge [sflag:s13], $0x50  }
0x91: {  	[sflag:s13] =	ssyncset.done $0x0  }
0x92: {  	[sflag:s13] =	ssyncadd.s32 $0xFFFFFFB0  }
0x93: {  	_ =	swait.ge [sflag:s14], $0x2800  }
0x94: {  	[sflag:s14] =	ssyncset.done $0x0  }
0x95: {  	[sflag:s14] =	ssyncadd.s32 $0xFFFFD800  }
0x96: {  	_ =	swait.ge [sflag:s15], $0x50  }
0x97: {  	[sflag:s15] =	ssyncset.done $0x0  }
0x98: {  	[sflag:s15] =	ssyncadd.s32 $0xFFFFFFB0  }
0x99: {  	_ =	swait.ge [sflag:s16], $0x2800  }
0x9a: {  	[sflag:s16] =	ssyncset.done $0x0  }
0x9b: {  	[sflag:s16] =	ssyncadd.s32 $0xFFFFD800  }
0x9c: {  	_ =	swait.ge [sflag:s13], $0x50  }
0x9d: {  	[sflag:s13] =	ssyncset.done $0x0  }
0x9e: {  	[sflag:s13] =	ssyncadd.s32 $0xFFFFFFB0  }
0x9f: {  	_ =	swait.ge [sflag:s17], $0x2800  }
0xa0: {  	[sflag:s17] =	ssyncset.done $0x0  }
0xa1: {  	[sflag:s17] =	ssyncadd.s32 $0xFFFFD800  }
0xa2: {  	_ =	swait.ge [sflag:s15], $0x50  }
0xa3: {  	[sflag:s15] =	ssyncset.done $0x0  }
0xa4: {  	[sflag:s15] =	ssyncadd.s32 $0xFFFFFFB0  }
0xa5: {  	[tilespmem:$0x14600] =	vst v1  }
0xa6: {  	[tilespmem:$0x14610] =	vst v1  }
0xa7: {  	[tilespmem:$0x14620] =	vst v1  }
0xa8: {  	[tilespmem:$0x14630] =	vst v1  }
0xa9: {  	[tilespmem:$0x14640] =	vst v1  }
0xaa: {  	[tilespmem:$0x14650] =	vst v1  }
0xab: {  	[tilespmem:$0x14660] =	vst v1  }
0xac: {  	_ =	swait.ge [sflag:s18], $0x190  }
0xad: {  	[sflag:s18] =	ssyncset.done $0x0  }
0xae: {  	[sflag:s18] =	ssyncadd.s32 $0xFFFFFE70  }
0xaf: {  	_ =	swait.ge [sflag:s18], $0x190  }
0xb0: {  	[sflag:s18] =	ssyncset.done $0x0  }
0xb1: {  	[sflag:s18] =	ssyncadd.s32 $0xFFFFFE70  }
0xb2: {  	[tilespmem:s2], [sflag:$0x3] =	stream.indirect.gather [hbm4b:s0+s19], $0x80, s23, s19, $0xb8;
	[tilespmem:$0x1EA00] =	vst v63  }
0xb3: {  	s24 =	simm.s32 $0x16E80;
	s23 =	simm.s32 $0x1E6D0  }
0xb4: {  	[tilespmem:s24], [sflag:$0x4] =	stream.indirect.gather [hbm4b:s0+s19], $0x80, s23, s19, $0xb8;
	[tilespmem:$0x1EA00] =	vst v63  }
0xb5: {  	s25 =	simm.s32 $0x1E720;
	s26 =	simm.s32 $0x19680  }
0xb6: {  	[tilespmem:s26], [sflag:$0x5] =	stream.indirect.gather [hbm4b:s0+s19], $0x80, s25, s19, $0xb8;
	[tilespmem:$0x1EA00] =	vst v63  }
0xb7: {  	s22 =	simm.s32 $0x0;
	[bflag:$0x0] =	sbarrier.arrive $0xFFFF  }
.LBB2_4:
0xb8: {  	s8 =	smul.u32 $0xCD, s22;
	_ =	sdelay $0x1  }
0xb9: {  	s8 =	sshrl.u32 s8, $0xA  }
0xba: {  	p0 =	seq.s32 s22, $0x0;
	s8 =	sand.u32 $0x3F, s8  }
0xbb: {  	s23 =	sadd.s32 @!p0 $0xFFFFFFFF, s22;
	s25 =	smul.u32 $0x5, s8  }
0xbc: {  	p2 =	por $0x0, $0x0;
	p1 =	slt.u32 @!p0 s22, $0x78;
	s24 =	sand.u32 @!p0 $0x3, s23  }
0xbd: {  	s26 =	sand.u32 @!p0 $0x1, s23;
	p2 =	por @!p0 p1, p1;
	s23 =	ssub.s32 s22, s25  }
0xbe: {  	s25 =	sand.u32 @p2 $0xFF, s23  }
0xbf: {  	s24 =	sadd.s32 @!p0 $0x9, s24;
	p1 =	sne.s32 @p2 s25, $0x0  }
0xc0: {  	_ =	swait.ge @!p0 [sflag:s24], $0x2800;
	p1 =	por !p2, p1  }
.Ltmp3:
0xc1: {  	[sflag:s24] =	ssyncset.done @!p0 $0x0;
	(pc) =	sbr.rel @p1 .LBB2_6-.Ltmp3, $4  }
0xc2: {  	[sflag:s24] =	ssyncadd.s32 @!p0 $0xFFFFD800;
	s24 =	sadd.s32 @!p0 $0x1, s26  }
0xc3: {  	_ =	swait.ge @!p0 [sflag:s24], $0x50  }
0xc4: {  	[sflag:s24] =	ssyncset.done @!p0 $0x0  }
0xc5: {  	[sflag:s24] =	ssyncadd.s32 @!p0 $0xFFFFFFB0;
	s24 =	sadd.s32 $0x1, s8  }
0xc6: {  	s25 =	smul.u32 $0x190, s24  }
0xc7: {  	s1 =	sand.u32 $0x1, s24  }
0xc8: {  	s26 =	smul.u32 $0x190, s1;
	s25 =	sadd.s32 s7, s25  }
.Ltmp4:
0xc9: {  	s25 =	sshrl.u32 s25, $0x3;
	(pc) =	sbr.rel .LBB2_9-.Ltmp4, $4  }
0xca: {  	s24 =	sadd.s32 $0x7, s1;
	s1 =	sadd.s32 $0x1E680, s26;
	s25 =	sadd.s32 s6, s25  }
0xcb: {  	[tilespmem:s1], [sflag:s24] =	stream.linear.gather [hbm4b:s25+s5], $0x190, $0x38;
	[tilespmem:$0x1EA00] =	vst v63  }
0xcc: {  	s26 =	sadd.s32 $0x14280, s26;
	s25 =	sadd.s32 $0x9C40, s25  }
0xcd: {  	[tilespmem:s26], [sflag:s24] =	stream.linear.gather [hbm4b:s25+s5], $0x190, $0x38;
	[tilespmem:$0x1EA00] =	vst v63  }
.LBB2_6:
0xce: {  	p0 =	sgt.u32 s22, $0x79  }
0xcf: {  	s1 =	sand.u32 @!p0 $0xFF, s23  }
0xd0: {  	p1 =	sne.s32 @!p0 s1, $0x2  }
0xd1: {  	p1 =	por p0, p1  }
.Ltmp5:
0xd2: {  	_ = 	snop;
	(pc) =	sbr.rel @p1 .LBB2_8-.Ltmp5, $1  }
0xd3: {  	_ =	sdelay $0x3  }
0xd4: {  	s1 =	sand.u32 $0x1, s24  }
0xd5: {  	s1 =	sadd.s32 $0x7, s1  }
0xd6: {  	_ =	swait.ge [sflag:s1], $0x190  }
0xd7: {  	[sflag:s1] =	ssyncset.done $0x0  }
0xd8: {  	[sflag:s1] =	ssyncadd.s32 $0xFFFFFE70  }
0xd9: {  	_ =	swait.ge [sflag:s1], $0x190  }
0xda: {  	[sflag:s1] =	ssyncset.done $0x0  }
0xdb: {  	[sflag:s1] =	ssyncadd.s32 $0xFFFFFE70  }
.LBB2_9:
0xdc: {  	s1 =	sadd.s32 $0x3, s22  }
0xdd: {  	s24 =	smul.u32 $0xCD, s1;
	_ =	sdelay $0x1  }
0xde: {  	s24 =	sshrl.u32 s24, $0xA  }
0xdf: {  	s25 =	sand.u32 $0x3F, s24  }
0xe0: {  	s25 =	smul.u32 $0x5, s25;
	_ =	sdelay $0x1  }
0xe1: {  	s25 =	ssub.s32 s1, s25  }
0xe2: {  	s25 =	sand.u32 $0xFF, s25  }
0xe3: {  	s24 =	sand.u32 $0x1, s24;
	s1 =	sand.u32 $0x3, s1;
	s25 =	smul.u32 $0x140, s25  }
0xe4: {  	p0 =	seq.s32 s24, $0x1;
	s24 =	simm.s32 $0x190;
	s26 =	smul.u32 $0xA000, s1  }
0xe5: {  	s24 =	simm.s32 @!p0 $0x0;
	s25 =	sshrl.u32 s25, $0x2  }
0xe6: {  	s26 =	sshrl.u32 s26, $0x2;
	s24 =	sadd.s32 s25, s24  }
0xe7: {  	s1 =	sadd.s32 $0x3, s1;
	s26 =	sadd.s32 $0x14680, s26;
	s24 =	sadd.s32 $0x1E680, s24  }
0xe8: {  	[tilespmem:s26], [sflag:s1] =	stream.indirect.gather [hbm4b:s0+s19], $0x80, s24, s19, $0xb8;
	[tilespmem:$0x1EA00] =	vst v63  }
.LBB2_10:
0xe9: {  	s1 =	sand.u32 $0x3, s22;
	s23 =	sand.u32 $0xFF, s23  }
0xea: {  	s8 =	sand.u32 $0x1, s8;
	s26 =	sand.u32 $0x1, s22;
	s24 =	smul.u32 $0xA000, s1  }
0xeb: {  	s22 =	sadd.s32 $0x1, s22;
	s23 =	smul.u32 $0x140, s23;
	s25 =	sadd.s32 $0x3, s1  }
0xec: {  	p0 =	seq.s32 s8, $0x1;
	s8 =	simm.s32 $0x190;
	s1 =	sadd.s32 $0x9, s1  }
0xed: {  	_ =	swait.ge [sflag:s25], $0x2800;
	s8 =	simm.s32 @!p0 $0x0;
	p0 =	sne.s32 s22, $0x7D  }
0xee: {  	s24 =	sshrl.u32 s24, $0x2;
	s23 =	sshrl.u32 s23, $0x2;
	[sflag:s25] =	ssyncset.done $0x0  }
.Ltmp6:
0xef: {  	s24 =	sadd.s32 $0x14680, s24;
	s8 =	sadd.s32 s23, s8;
	(pc) =	sbr.rel @p0 .LBB2_4-.Ltmp6, $4  }
.Ltmp7:
0xf0: {  	[sflag:s25] =	ssyncadd.s32 $0xFFFFD800;
	s8 =	sadd.s32 $0x14280, s8;
	(pc) =	sbr.rel @!p0 .LBB2_11-.Ltmp7, $4  }
0xf1: {  	[spmem:s3] =	stream.indirect.scatter.add.f32 [tilespmem:s24], [sflag:s1], $0x80, s8, s19, $0xb8;
	[tilespmem:$0x1EA00] =	vst v63  }
0xf2: {  	s1 =	sadd.s32 $0x1, s26  }
0xf3: {  	[spmem:s4] =	stream.indirect.scatter.add.f32 [tilespmem:s11], [sflag:s1], $0x1, s8, s19, $0xb8;
	[tilespmem:$0x1EA00] =	vst v63  }
0xf4: {  	_ = 	snop  }
.LBB2_8:
.Ltmp8:
0xf5: {  	(pc) =	sbr.rel @p0 .LBB2_10-.Ltmp8, $4  }
.Ltmp9:
0xf6: {  	(pc) =	sbr.rel @!p0 .LBB2_9-.Ltmp9, $4  }
0xf7: {  	_ = 	snop  }
0xf8: {  	_ = 	snop  }
0xf9: {  	_ = 	snop  }
0xfa: {  	_ = 	snop  }
.LBB2_12:
0xfb: {  	_ =	sfence.sel $0x180000  }
0xfc: {  	[bflag:$0x0] =	sbarrier.arrive $0xFFFF  }
0xfd: {  	_ =	strace $0x90000047  }
0xfe: {  	s0 =	stileid.u32;
	[bflag:$0x2] =	sbarrier.arrive $0xFFFF  }
0xff: {  	p0 =	sne.s32 s0, $0x0;
	s0 =	rddreg [dreg:$0x4]  }
0x100: {  	s0 =	sadd.s32 @!p0 $0x100000, s0  }
0x101: {  	[sflag:s0] =	ssyncadd.tile.s32 @!p0 $0x1;
	_ =	shalt  }
.Lfunc_end2:
_tile_overlayer_lowered:
.L_overlay_start_2:
0x102: {  	(tag) =	ssettag $0x2  }
0x103: {  	s0 =	rddreg [dreg:$0x0];
	s2 =	stileid.u32  }
0x104: {  	s1 =	rddreg [dreg:$0x1];
	p0 =	sne.s32 s2, $0x0  }
0x105: {  	s3 =	rddreg [dreg:$0x2];
	[bflag:$0x3] =	sbarrier.arrive $0xFFFF;
	s2 =	simm.s32 @!p0 $0x1C0D  }
0x106: {  	[timem:s3], [sflag:s2] =	dma.local @!p0 [hbm:s0], s1  }
0x107: {  	s0 =	simm.s32 @!p0 $0xD  }
0x108: {  	_ =	swait.ge @!p0 [sflag:s0], s1  }
0x109: {  	s1 =	ssub.s32 @!p0 $0x0, s1;
	[sflag:s0] =	ssyncset.done @!p0 $0x0  }
0x10a: {  	[sflag:s0] =	ssyncadd.s32 @!p0 s1  }
0x10b: {  	[bflag:$0x3] =	sbarrier.arrive $0xFFFF  }
0x10c: {  	_ =	shalt  }

// kernel: kernel.9.cloned.1.call-start
scs
__scs_entry_jumppad:
0x0: {  	(pc) =	sbr.rel $0x88, $3  }
0x1: {  	(tag) =	ssettag $0x0;
	lr =	simm.s32 $0x1  }
0x2: {  	[smem:$0x3F9B] =	sst lr;
	_ =	strace $0xD0000000  }
0x3: {  	_ = 	snop  }
0x4: {  	_ = 	snop  }
0x5: {  	_ = 	snop  }
0x6: {  	_ = 	snop  }
0x7: {  	_ = 	snop  }
__scs_overlays_trampoline_lowered:
0x8: {  	[smem:$0x3FAA] =	sst s0  }
0x9: {  	[smem:$0x3FAB] =	sst s1  }
0xa: {  	[smem:$0x3FAC] =	sst s2  }
0xb: {  	[smem:$0x3FAD] =	sst s3  }
0xc: {  	[smem:$0x3FAE] =	sst s4  }
0xd: {  	[smem:$0x3FAF] =	sst s5  }
0xe: {  	[smem:$0x3FB0] =	sst s6  }
0xf: {  	[smem:$0x3FB1] =	sst s7  }
0x10: {  	[smem:$0x3FB2] =	sst s8  }
0x11: {  	[smem:$0x3FB3] =	sst s9;
	s0 =	simm.s32 @!p0 $0x0  }
0x12: {  	s1 =	sld [smem:$0x3F99];
	s0 =	simm.s32 @p0 $0x1  }
0x13: {  	[smem:$0x3FB4] =	sst s0;
	s0 =	simm.s32 @!p1 $0x0  }
0x14: {  	s2 =	sld [smem:$0x3F98];
	s0 =	simm.s32 @p1 $0x1  }
0x15: {  	[smem:$0x3FB5] =	sst s0;
	s0 =	simm.s32 @!p2 $0x0  }
0x16: {  	s3 =	sld [smem:$0x3FDB];
	s0 =	simm.s32 @p2 $0x1  }
0x17: {  	s4 =	simm.s32 $0x1BF5;
	[smem:$0x3FB7] =	sst s0  }
0x18: {  	s0 =	sld [smem:$0x3F9A];
	_ =	swait.ge [sflag:s4], $0x0  }
0x19: {  	s7 =	sld [smem:$0x3F9B]  }
0x1a: {  	s8 =	sadd.s32 $0xFFFFE003, lr  }
0x1b: {  	s9 =	sadd.s32 $0xFFFFFEF7, lr;
	s5 =	simm.s32 $0xFFFFFFFF;
	p2 =	slt.u32 s8, $0xFFFFF086  }
0x1c: {  	p1 =	slt.u32 s9, $0xF7A;
	s5 =	simm.s32 @!p2 $0x0  }
0x1d: {  	s5 =	simm.s32 @p1 $0x1;
	p0 =	seq.s32 s7, s2  }
0x1e: {  	s7 =	smul.u32 @!p0 $0xF7A, s2;
	p2 =	seq.s32 @!p0 s5, $0x0  }
0x1f: {  	s9 =	smul.u32 $0xF7A, s1;
	s8 =	simm.s32 @!p0 $0x1BF5;
	p2 =	por !p2, p0  }
0x20: {  	[sflag:s8] =	ssyncset.s32 @!p0 $0xFFFFF086;
	s6 =	sadd.s32 @!p0 s3, s7;
	s7 =	simm.s32 @!p0 $0x108  }
0x21: {  	s3 =	sadd.s32 s3, s9;
	s6 =	sadd.s32 @!p0 $0x88, s6;
	s7 =	simm.s32 @p2 $0x1082  }
0x22: {  	[simem:s7], [sflag:s8] =	dma.local @!p0 [hbm:s6], $0xF7A  }
0x23: {  	s9 =	sor.u32 $0xD0000000, s2;
	s6 =	simm.s32 $0x108;
	_ =	swait.ge @!p0 [sflag:s8], $0x0  }
0x24: {  	s3 =	sadd.s32 $0x88, s3;
	s6 =	simm.s32 @!p1 $0x1082;
	[sflag:s4] =	ssyncset.s32 $0xFFFFF086  }
0x25: {  	[simem:s6], [sflag:s4] =	dma.local [hbm:s3], $0xF7A  }
0x26: {  	[smem:$0x3F9B] =	sst s1;
	(tag) =	ssettag s2;
	_ =	strace s9  }
0x27: {  	s1 =	sld [smem:$0x3FAB]  }
0x28: {  	s2 =	sld [smem:$0x3FAC]  }
0x29: {  	s4 =	sld [smem:$0x3FAE]  }
0x2a: {  	p0 =	seq.s32 s5, $0x0;
	s5 =	sld [smem:$0x3FAF]  }
0x2b: {  	s6 =	sld [smem:$0x3FB0]  }
0x2c: {  	s7 =	sld [smem:$0x3FB1]  }
0x2d: {  	s3 =	simm.s32 $0x108;
	s8 =	sld [smem:$0x3FB2]  }
0x2e: {  	s3 =	simm.s32 @!p0 $0x1082;
	s9 =	sld [smem:$0x3FB3]  }
0x2f: {  	lr =	sadd.s32 s0, s3;
	s0 =	sld [smem:$0x3FAA]  }
0x30: {  	s3 =	sld [smem:$0x3FAD]  }
0x31: {  	[smem:$0x3FB6] =	sst s10  }
0x32: {  	s10 =	sld [smem:$0x3FB4];
	_ =	sdelay $0x3  }
0x33: {  	p0 =	seq.s32 s10, $0x1;
	s10 =	sld [smem:$0x3FB6];
	_ =	sdelay $0x3  }
0x34: {  	[smem:$0x3FB6] =	sst s10  }
0x35: {  	s10 =	sld [smem:$0x3FB5];
	_ =	sdelay $0x3  }
0x36: {  	p1 =	seq.s32 s10, $0x1;
	s10 =	sld [smem:$0x3FB6];
	_ =	sdelay $0x3  }
0x37: {  	[smem:$0x3FB6] =	sst s10  }
0x38: {  	s10 =	sld [smem:$0x3FB7]  }
0x39: {  	_ = 	snop;
	(pc) =	sbr.ind lr, $3  }
0x3a: {  	_ = 	snop  }
0x3b: {  	_ = 	snop  }
0x3c: {  	p2 =	seq.s32 s10, $0x1;
	s10 =	sld [smem:$0x3FB6]  }
0x3d: {  	_ =	shalt  }
0x3e: {  	_ =	shalt  }
0x3f: {  	_ =	shalt  }
0x40: {  	_ =	shalt  }
0x41: {  	_ =	shalt  }
0x42: {  	_ =	shalt  }
0x43: {  	_ =	shalt  }
0x44: {  	_ =	shalt  }
0x45: {  	_ =	shalt  }
0x46: {  	_ =	shalt  }
0x47: {  	_ =	shalt  }
0x48: {  	_ =	shalt  }
0x49: {  	_ =	shalt  }
0x4a: {  	_ =	shalt  }
0x4b: {  	_ =	shalt  }
0x4c: {  	_ =	shalt  }
0x4d: {  	_ =	shalt  }
0x4e: {  	_ =	shalt  }
0x4f: {  	_ =	shalt  }
0x50: {  	_ =	shalt  }
0x51: {  	_ =	shalt  }
0x52: {  	_ =	shalt  }
0x53: {  	_ =	shalt  }
0x54: {  	_ =	shalt  }
0x55: {  	_ =	shalt  }
0x56: {  	_ =	shalt  }
0x57: {  	_ =	shalt  }
0x58: {  	_ =	shalt  }
0x59: {  	_ =	shalt  }
0x5a: {  	_ =	shalt  }
0x5b: {  	_ =	shalt  }
0x5c: {  	_ =	shalt  }
0x5d: {  	_ =	shalt  }
0x5e: {  	_ =	shalt  }
0x5f: {  	_ =	shalt  }
0x60: {  	_ =	shalt  }
0x61: {  	_ =	shalt  }
0x62: {  	_ =	shalt  }
0x63: {  	_ =	shalt  }
0x64: {  	_ =	shalt  }
0x65: {  	_ =	shalt  }
0x66: {  	_ =	shalt  }
0x67: {  	_ =	shalt  }
0x68: {  	_ =	shalt  }
0x69: {  	_ =	shalt  }
0x6a: {  	_ =	shalt  }
0x6b: {  	_ =	shalt  }
0x6c: {  	_ =	shalt  }
0x6d: {  	_ =	shalt  }
0x6e: {  	_ =	shalt  }
0x6f: {  	_ =	shalt  }
0x70: {  	_ =	shalt  }
0x71: {  	_ =	shalt  }
0x72: {  	_ =	shalt  }
0x73: {  	_ =	shalt  }
0x74: {  	_ =	shalt  }
0x75: {  	_ =	shalt  }
0x76: {  	_ =	shalt  }
0x77: {  	_ =	shalt  }
0x78: {  	_ =	shalt  }
0x79: {  	_ =	shalt  }
0x7a: {  	_ =	shalt  }
0x7b: {  	_ =	shalt  }
0x7c: {  	_ =	shalt  }
0x7d: {  	_ =	shalt  }
0x7e: {  	_ =	shalt  }
0x7f: {  	_ =	shalt  }
0x80: {  	_ =	shalt  }
0x81: {  	_ =	shalt  }
0x82: {  	_ =	shalt  }
0x83: {  	_ =	shalt  }
0x84: {  	_ =	shalt  }
0x85: {  	_ =	shalt  }
0x86: {  	_ =	shalt  }
0x87: {  	_ =	shalt  }
.Lfunc_end0:
.L_simem_size_0:
called_computation.1_lowered:
.L_overlay_start_0:
0x88: {  	s2 =	sld [smem:$0x3FD9]  }
0x89: {  	s3 =	sld [smem:$0x3FFE];
	_ =	sdelay $0x1  }
0x8a: {  	s1 =	srdreg.scid  }
0x8b: {  	s0 =	sand.u32 $0x1, s1  }
0x8c: {  	s17 =	sshll.u32 s0, $0xA;
	s2 =	sadd.s32 s3, s2  }
0x8d: {  	s2 =	sadd.s32 s2, s17  }
0x8e: {  	[smem:$0x3FC2] =	sst s2  }
0x8f: {  	_ = 	snop  }
0x90: {  	s2 =	sld [smem:$0x3FD0];
	(tm) =	ssettm $0x1  }
0x91: {  	s18 =	sld [smem:$0x3FFB];
	_ =	sdelay $0x3  }
0x92: {  	_ =	strace s18  }
0x93: {  	s3 =	sld [smem:$0x3FFC];
	_ =	sdelay $0x3  }
0x94: {  	_ =	strace s3  }
0x95: {  	s3 =	sld [smem:$0x3FFD];
	_ =	sdelay $0x3  }
0x96: {  	_ =	strace s3  }
0x97: {  	_ =	strace $0x8FFFFFFF  }
0x98: {  	s19 =	sld [smem:$0x3FDB];
	_ =	sdelay $0x1  }
0x99: {  	s4 =	simm.s32 $_scs_section_size  }
0x9a: {  	s5 =	simm.s32 $_size__tile_overlayer_lowered;
	s6 =	simm.s32 $_tile_overlayer_lowered  }
0x9b: {  	s22 =	simm.s32 $0x1BFF;
	s21 =	sshll.u32 s6, $0x1;
	s3 =	sadd.s32 s4, s19  }
0x9c: {  	s7 =	simm.s32 $0x0;
	s20 =	sshll.u32 s5, $0x1;
	s5 =	sadd.s32 s21, s3  }
0x9d: {  	[timem:s7], [sflag:s22] =	dma.local [hbm:s5], s20  }
0x9e: {  	_ =	swait.ge [sflag:s22], s20  }
0x9f: {  	s4 =	ssub.s32 $0x0, s20;
	[sflag:s22] =	ssyncset.done $0x0  }
0xa0: {  	[sflag:s22] =	ssyncadd.s32 s4;
	_ =	sdelay $0x1  }
0xa1: {  	s23 =	simm.s32 $0x1B8B  }
0xa2: {  	_ =	swait.ge [sflag:s23], $0x1  }
0xa3: {  	[sflag:s23] =	ssyncset.done $0x0  }
0xa4: {  	s25 =	simm.s32 $0x1B8E;
	s24 =	sld [smem:$0x3FFE];
	[sflag:s23] =	ssyncadd.s32 $0xFFFFFFFF  }
0xa5: {  	s26 =	simm.s32 $execute0_lowered;
	[smem:$0x3FD2] =	sst s25  }
0xa6: {  	s5 =	sshll.u32 s26, $0x1;
	_ =	strace $0x80000049;
	[dreg:$0x1] =	wrdreg $0xFFFFFFFF  }
0xa7: {  	s28 =	simm.s32 $_size_execute0_lowered;
	s3 =	sadd.s32 s3, s5;
	[dreg:$0x0] =	wrdreg $0x0  }
0xa8: {  	s5 =	sshll.u32 s28, $0x1;
	[dreg:$0x2] =	wrdreg s3  }
0xa9: {  	[dreg:$0x3] =	wrdreg s5  }
0xaa: {  	[dreg:$0x4] =	wrdreg $0xC0  }
0xab: {  	_ =	task [dreg:s7], $0x5FFFF  }
0xac: {  	[dreg:$0x1] =	wrdreg $0xFFFFFFFF  }
0xad: {  	[dreg:$0x0] =	wrdreg $0x60  }
0xae: {  	[dreg:$0x2] =	wrdreg s2  }
0xaf: {  	[dreg:$0x3] =	wrdreg s24  }
0xb0: {  	[dreg:$0x4] =	wrdreg $0x0  }
0xb1: {  	[dreg:$0x5] =	wrdreg $0x9  }
0xb2: {  	_ =	task.clear_ibuf [dreg:s7], $0x6FFFF;
	_ =	strace $0x90000049  }
0xb3: {  	s29 =	simm.s32 $0x9;
	_ =	strace $0x8000004B  }
0xb4: {  	_ =	swait.ge [sflag:s29], $0x1  }
0xb5: {  	[sflag:s29] =	ssyncadd.s32 $0xFFFFFFFF  }
0xb6: {  	_ =	strace $0x9000004B  }
0xb7: {  	_ =	sfence  }
0xb8: {  	s30 =	sld [smem:$0x0];
	_ =	sdelay $0x2  }
0xb9: {  	s31 =	sshll.u32 s1, $0xD;
	s1 =	sshrl.u32 s1, $0x2  }
0xba: {  	s3 =	sand.u32 $0x4000, s31;
	s1 =	sadd.s32 s1, s30  }
0xbb: {  	s0 =	sor.u32 s3, s0;
	s1 =	sshll.u32 s1, $0x11  }
0xbc: {  	s0 =	sor.u32 s1, s0  }
0xbd: {  	s0 =	sadd.s32 $0x8F2B, s0  }
0xbe: {  	[sflag:s0] =	ssyncadd.remote.s32 $0x1  }
0xbf: {  	_ =	sfence.sel $0xFFFF  }
0xc0: {  	[dreg:$0x0] =	wrdreg $0xFFFFFFFF;
	(pc) =	sbr.abs _section_cstart, $3  }
0xc1: {  	[dreg:$0x1] =	wrdreg $0xFFFFFFFF  }
0xc2: {  	_ =	task.clear_ibuf [dreg:s7], $0x2FFFF;
	_ =	strace $0x9FFFFFFF  }
0xc3: {  	(tm) =	ssettm $0x7FFFFFFF  }
tec
execute0_lowered:
.L_overlay_start_1:
0x0: {  	(tag) =	ssettag $0x1  }
0x1: {  	s1 =	rddreg [dreg:$0x0]  }
0x2: {  	s0 =	rddreg [dreg:$0x1]  }
0x3: {  	s2 =	rddreg [dreg:$0x2]  }
0x4: {  	s3 =	srdreg.scid;
	s4 =	simm.s32 $0x0;
	s9 =	stileid.u32  }
0x5: {  	s28 =	simm.s32 $0x8;
	s29 =	simm.s32 $0x9;
	s7 =	smul.u32 $0x14000, s9  }
0x6: {  	s30 =	simm.s32 $0xA;
	s3 =	sand.u32 $0x1, s3;
	s20 =	smul.u32 $0x50000, s9  }
0x7: {  	s31 =	simm.s32 $0x5;
	[smem:$0x7FF] =	sst s4;
	s6 =	smul.u32 $0x140000, s3  }
0x8: {  	s5 =	sshll.u32 s3, $0x4;
	_ =	strace $0x8000004A;
	s3 =	ssub.s32 $0x2, s3  }
0x9: {  	s8 =	sor.u32 s9, s5;
	s5 =	sadd.s32 $0x2800, s0;
	s21 =	sshrl.u32 s3, $0x1  }
0xa: {  	s7 =	sadd.s32 s7, s6;
	s6 =	smul.u32 $0x2710, s8;
	s3 =	ssub.s32 s3, s21  }
0xb: {  	s8 =	sshrl.u32 s20, $0x2;
	s21 =	simm.s32 $0x1E400;
	s7 =	sshrl.u32 s7, $0x3  }
0xc: {  	s10 =	sadd.s32 s8, s2;
	s20 =	smax.u32 s3, $0x1;
	s3 =	simm.s32 $0xB  }
0xd: {  	s0 =	sadd.s32 s7, s0;
	s22 =	sshrl.u32 s6, $0x3;
	s25 =	sadd.s32 $0x2800, s10  }
0xe: {  	s26 =	sadd.s32 $0x5000, s10;
	s14 =	sadd.s32 $0x7800, s10;
	s15 =	sadd.s32 $0xA000, s10  }
0xf: {  	s16 =	sadd.s32 $0xC800, s10;
	s17 =	sadd.s32 $0xF000, s10;
	s18 =	sadd.s32 $0x11800, s10  }
.Ltmp0:
0x10: {  	s7 =	sadd.s32 s5, s22;
	[dreg:$0x7] =	wrdreg s25;
	(pc) =	sbr.rel .LBB2_1-.Ltmp0, $4  }
0x11: {  	[dreg:$0x8] =	wrdreg s26;
	s19 =	sadd.s32 $0x16200, s0;
	s9 =	sadd.s32 $0x9C40, s7  }
0x12: {  	s25 =	simm.s32 $0x14400;
	s23 =	sadd.s32 $0x32, s7;
	[dreg:$0x4] =	wrdreg s9  }
0x13: {  	s26 =	simm.s32 $0x7;
	s24 =	sadd.s32 $0x9C72, s7;
	[dreg:$0x5] =	wrdreg s23  }
0x14: {  	v0 =	vimm.f32 $0.0e+00;
	s0 =	simm.s32 $0x50;
	s22 =	simm.s32 $0x0;
	[dreg:$0x6] =	wrdreg s24  }
.LBB2_11:
0x15: {  	_ =	swait.ge [sflag:s26], $0x2800;
	s8 =	stileid.u32  }
0x16: {  	s9 =	sshrl.u32 s10, $0x3;
	s22 =	sadd.s32 $0x1, s22;
	[sflag:s26] =	ssyncset.done $0x0  }
0x17: {  	s8 =	sshll.u32 s8, $0x6;
	p0 =	sne.s32 s22, s20;
	[sflag:s26] =	ssyncadd.s32 $0xFFFFD800  }
.Ltmp1:
0x18: {  	s8 =	sor.u32 $0x1C0B, s8;
	[bflag:$0x0] =	sbarrier.arrive $0xFFFF;
	(pc) =	sbr.rel @!p0 .LBB2_12-.Ltmp1, $4  }
0x19: {  	[hbm:s19], [sflag:s8] =	dma.local [spmem:s9], $0x2800  }
0x1a: {  	_ =	swait.ge [sflag:s3], $0x2800  }
0x1b: {  	[sflag:s3] =	ssyncset.done $0x0  }
0x1c: {  	[sflag:s3] =	ssyncadd.s32 $0xFFFFD800  }
.LBB2_1:
0x1d: {  	[tilespmem:$0x14380] =	vst v0  }
0x1e: {  	[tilespmem:$0x14390] =	vst v0  }
0x1f: {  	[tilespmem:$0x143A0] =	vst v0  }
0x20: {  	[tilespmem:$0x143B0] =	vst v0  }
0x21: {  	[tilespmem:$0x143C0] =	vst v0  }
0x22: {  	[tilespmem:$0x143D0] =	vst v0  }
0x23: {  	[tilespmem:$0x143E0] =	vst v0  }
0x24: {  	[tilespmem:s21], [sflag:$0x5] =	stream.linear.gather [hbm4b:s7+s4], $0x190, $0x38;
	[tilespmem:$0x1E780] =	vst v63  }
0x25: {  	s8 =	rddreg [dreg:$0x4];
	s9 =	simm.s32 $0x14000  }
0x26: {  	[tilespmem:s9], [sflag:$0x5] =	stream.linear.gather [hbm4b:s8+s4], $0x190, $0x38;
	[tilespmem:$0x1E780] =	vst v63  }
0x27: {  	s12 =	rddreg [dreg:$0x5];
	s13 =	simm.s32 $0x1E590  }
0x28: {  	[tilespmem:s13], [sflag:$0x6] =	stream.linear.gather [hbm4b:s12+s4], $0x190, $0x38;
	[tilespmem:$0x1E780] =	vst v63  }
0x29: {  	s23 =	rddreg [dreg:$0x6];
	s24 =	simm.s32 $0x14190  }
0x2a: {  	[tilespmem:s24], [sflag:$0x6] =	stream.linear.gather [hbm4b:s23+s4], $0x190, $0x38;
	[tilespmem:$0x1E780] =	vst v63  }
0x2b: {  	s8 =	simm.s32 $0x0;
	s23 =	simm.s32 $0x200  }
.LBB2_2:
0x2c: {  	p0 =	sne.s32 s23, $0x9E00;
	[tilespmem:s8+$0x14470] =	vst v0  }
0x2d: {  	[tilespmem:s8+$0x14400] =	vst v0  }
0x2e: {  	[tilespmem:s8+$0x14410] =	vst v0  }
.Ltmp2:
0x2f: {  	[tilespmem:s8+$0x14420] =	vst v0;
	(pc) =	sbr.rel @p0 .LBB2_2-.Ltmp2, $4  }
0x30: {  	[tilespmem:s8+$0x14430] =	vst v0  }
0x31: {  	[tilespmem:s8+$0x14440] =	vst v0  }
0x32: {  	[tilespmem:s8+$0x14450] =	vst v0  }
0x33: {  	[tilespmem:s8+$0x14460] =	vst v0;
	s8 =	sshra.s32 s23, $0x2;
	s23 =	sadd.s32 $0x200, s23  }
0x34: {  	[tilespmem:s8+$0x14470] =	vst v0  }
0x35: {  	[tilespmem:s8+$0x14400] =	vst v0  }
0x36: {  	[tilespmem:s8+$0x14410] =	vst v0  }
0x37: {  	[tilespmem:s8+$0x14420] =	vst v0  }
0x38: {  	[tilespmem:s8+$0x14430] =	vst v0  }
0x39: {  	[tilespmem:s8+$0x14440] =	vst v0  }
0x3a: {  	[tilespmem:s8+$0x14450] =	vst v0  }
0x3b: {  	[tilespmem:s8+$0x14460] =	vst v0  }
0x3c: {  	[spmem:s10] =	stream.linear.scatter [tilespmem:s25], [sflag:$0x7], $0x2800, $0x38;
	[tilespmem:$0x1E780] =	vst v63  }
0x3d: {  	s11 =	rddreg [dreg:$0x7]  }
0x3e: {  	[spmem:s11] =	stream.linear.scatter [tilespmem:s25], [sflag:$0x8], $0x2800, $0x38;
	[tilespmem:$0x1E780] =	vst v63  }
0x3f: {  	s12 =	rddreg [dreg:$0x8]  }
0x40: {  	[spmem:s12] =	stream.linear.scatter [tilespmem:s25], [sflag:$0x9], $0x2800, $0x38;
	[tilespmem:$0x1E780] =	vst v63  }
0x41: {  	_ = 	snop  }
0x42: {  	[spmem:s14] =	stream.linear.scatter [tilespmem:s25], [sflag:$0xA], $0x2800, $0x38;
	[tilespmem:$0x1E780] =	vst v63  }
0x43: {  	_ = 	snop  }
0x44: {  	[spmem:s15] =	stream.linear.scatter [tilespmem:s25], [sflag:$0x7], $0x2800, $0x38;
	[tilespmem:$0x1E780] =	vst v63  }
0x45: {  	_ = 	snop  }
0x46: {  	[spmem:s16] =	stream.linear.scatter [tilespmem:s25], [sflag:$0x8], $0x2800, $0x38;
	[tilespmem:$0x1E780] =	vst v63  }
0x47: {  	_ = 	snop  }
0x48: {  	[spmem:s17] =	stream.linear.scatter [tilespmem:s25], [sflag:$0x9], $0x2800, $0x38;
	[tilespmem:$0x1E780] =	vst v63  }
0x49: {  	_ = 	snop  }
0x4a: {  	[spmem:s18] =	stream.linear.scatter [tilespmem:s25], [sflag:$0xA], $0x2800, $0x38;
	[tilespmem:$0x1E780] =	vst v63  }
0x4b: {  	_ =	swait.ge [sflag:s26], $0x2800  }
0x4c: {  	[sflag:s26] =	ssyncset.done $0x0  }
0x4d: {  	[sflag:s26] =	ssyncadd.s32 $0xFFFFD800  }
0x4e: {  	_ =	swait.ge [sflag:s28], $0x2800  }
0x4f: {  	[sflag:s28] =	ssyncset.done $0x0  }
0x50: {  	[sflag:s28] =	ssyncadd.s32 $0xFFFFD800  }
0x51: {  	_ =	swait.ge [sflag:s29], $0x2800  }
0x52: {  	[sflag:s29] =	ssyncset.done $0x0  }
0x53: {  	[sflag:s29] =	ssyncadd.s32 $0xFFFFD800  }
0x54: {  	_ =	swait.ge [sflag:s30], $0x2800  }
0x55: {  	[sflag:s30] =	ssyncset.done $0x0  }
0x56: {  	[sflag:s30] =	ssyncadd.s32 $0xFFFFD800  }
0x57: {  	_ =	swait.ge [sflag:s26], $0x2800  }
0x58: {  	[sflag:s26] =	ssyncset.done $0x0  }
0x59: {  	[sflag:s26] =	ssyncadd.s32 $0xFFFFD800  }
0x5a: {  	_ =	swait.ge [sflag:s28], $0x2800  }
0x5b: {  	[sflag:s28] =	ssyncset.done $0x0  }
0x5c: {  	[sflag:s28] =	ssyncadd.s32 $0xFFFFD800  }
0x5d: {  	_ =	swait.ge [sflag:s29], $0x2800  }
0x5e: {  	[sflag:s29] =	ssyncset.done $0x0  }
0x5f: {  	[sflag:s29] =	ssyncadd.s32 $0xFFFFD800  }
0x60: {  	_ =	swait.ge [sflag:s30], $0x2800  }
0x61: {  	[sflag:s30] =	ssyncset.done $0x0  }
0x62: {  	[sflag:s30] =	ssyncadd.s32 $0xFFFFD800  }
0x63: {  	_ =	swait.ge [sflag:s31], $0x190  }
0x64: {  	[sflag:s31] =	ssyncset.done $0x0  }
0x65: {  	[sflag:s31] =	ssyncadd.s32 $0xFFFFFE70  }
0x66: {  	_ =	swait.ge [sflag:s31], $0x190  }
0x67: {  	[sflag:s31] =	ssyncset.done $0x0  }
0x68: {  	[sflag:s31] =	ssyncadd.s32 $0xFFFFFE70  }
0x69: {  	[tilespmem:s25], [sflag:$0x1] =	stream.indirect.gather [hbm4b:s1+s0], $0x80, s21, s0, $0xb8;
	[tilespmem:$0x1E780] =	vst v63  }
0x6a: {  	s13 =	simm.s32 $0x1E450;
	s9 =	simm.s32 $0x16C00  }
0x6b: {  	[tilespmem:s9], [sflag:$0x2] =	stream.indirect.gather [hbm4b:s1+s0], $0x80, s13, s0, $0xb8;
	[tilespmem:$0x1E780] =	vst v63  }
0x6c: {  	s23 =	simm.s32 $0x1E4A0;
	s24 =	simm.s32 $0x19400  }
0x6d: {  	[tilespmem:s24], [sflag:$0x3] =	stream.indirect.gather [hbm4b:s1+s0], $0x80, s23, s0, $0xb8;
	[tilespmem:$0x1E780] =	vst v63  }
0x6e: {  	s23 =	simm.s32 $0x0;
	[bflag:$0x0] =	sbarrier.arrive $0xFFFF  }
.LBB2_4:
0x6f: {  	s8 =	smul.u32 $0xCD, s23;
	_ =	sdelay $0x1  }
0x70: {  	s8 =	sshrl.u32 s8, $0xA  }
0x71: {  	s24 =	sand.u32 $0x3F, s8  }
0x72: {  	s8 =	smul.u32 $0x5, s24  }
0x73: {  	s11 =	sadd.s32 $0xFFFFFFFF, s23  }
0x74: {  	p1 =	sgt.u32 s11, $0x76;
	s8 =	ssub.s32 s23, s8  }
0x75: {  	s11 =	sand.u32 @!p1 $0xFF, s8  }
0x76: {  	p0 =	seq.s32 s23, $0x0;
	p2 =	sne.s32 @!p1 s11, $0x0  }
0x77: {  	s9 =	sadd.s32 @!p0 $0xFFFFFFFF, s23;
	p1 =	por p1, p2  }
.Ltmp3:
0x78: {  	s9 =	sand.u32 @!p0 $0x3, s9;
	(pc) =	sbr.rel @p1 .LBB2_6-.Ltmp3, $4  }
0x79: {  	s9 =	sadd.s32 @!p0 $0x7, s9  }
0x7a: {  	_ =	swait.ge @!p0 [sflag:s9], $0x2800  }
0x7b: {  	[sflag:s9] =	ssyncset.done @!p0 $0x0  }
0x7c: {  	[sflag:s9] =	ssyncadd.s32 @!p0 $0xFFFFD800;
	s9 =	sadd.s32 $0x1, s24  }
0x7d: {  	s11 =	smul.u32 $0x190, s9  }
0x7e: {  	s13 =	sand.u32 $0x1, s9  }
0x7f: {  	s12 =	smul.u32 $0x190, s13;
	s11 =	sadd.s32 s6, s11  }
.Ltmp4:
0x80: {  	s11 =	sshrl.u32 s11, $0x3;
	(pc) =	sbr.rel .LBB2_9-.Ltmp4, $4  }
0x81: {  	s9 =	sadd.s32 $0x5, s13;
	s13 =	sor.u32 $0x1E400, s12;
	s11 =	sadd.s32 s5, s11  }
0x82: {  	[tilespmem:s13], [sflag:s9] =	stream.linear.gather [hbm4b:s11+s4], $0x190, $0x38;
	[tilespmem:$0x1E780] =	vst v63  }
0x83: {  	s12 =	sor.u32 $0x14000, s12;
	s11 =	sadd.s32 $0x9C40, s11  }
0x84: {  	[tilespmem:s12], [sflag:s9] =	stream.linear.gather [hbm4b:s11+s4], $0x190, $0x38;
	[tilespmem:$0x1E780] =	vst v63  }
.LBB2_6:
0x85: {  	p0 =	sgt.u32 s23, $0x79  }
0x86: {  	s11 =	sand.u32 @!p0 $0xFF, s8  }
0x87: {  	p1 =	sne.s32 @!p0 s11, $0x2  }
0x88: {  	p1 =	por p0, p1  }
.Ltmp5:
0x89: {  	_ = 	snop;
	(pc) =	sbr.rel @p1 .LBB2_8-.Ltmp5, $1  }
0x8a: {  	_ =	sdelay $0x3  }
0x8b: {  	s9 =	sand.u32 $0x1, s9  }
0x8c: {  	s9 =	sadd.s32 $0x5, s9  }
0x8d: {  	_ =	swait.ge [sflag:s9], $0x190  }
0x8e: {  	[sflag:s9] =	ssyncset.done $0x0  }
0x8f: {  	[sflag:s9] =	ssyncadd.s32 $0xFFFFFE70  }
0x90: {  	_ =	swait.ge [sflag:s9], $0x190  }
0x91: {  	[sflag:s9] =	ssyncset.done $0x0  }
0x92: {  	[sflag:s9] =	ssyncadd.s32 $0xFFFFFE70  }
.LBB2_9:
0x93: {  	s9 =	sadd.s32 $0x3, s23  }
0x94: {  	s11 =	smul.u32 $0xCD, s9;
	_ =	sdelay $0x1  }
0x95: {  	s11 =	sshrl.u32 s11, $0xA  }
0x96: {  	s12 =	sand.u32 $0x3F, s11  }
0x97: {  	s12 =	smul.u32 $0x5, s12;
	_ =	sdelay $0x1  }
0x98: {  	s12 =	ssub.s32 s9, s12  }
0x99: {  	s12 =	sand.u32 $0xFF, s12  }
0x9a: {  	s11 =	sand.u32 $0x1, s11;
	s9 =	sand.u32 $0x3, s9;
	s12 =	smul.u32 $0x140, s12  }
0x9b: {  	p0 =	seq.s32 s11, $0x1;
	s11 =	simm.s32 $0x190;
	s13 =	smul.u32 $0xA000, s9  }
0x9c: {  	s11 =	simm.s32 @!p0 $0x0;
	s12 =	sshrl.u32 s12, $0x2  }
0x9d: {  	s13 =	sshrl.u32 s13, $0x2;
	s11 =	sadd.s32 s12, s11  }
0x9e: {  	s9 =	sadd.s32 $0x1, s9;
	s13 =	sadd.s32 $0x14400, s13;
	s11 =	sadd.s32 $0x1E400, s11  }
0x9f: {  	[tilespmem:s13], [sflag:s9] =	stream.indirect.gather [hbm4b:s1+s0], $0x80, s11, s0, $0xb8;
	[tilespmem:$0x1E780] =	vst v63  }
.LBB2_10:
0xa0: {  	s9 =	sand.u32 $0x3, s23  }
0xa1: {  	s8 =	sand.u32 $0xFF, s8;
	s12 =	sand.u32 $0x1, s24;
	s23 =	sadd.s32 $0x1, s23  }
0xa2: {  	s11 =	smul.u32 $0xA000, s9;
	p0 =	seq.s32 s12, $0x1;
	s12 =	simm.s32 $0x190  }
0xa3: {  	s8 =	smul.u32 $0x140, s8;
	s12 =	simm.s32 @!p0 $0x0;
	p0 =	sne.s32 s23, $0x7D  }
.Ltmp6:
0xa4: {  	s13 =	sadd.s32 $0x1, s9;
	s9 =	sadd.s32 $0x7, s9;
	(pc) =	sbr.rel @p0 .LBB2_4-.Ltmp6, $4  }
.Ltmp7:
0xa5: {  	_ =	swait.ge [sflag:s13], $0x2800;
	s8 =	sshrl.u32 s8, $0x2;
	(pc) =	sbr.rel @!p0 .LBB2_11-.Ltmp7, $4  }
0xa6: {  	s11 =	sshrl.u32 s11, $0x2;
	[sflag:s13] =	ssyncset.done $0x0;
	s8 =	sadd.s32 s8, s12  }
0xa7: {  	s11 =	sadd.s32 $0x14400, s11;
	[sflag:s13] =	ssyncadd.s32 $0xFFFFD800;
	s8 =	sadd.s32 $0x14000, s8  }
0xa8: {  	[spmem:s2] =	stream.indirect.scatter.add.f32 [tilespmem:s11], [sflag:s9], $0x80, s8, s0, $0xb8;
	[tilespmem:$0x1E780] =	vst v63  }
0xa9: {  	_ = 	snop  }
.LBB2_8:
.Ltmp8:
0xaa: {  	(pc) =	sbr.rel @p0 .LBB2_10-.Ltmp8, $4  }
.Ltmp9:
0xab: {  	(pc) =	sbr.rel @!p0 .LBB2_9-.Ltmp9, $4  }
0xac: {  	_ = 	snop  }
0xad: {  	_ = 	snop  }
0xae: {  	_ = 	snop  }
0xaf: {  	_ = 	snop  }
.LBB2_12:
0xb0: {  	_ =	sfence.sel $0x180000  }
0xb1: {  	[bflag:$0x0] =	sbarrier.arrive $0xFFFF  }
0xb2: {  	_ =	strace $0x9000004A  }
0xb3: {  	s0 =	stileid.u32;
	[bflag:$0x2] =	sbarrier.arrive $0xFFFF  }
0xb4: {  	p0 =	sne.s32 s0, $0x0;
	s0 =	rddreg [dreg:$0x3]  }
0xb5: {  	s0 =	sadd.s32 @!p0 $0x100000, s0  }
0xb6: {  	[sflag:s0] =	ssyncadd.tile.s32 @!p0 $0x1;
	_ =	shalt  }
.Lfunc_end2:
_tile_overlayer_lowered:
.L_overlay_start_2:
0xb7: {  	(tag) =	ssettag $0x2  }
0xb8: {  	s0 =	rddreg [dreg:$0x0];
	s2 =	stileid.u32  }
0xb9: {  	s1 =	rddreg [dreg:$0x1];
	p0 =	sne.s32 s2, $0x0  }
0xba: {  	s3 =	rddreg [dreg:$0x2];
	[bflag:$0x3] =	sbarrier.arrive $0xFFFF;
	s2 =	simm.s32 @!p0 $0x1C0B  }
0xbb: {  	[timem:s3], [sflag:s2] =	dma.local @!p0 [hbm:s0], s1  }
0xbc: {  	s0 =	simm.s32 @!p0 $0xB  }
0xbd: {  	_ =	swait.ge @!p0 [sflag:s0], s1  }
0xbe: {  	s1 =	ssub.s32 @!p0 $0x0, s1;
	[sflag:s0] =	ssyncset.done @!p0 $0x0  }
0xbf: {  	[sflag:s0] =	ssyncadd.s32 @!p0 s1  }
0xc0: {  	[bflag:$0x3] =	sbarrier.arrive $0xFFFF  }
0xc1: {  	_ =	shalt  }

</sc_bundles>
